<compile_context>
chip_gen: v7x
topology: tpu7x:2x2x1
jax: 0.10.2.dev20260603
libtpu: 0.0.44.dev20260713+nightly
codegen_flags: <defaults>
</compile_context>

<pallas_src>
import functools

import jax
import jax.numpy as jnp
from jax import lax
from jax.experimental import pallas as pl
from jax.experimental.pallas import tpu as pltpu
from jax.experimental.pallas import tpu_sc as plsc

N = 320000
D = 128
B = 64

NUM_CORES = 2
NUM_SUBCORES = 16
NUM_WORKERS = NUM_CORES * NUM_SUBCORES
LANES = 16
GROUPS_PER_CHUNK = 10
CHUNK_ROWS = GROUPS_PER_CHUNK * LANES
SC_CHUNKS = 35
SC_ROWS_PER_WORKER = SC_CHUNKS * CHUNK_ROWS
NS = SC_ROWS_PER_WORKER * NUM_WORKERS
NT = N - NS
TC_R = 2560
TC_NB = NT // TC_R
D_UNROLL = 32
D_OUTER = D // D_UNROLL


def _sc_partials(pred, tgt, bidx, flag):
    mesh = plsc.VectorSubcoreMesh(core_axis_name="c", subcore_axis_name="s")

    @functools.partial(
        pl.kernel,
        mesh=mesh,
        compiler_params=pltpu.CompilerParams(needs_layout_passes=False),
        out_type=(
            jax.ShapeDtypeStruct((NUM_WORKERS, B, LANES), jnp.float32),
            jax.ShapeDtypeStruct((NUM_WORKERS, B, LANES), jnp.float32),
        ),
        scratch_types=[
            pltpu.VMEM((CHUNK_ROWS, D), jnp.float32),
            pltpu.VMEM((CHUNK_ROWS, D), jnp.float32),
            pltpu.VMEM((CHUNK_ROWS, D), jnp.float32),
            pltpu.VMEM((CHUNK_ROWS, D), jnp.float32),
            pltpu.VMEM((SC_ROWS_PER_WORKER,), jnp.int32),
            pltpu.VMEM((SC_ROWS_PER_WORKER,), jnp.float32),
            pltpu.VMEM((B, LANES), jnp.float32),
            pltpu.VMEM((B, LANES), jnp.float32),
            pltpu.SemaphoreType.DMA,
            pltpu.SemaphoreType.DMA,
            pltpu.SemaphoreType.DMA,
            pltpu.SemaphoreType.DMA,
        ],
    )
    def k(pred_hbm, tgt_hbm, bidx_hbm, flag_hbm, num_out, cnt_out,
          pbuf0, pbuf1, tbuf0, tbuf1, bbuf, fbuf, tab_num, tab_cnt,
          semp0, semp1, semt0, semt1):
        wid = lax.axis_index("c") * NUM_SUBCORES + lax.axis_index("s")
        row0 = NT + wid * SC_ROWS_PER_WORKER
        iota = lax.iota(jnp.int32, LANES)
        zeros = jnp.zeros((LANES,), jnp.float32)

        pltpu.sync_copy(bidx_hbm.at[pl.ds(row0, SC_ROWS_PER_WORKER)], bbuf)
        pltpu.sync_copy(flag_hbm.at[pl.ds(row0, SC_ROWS_PER_WORKER)], fbuf)

        def zero_body(r, _):
            tab_num[r] = zeros
            tab_cnt[r] = zeros
            return _
        lax.fori_loop(0, B, zero_body, 0)

        def start(c, pb, tb, semp, semt):
            rbase = row0 + c * CHUNK_ROWS
            pltpu.async_copy(pred_hbm.at[pl.ds(rbase, CHUNK_ROWS)], pb, semp)
            pltpu.async_copy(tgt_hbm.at[pl.ds(rbase, CHUNK_ROWS)], tb, semt)

        def drain(pb, tb, semp, semt):
            pltpu.make_async_copy(
                pred_hbm.at[pl.ds(0, CHUNK_ROWS)], pb, semp).wait()
            pltpu.make_async_copy(
                tgt_hbm.at[pl.ds(0, CHUNK_ROWS)], tb, semt).wait()

        def compute(c, pb, tb):
            def group_body(gi, _):
                g = c * GROUPS_PER_CHUNK + gi
                bidx16 = bbuf[pl.ds(g * LANES, LANES)]
                flag16 = fbuf[pl.ds(g * LANES, LANES)]
                rowvec = iota + gi * LANES

                def d_body(dd, accs):
                    a0, a1, a2, a3 = accs
                    rot = iota + dd * D_UNROLL
                    for j in range(0, D_UNROLL, 4):
                        for q in range(4):
                            col = (rot + j + q) & (D - 1)
                            pv = plsc.load_gather(pb, [rowvec, col])
                            tv = plsc.load_gather(tb, [rowvec, col])
                            df = pv - tv
                            if q == 0:
                                a0 = a0 + df * df
                            elif q == 1:
                                a1 = a1 + df * df
                            elif q == 2:
                                a2 = a2 + df * df
                            else:
                                a3 = a3 + df * df
                    return (a0, a1, a2, a3)
                a0, a1, a2, a3 = lax.fori_loop(
                    0, D_OUTER, d_body, (zeros, zeros, zeros, zeros))
                mse = (a0 + a1) + (a2 + a3)

                plsc.addupdate_scatter(tab_num, [bidx16, iota], mse * flag16)
                plsc.addupdate_scatter(tab_cnt, [bidx16, iota], flag16)
                return _
            lax.fori_loop(0, GROUPS_PER_CHUNK, group_body, 0)

        start(0, pbuf0, tbuf0, semp0, semt0)

        def pair_body(p, _):
            c0 = 2 * p
            start(c0 + 1, pbuf1, tbuf1, semp1, semt1)
            drain(pbuf0, tbuf0, semp0, semt0)
            compute(c0, pbuf0, tbuf0)
            start(c0 + 2, pbuf0, tbuf0, semp0, semt0)
            drain(pbuf1, tbuf1, semp1, semt1)
            compute(c0 + 1, pbuf1, tbuf1)
            return _
        lax.fori_loop(0, (SC_CHUNKS - 1) // 2, pair_body, 0)

        drain(pbuf0, tbuf0, semp0, semt0)
        compute(SC_CHUNKS - 1, pbuf0, tbuf0)

        pltpu.sync_copy(tab_num, num_out.at[wid])
        pltpu.sync_copy(tab_cnt, cnt_out.at[wid])

    return k(pred, tgt, bidx, flag)


def _tc_rows_body(pred_ref, tgt_ref, bidx_ref, flag_ref, num_ref, cnt_ref):
    i = pl.program_id(0)

    @pl.when(i == 0)
    def _init():
        num_ref[...] = jnp.zeros_like(num_ref)
        cnt_ref[...] = jnp.zeros_like(cnt_ref)

    diff = pred_ref[...] - tgt_ref[...]
    sq = diff * diff
    mse_col = jnp.sum(sq, axis=1, keepdims=True)
    mse_row = jnp.transpose(mse_col)
    b_row = bidx_ref[0]
    flag_row = flag_ref[0]
    iota2 = lax.broadcasted_iota(jnp.int32, (B, TC_R), 0)
    ohf = jnp.where(b_row == iota2, flag_row, 0.0)
    num_ref[...] += jnp.sum(ohf * mse_row, axis=1)
    cnt_ref[...] += jnp.sum(ohf, axis=1)


def _tc_rows(pred, tgt, bidx_tc, flag_tc):
    return pl.pallas_call(
        _tc_rows_body,
        grid=(TC_NB,),
        in_specs=[
            pl.BlockSpec((TC_R, D), lambda i: (i, 0)),
            pl.BlockSpec((TC_R, D), lambda i: (i, 0)),
            pl.BlockSpec((1, 1, TC_R), lambda i: (i, 0, 0)),
            pl.BlockSpec((1, 1, TC_R), lambda i: (i, 0, 0)),
        ],
        out_specs=[
            pl.BlockSpec((B,), lambda i: (0,)),
            pl.BlockSpec((B,), lambda i: (0,)),
        ],
        out_shape=[
            jax.ShapeDtypeStruct((B,), jnp.float32),
            jax.ShapeDtypeStruct((B,), jnp.float32),
        ],
    )(pred, tgt, bidx_tc, flag_tc)


def _tc_combine_body(nump_ref, cntp_ref, numt_ref, cntt_ref, out_ref):
    num = jnp.sum(jnp.sum(nump_ref[...], axis=2), axis=0) + numt_ref[...]
    cnt = jnp.sum(jnp.sum(cntp_ref[...], axis=2), axis=0) + cntt_ref[...]
    loss = num / jnp.maximum(cnt, 1.0)
    out_ref[...] = jnp.mean(loss).reshape(1, 1)


@jax.jit
def kernel(pred, tgt, t, gen_flag, batch_idx, sigmas):
    del t, sigmas
    bidx = batch_idx.astype(jnp.int32)
    flag = gen_flag.astype(jnp.float32)
    bidx_tc = bidx[:NT].reshape(TC_NB, 1, TC_R)
    flag_tc = flag[:NT].reshape(TC_NB, 1, TC_R)

    num_parts, cnt_parts = _sc_partials(pred, tgt, bidx, flag)
    num_tc, cnt_tc = _tc_rows(pred, tgt, bidx_tc, flag_tc)

    out = pl.pallas_call(
        _tc_combine_body,
        out_shape=jax.ShapeDtypeStruct((1, 1), jnp.float32),
    )(num_parts, cnt_parts, num_tc, cnt_tc)
    return out[0, 0]

# --- scband reference (transcript-rebuilt; emitter-appended) ---
"""Pipeline reference for scband-ctnvescheduler-29618094473603 (READ-ONLY COPY).

The authoritative reference and input builder live on the scoring server;
editing this copy changes nothing except your own understanding.
"""

import jax, jax.numpy as jnp
import numpy as np

NUM_TIMESTEP = 1000
SIGMA_MIN = 0.01
SIGMA_MAX = 50.0
N = 320000
D = 128
B = 64


def setup_inputs(seed: int = 0) -> dict:
    key = jax.random.key(seed)
    k1, k2, k3, k4, k5 = jax.random.split(key, 5)
    pred = jax.random.normal(k1, (N, D), dtype=jnp.float32)
    tgt = jax.random.normal(k2, (N, D), dtype=jnp.float32)
    t = jax.random.randint(k3, (B,), 0, NUM_TIMESTEP + 1).astype(jnp.int64)
    gen_flag = jax.random.randint(k4, (N,), 0, 2).astype(jnp.bool_)
    batch_idx = jnp.sort(jax.random.randint(k5, (N,), 0, B)).astype(jnp.int64)
    # buffer: log-spaced VE sigmas, length num_timestep + 1
    sigmas = jnp.exp(jnp.linspace(np.log(SIGMA_MIN), np.log(SIGMA_MAX), NUM_TIMESTEP + 1)).astype(jnp.float32)
    return {"pred": pred, "tgt": tgt, "t": t, "gen_flag": gen_flag, "batch_idx": batch_idx, "sigmas": sigmas}


def reference(pred, tgt, t, gen_flag, batch_idx, sigmas):
    # CTNVEScheduler.get_score_loss with score_in=False
    sig_t = jnp.take(sigmas, t, axis=0)            # [B]
    sigma = jnp.take(sig_t, batch_idx, axis=0)[:, None]  # [N, 1] (broadcast of expand_as)
    noise = tgt                                    # score_in=False branch
    mse = jnp.sum((pred - noise) ** 2, axis=-1)    # [N]
    flag = gen_flag.astype(pred.dtype)             # [N]
    # scatter_mean(mse[gen_flag], batch_idx[gen_flag]) == masked per-segment mean
    num = jax.ops.segment_sum(mse * flag, batch_idx, num_segments=B)
    cnt = jax.ops.segment_sum(flag, batch_idx, num_segments=B)
    loss = num / jnp.maximum(cnt, 1.0)             # empty segments -> 0, like torch_scatter
    return jnp.mean(loss)

if __name__ == "__main__":
    import jax
    _d = setup_inputs()
    print(jax.jit(kernel)(*tuple(_d.values())))

</pallas_src>

<mosaic_0001>
#map = affine_map<(d0, d1) -> (0, 0)>
#map1 = affine_map<(d0, d1) -> (0)>
#map2 = affine_map<(d0, d1) -> (0, 0, 0)>
module attributes {stable_mosaic.version = 14 : i64} {
  func.func @k(%arg0: i32, %arg1: i32, %arg2: memref<320000x128xf32, #tpu.memory_space<hbm>>, %arg3: memref<320000x128xf32, #tpu.memory_space<hbm>>, %arg4: memref<320000xi32, #tpu.memory_space<hbm>>, %arg5: memref<320000xf32, #tpu.memory_space<hbm>>, %arg6: memref<32x64x16xf32, #tpu.memory_space<hbm>>, %arg7: memref<32x64x16xf32, #tpu.memory_space<hbm>>, %arg8: memref<160x128xf32, #tpu.memory_space<vmem>>, %arg9: memref<160x128xf32, #tpu.memory_space<vmem>>, %arg10: memref<160x128xf32, #tpu.memory_space<vmem>>, %arg11: memref<160x128xf32, #tpu.memory_space<vmem>>, %arg12: memref<5600xi32, #tpu.memory_space<vmem>>, %arg13: memref<5600xf32, #tpu.memory_space<vmem>>, %arg14: memref<64x16xf32, #tpu.memory_space<vmem>>, %arg15: memref<64x16xf32, #tpu.memory_space<vmem>>, %arg16: memref<!tpu.dma_semaphore, #tpu.memory_space<semaphore_mem>>, %arg17: memref<!tpu.dma_semaphore, #tpu.memory_space<semaphore_mem>>, %arg18: memref<!tpu.dma_semaphore, #tpu.memory_space<semaphore_mem>>, %arg19: memref<!tpu.dma_semaphore, #tpu.memory_space<semaphore_mem>>) attributes {dimension_semantics = [#tpu.dimension_semantics<core_parallel>, #tpu.dimension_semantics<subcore_parallel>], iteration_bounds = array<i64: 2, 16>, scalar_prefetch = 0 : i64, scratch_operands = 12 : i64, tpu.core_type = #tpu.core_type<sc_vector_subcore>, window_params = [{transform_indices = #map}, {transform_indices = #map}, {transform_indices = #map1}, {transform_indices = #map1}, {transform_indices = #map2}, {transform_indices = #map2}]} {
    %mul3A = arith.constant 16 : i32
    %mul3A_0 = arith.muli %arg0, %mul3A : i32
    %add3A = arith.addi %mul3A_0, %arg1 : i32
    %mul3A_1 = arith.constant 5600 : i32
    %mul3A_2 = arith.muli %add3A, %mul3A_1 : i32
    %add3A_3 = arith.constant 140800 : i32
    %add3A_4 = arith.addi %add3A_3, %mul3A_2 : i32
    %iota3A = tpu.iota {dimensions = array<i32: 0>} : vector<16xi32>
    %broadcast_in_dim3A = arith.constant 0.000000e+00 : f32
    %broadcast_in_dim3A_5 = vector.broadcast %broadcast_in_dim3A : f32 to vector<16xf32>
    "tpu.region"() ({
      %run_scoped3A = tpu.sem_alloc : memref<!tpu.dma_semaphore, #tpu.memory_space<semaphore_mem>>
      %dma_start3A_43 = tpu.memref_slice %arg4[%add3A_4] : memref<320000xi32, #tpu.memory_space<hbm>> -> memref<5600xi32, #tpu.memory_space<hbm>>
      %dma_start3A_44 = tpu.memref_slice %arg4[%add3A_4] : memref<320000xi32, #tpu.memory_space<hbm>> -> memref<5600xi32, #tpu.memory_space<hbm>>
      tpu.enqueue_dma source(%dma_start3A_44 : memref<5600xi32, #tpu.memory_space<hbm>>) target(%arg12 : memref<5600xi32, #tpu.memory_space<vmem>>) target_semaphore(%run_scoped3A : memref<!tpu.dma_semaphore, #tpu.memory_space<semaphore_mem>>)
      %dma_wait3A_45 = tpu.memref_slice %arg4[%add3A_4] : memref<320000xi32, #tpu.memory_space<hbm>> -> memref<5600xi32, #tpu.memory_space<hbm>>
      %dma_wait3A_46 = tpu.memref_slice %arg4[%add3A_4] : memref<320000xi32, #tpu.memory_space<hbm>> -> memref<5600xi32, #tpu.memory_space<hbm>>
      tpu.wait_dma2 semaphore(%run_scoped3A : memref<!tpu.dma_semaphore, #tpu.memory_space<semaphore_mem>>) src(%dma_wait3A_46 : memref<5600xi32, #tpu.memory_space<hbm>>) dst(%arg12 : memref<5600xi32, #tpu.memory_space<vmem>>)
      tpu.yield
    }) : () -> ()
    "tpu.region"() ({
      %run_scoped3A = tpu.sem_alloc : memref<!tpu.dma_semaphore, #tpu.memory_space<semaphore_mem>>
      %dma_start3A_43 = tpu.memref_slice %arg5[%add3A_4] : memref<320000xf32, #tpu.memory_space<hbm>> -> memref<5600xf32, #tpu.memory_space<hbm>>
      %dma_start3A_44 = tpu.memref_slice %arg5[%add3A_4] : memref<320000xf32, #tpu.memory_space<hbm>> -> memref<5600xf32, #tpu.memory_space<hbm>>
      tpu.enqueue_dma source(%dma_start3A_44 : memref<5600xf32, #tpu.memory_space<hbm>>) target(%arg13 : memref<5600xf32, #tpu.memory_space<vmem>>) target_semaphore(%run_scoped3A : memref<!tpu.dma_semaphore, #tpu.memory_space<semaphore_mem>>)
      %dma_wait3A_45 = tpu.memref_slice %arg5[%add3A_4] : memref<320000xf32, #tpu.memory_space<hbm>> -> memref<5600xf32, #tpu.memory_space<hbm>>
      %dma_wait3A_46 = tpu.memref_slice %arg5[%add3A_4] : memref<320000xf32, #tpu.memory_space<hbm>> -> memref<5600xf32, #tpu.memory_space<hbm>>
      tpu.wait_dma2 semaphore(%run_scoped3A : memref<!tpu.dma_semaphore, #tpu.memory_space<semaphore_mem>>) src(%dma_wait3A_46 : memref<5600xf32, #tpu.memory_space<hbm>>) dst(%arg13 : memref<5600xf32, #tpu.memory_space<vmem>>)
      tpu.yield
    }) : () -> ()
    %scan3A = arith.constant 0 : i32
    %scan3A_6 = arith.constant 0 : i32
    %scan3A_7 = arith.constant 64 : i32
    %scan3A_8 = arith.addi %scan3A_6, %scan3A_7 : i32
    %scan3A_9 = arith.constant 1 : i32
    scf.for %scan3A_43 = %scan3A_6 to %scan3A_8 step %scan3A_9  : i32 {
      %swap3A = arith.index_cast %scan3A_43 : i32 to index
      %swap3A_44 = arith.constant 0 : index
      %swap3A_45 = tpu.vector_load %arg14[%swap3A, %swap3A_44] {strides = array<i32>} : memref<64x16xf32, #tpu.memory_space<vmem>>, vector<16xf32>,
      tpu.vector_store %arg14[%swap3A, %swap3A_44], %broadcast_in_dim3A_5 {strides = array<i32>} : memref<64x16xf32, #tpu.memory_space<vmem>>, vector<16xf32>,
      %swap3A_46 = arith.index_cast %scan3A_43 : i32 to index
      %swap3A_47 = arith.constant 0 : index
      %swap3A_48 = tpu.vector_load %arg15[%swap3A_46, %swap3A_47] {strides = array<i32>} : memref<64x16xf32, #tpu.memory_space<vmem>>, vector<16xf32>,
      tpu.vector_store %arg15[%swap3A_46, %swap3A_47], %broadcast_in_dim3A_5 {strides = array<i32>} : memref<64x16xf32, #tpu.memory_space<vmem>>, vector<16xf32>,
    }
    %scan3A_10 = arith.constant 64 : i32
    %add3A_11 = arith.constant 0 : i32
    %add3A_12 = arith.addi %add3A_4, %add3A_11 : i32
    %dma_start3A = arith.constant 0 : i32
    %dma_start3A_13 = tpu.memref_slice %arg2[%add3A_12, %dma_start3A] : memref<320000x128xf32, #tpu.memory_space<hbm>> -> memref<160x128xf32, #tpu.memory_space<hbm>>
    %dma_start3A_14 = arith.constant 0 : i32
    %dma_start3A_15 = tpu.memref_slice %arg2[%add3A_12, %dma_start3A_14] : memref<320000x128xf32, #tpu.memory_space<hbm>> -> memref<160x128xf32, #tpu.memory_space<hbm>>
    tpu.enqueue_dma source(%dma_start3A_15 : memref<160x128xf32, #tpu.memory_space<hbm>>) target(%arg8 : memref<160x128xf32, #tpu.memory_space<vmem>>) target_semaphore(%arg16 : memref<!tpu.dma_semaphore, #tpu.memory_space<semaphore_mem>>)
    %dma_start3A_16 = arith.constant 0 : i32
    %dma_start3A_17 = tpu.memref_slice %arg3[%add3A_12, %dma_start3A_16] : memref<320000x128xf32, #tpu.memory_space<hbm>> -> memref<160x128xf32, #tpu.memory_space<hbm>>
    %dma_start3A_18 = arith.constant 0 : i32
    %dma_start3A_19 = tpu.memref_slice %arg3[%add3A_12, %dma_start3A_18] : memref<320000x128xf32, #tpu.memory_space<hbm>> -> memref<160x128xf32, #tpu.memory_space<hbm>>
    tpu.enqueue_dma source(%dma_start3A_19 : memref<160x128xf32, #tpu.memory_space<hbm>>) target(%arg10 : memref<160x128xf32, #tpu.memory_space<vmem>>) target_semaphore(%arg18 : memref<!tpu.dma_semaphore, #tpu.memory_space<semaphore_mem>>)
    %scan3A_20 = arith.constant 0 : i32
    %scan3A_21 = arith.constant 0 : i32
    %scan3A_22 = arith.constant 17 : i32
    %scan3A_23 = arith.addi %scan3A_21, %scan3A_22 : i32
    %scan3A_24 = arith.constant 1 : i32
    scf.for %scan3A_43 = %scan3A_21 to %scan3A_23 step %scan3A_24  : i32 {
      %mul3A_44 = arith.constant 2 : i32
      %mul3A_45 = arith.muli %mul3A_44, %scan3A_43 : i32
      %add3A_46 = arith.constant 1 : i32
      %add3A_47 = arith.addi %mul3A_45, %add3A_46 : i32
      %mul3A_48 = arith.constant 160 : i32
      %mul3A_49 = arith.muli %add3A_47, %mul3A_48 : i32
      %add3A_50 = arith.addi %add3A_4, %mul3A_49 : i32
      %dma_start3A_51 = arith.constant 0 : i32
      %dma_start3A_52 = tpu.memref_slice %arg2[%add3A_50, %dma_start3A_51] : memref<320000x128xf32, #tpu.memory_space<hbm>> -> memref<160x128xf32, #tpu.memory_space<hbm>>
      %dma_start3A_53 = arith.constant 0 : i32
      %dma_start3A_54 = tpu.memref_slice %arg2[%add3A_50, %dma_start3A_53] : memref<320000x128xf32, #tpu.memory_space<hbm>> -> memref<160x128xf32, #tpu.memory_space<hbm>>
      tpu.enqueue_dma source(%dma_start3A_54 : memref<160x128xf32, #tpu.memory_space<hbm>>) target(%arg9 : memref<160x128xf32, #tpu.memory_space<vmem>>) target_semaphore(%arg17 : memref<!tpu.dma_semaphore, #tpu.memory_space<semaphore_mem>>)
      %dma_start3A_55 = arith.constant 0 : i32
      %dma_start3A_56 = tpu.memref_slice %arg3[%add3A_50, %dma_start3A_55] : memref<320000x128xf32, #tpu.memory_space<hbm>> -> memref<160x128xf32, #tpu.memory_space<hbm>>
      %dma_start3A_57 = arith.constant 0 : i32
      %dma_start3A_58 = tpu.memref_slice %arg3[%add3A_50, %dma_start3A_57] : memref<320000x128xf32, #tpu.memory_space<hbm>> -> memref<160x128xf32, #tpu.memory_space<hbm>>
      tpu.enqueue_dma source(%dma_start3A_58 : memref<160x128xf32, #tpu.memory_space<hbm>>) target(%arg11 : memref<160x128xf32, #tpu.memory_space<vmem>>) target_semaphore(%arg19 : memref<!tpu.dma_semaphore, #tpu.memory_space<semaphore_mem>>)
      %dma_wait3A_59 = arith.constant 0 : i32
      %dma_wait3A_60 = arith.constant 0 : i32
      %dma_wait3A_61 = tpu.memref_slice %arg2[%dma_wait3A_59, %dma_wait3A_60] : memref<320000x128xf32, #tpu.memory_space<hbm>> -> memref<160x128xf32, #tpu.memory_space<hbm>>
      %dma_wait3A_62 = arith.constant 0 : i32
      %dma_wait3A_63 = arith.constant 0 : i32
      %dma_wait3A_64 = tpu.memref_slice %arg2[%dma_wait3A_62, %dma_wait3A_63] : memref<320000x128xf32, #tpu.memory_space<hbm>> -> memref<160x128xf32, #tpu.memory_space<hbm>>
      tpu.wait_dma2 semaphore(%arg16 : memref<!tpu.dma_semaphore, #tpu.memory_space<semaphore_mem>>) src(%dma_wait3A_64 : memref<160x128xf32, #tpu.memory_space<hbm>>) dst(%arg8 : memref<160x128xf32, #tpu.memory_space<vmem>>)
      %dma_wait3A_65 = arith.constant 0 : i32
      %dma_wait3A_66 = arith.constant 0 : i32
      %dma_wait3A_67 = tpu.memref_slice %arg3[%dma_wait3A_65, %dma_wait3A_66] : memref<320000x128xf32, #tpu.memory_space<hbm>> -> memref<160x128xf32, #tpu.memory_space<hbm>>
      %dma_wait3A_68 = arith.constant 0 : i32
      %dma_wait3A_69 = arith.constant 0 : i32
      %dma_wait3A_70 = tpu.memref_slice %arg3[%dma_wait3A_68, %dma_wait3A_69] : memref<320000x128xf32, #tpu.memory_space<hbm>> -> memref<160x128xf32, #tpu.memory_space<hbm>>
      tpu.wait_dma2 semaphore(%arg18 : memref<!tpu.dma_semaphore, #tpu.memory_space<semaphore_mem>>) src(%dma_wait3A_70 : memref<160x128xf32, #tpu.memory_space<hbm>>) dst(%arg10 : memref<160x128xf32, #tpu.memory_space<vmem>>)
      %scan3A_71 = arith.constant 0 : i32
      %scan3A_72 = arith.constant 0 : i32
      %scan3A_73 = arith.constant 10 : i32
      %scan3A_74 = arith.addi %scan3A_72, %scan3A_73 : i32
      %scan3A_75 = arith.constant 1 : i32
      scf.for %scan3A_110 = %scan3A_72 to %scan3A_74 step %scan3A_75  : i32 {
        %mul3A_111 = arith.constant 10 : i32
        %mul3A_112 = arith.muli %mul3A_45, %mul3A_111 : i32
        %add3A_113 = arith.addi %mul3A_112, %scan3A_110 : i32
        %mul3A_114 = arith.constant 16 : i32
        %mul3A_115 = arith.muli %add3A_113, %mul3A_114 : i32
        %get3A = arith.index_cast %mul3A_115 : i32 to index
        %get3A_116 = tpu.vector_load %arg12[%get3A] {strides = array<i32>} : memref<5600xi32, #tpu.memory_space<vmem>>, vector<16xi32>,
        %mul3A_117 = arith.constant 16 : i32
        %mul3A_118 = arith.muli %add3A_113, %mul3A_117 : i32
        %get3A_119 = arith.index_cast %mul3A_118 : i32 to index
        %get3A_120 = tpu.vector_load %arg13[%get3A_119] {strides = array<i32>} : memref<5600xf32, #tpu.memory_space<vmem>>, vector<16xf32>,
        %mul3A_121 = arith.constant 16 : i32
        %mul3A_122 = arith.muli %scan3A_110, %mul3A_121 : i32
        %add3A_123 = vector.broadcast %mul3A_122 : i32 to vector<16xi32>
        %add3A_124 = arith.addi %iota3A, %add3A_123 : vector<16xi32>
        %scan3A_125 = arith.constant 0 : i32
        %scan3A_126 = arith.constant 4 : i32
        %scan3A_127 = arith.addi %scan3A_125, %scan3A_126 : i32
        %scan3A_128 = arith.constant 1 : i32
        %scan3A_129:4 = scf.for %scan3A_135 = %scan3A_125 to %scan3A_127 step %scan3A_128 iter_args(%scan3A_136 = %broadcast_in_dim3A_5, %scan3A_137 = %broadcast_in_dim3A_5, %scan3A_138 = %broadcast_in_dim3A_5, %scan3A_139 = %broadcast_in_dim3A_5) -> (vector<16xf32>, vector<16xf32>, vector<16xf32>, vector<16xf32>)  : i32 {
          %mul3A_140 = arith.constant 32 : i32
          %mul3A_141 = arith.muli %scan3A_135, %mul3A_140 : i32
          %add3A_142 = vector.broadcast %mul3A_141 : i32 to vector<16xi32>
          %add3A_143 = arith.addi %iota3A, %add3A_142 : vector<16xi32>
          %add3A_144 = arith.constant 0 : i32
          %add3A_145 = vector.broadcast %add3A_144 : i32 to vector<16xi32>
          %add3A_146 = arith.addi %add3A_143, %add3A_145 : vector<16xi32>
          %add3A_147 = arith.constant 0 : i32
          %add3A_148 = vector.broadcast %add3A_147 : i32 to vector<16xi32>
          %add3A_149 = arith.addi %add3A_146, %add3A_148 : vector<16xi32>
          %and3A = arith.constant 127 : i32
          %and3A_150 = vector.broadcast %and3A : i32 to vector<16xi32>
          %and3A_151 = arith.andi %add3A_149, %and3A_150 : vector<16xi32>
          %gather3A = tpu.vector_load_idx %arg8[%add3A_124, %and3A_151] : memref<160x128xf32, #tpu.memory_space<vmem>>[vector<16xi32>, vector<16xi32>], vector<16xf32>,
          %gather3A_152 = tpu.vector_load_idx %arg10[%add3A_124, %and3A_151] : memref<160x128xf32, #tpu.memory_space<vmem>>[vector<16xi32>, vector<16xi32>], vector<16xf32>,
          %sub3A = arith.subf %gather3A, %gather3A_152 : vector<16xf32>
          %mul3A_153 = arith.mulf %sub3A, %sub3A : vector<16xf32>
          %add3A_154 = arith.addf %scan3A_136, %mul3A_153 : vector<16xf32>
          %add3A_155 = arith.constant 0 : i32
          %add3A_156 = vector.broadcast %add3A_155 : i32 to vector<16xi32>
          %add3A_157 = arith.addi %add3A_143, %add3A_156 : vector<16xi32>
          %add3A_158 = arith.constant 1 : i32
          %add3A_159 = vector.broadcast %add3A_158 : i32 to vector<16xi32>
          %add3A_160 = arith.addi %add3A_157, %add3A_159 : vector<16xi32>
          %and3A_161 = arith.constant 127 : i32
          %and3A_162 = vector.broadcast %and3A_161 : i32 to vector<16xi32>
          %and3A_163 = arith.andi %add3A_160, %and3A_162 : vector<16xi32>
          %gather3A_164 = tpu.vector_load_idx %arg8[%add3A_124, %and3A_163] : memref<160x128xf32, #tpu.memory_space<vmem>>[vector<16xi32>, vector<16xi32>], vector<16xf32>,
          %gather3A_165 = tpu.vector_load_idx %arg10[%add3A_124, %and3A_163] : memref<160x128xf32, #tpu.memory_space<vmem>>[vector<16xi32>, vector<16xi32>], vector<16xf32>,
          %sub3A_166 = arith.subf %gather3A_164, %gather3A_165 : vector<16xf32>
          %mul3A_167 = arith.mulf %sub3A_166, %sub3A_166 : vector<16xf32>
          %add3A_168 = arith.addf %scan3A_137, %mul3A_167 : vector<16xf32>
          %add3A_169 = arith.constant 0 : i32
          %add3A_170 = vector.broadcast %add3A_169 : i32 to vector<16xi32>
          %add3A_171 = arith.addi %add3A_143, %add3A_170 : vector<16xi32>
          %add3A_172 = arith.constant 2 : i32
          %add3A_173 = vector.broadcast %add3A_172 : i32 to vector<16xi32>
          %add3A_174 = arith.addi %add3A_171, %add3A_173 : vector<16xi32>
          %and3A_175 = arith.constant 127 : i32
          %and3A_176 = vector.broadcast %and3A_175 : i32 to vector<16xi32>
          %and3A_177 = arith.andi %add3A_174, %and3A_176 : vector<16xi32>
          %gather3A_178 = tpu.vector_load_idx %arg8[%add3A_124, %and3A_177] : memref<160x128xf32, #tpu.memory_space<vmem>>[vector<16xi32>, vector<16xi32>], vector<16xf32>,
          %gather3A_179 = tpu.vector_load_idx %arg10[%add3A_124, %and3A_177] : memref<160x128xf32, #tpu.memory_space<vmem>>[vector<16xi32>, vector<16xi32>], vector<16xf32>,
          %sub3A_180 = arith.subf %gather3A_178, %gather3A_179 : vector<16xf32>
          %mul3A_181 = arith.mulf %sub3A_180, %sub3A_180 : vector<16xf32>
          %add3A_182 = arith.addf %scan3A_138, %mul3A_181 : vector<16xf32>
          %add3A_183 = arith.constant 0 : i32
          %add3A_184 = vector.broadcast %add3A_183 : i32 to vector<16xi32>
          %add3A_185 = arith.addi %add3A_143, %add3A_184 : vector<16xi32>
          %add3A_186 = arith.constant 3 : i32
          %add3A_187 = vector.broadcast %add3A_186 : i32 to vector<16xi32>
          %add3A_188 = arith.addi %add3A_185, %add3A_187 : vector<16xi32>
          %and3A_189 = arith.constant 127 : i32
          %and3A_190 = vector.broadcast %and3A_189 : i32 to vector<16xi32>
          %and3A_191 = arith.andi %add3A_188, %and3A_190 : vector<16xi32>
          %gather3A_192 = tpu.vector_load_idx %arg8[%add3A_124, %and3A_191] : memref<160x128xf32, #tpu.memory_space<vmem>>[vector<16xi32>, vector<16xi32>], vector<16xf32>,
          %gather3A_193 = tpu.vector_load_idx %arg10[%add3A_124, %and3A_191] : memref<160x128xf32, #tpu.memory_space<vmem>>[vector<16xi32>, vector<16xi32>], vector<16xf32>,
          %sub3A_194 = arith.subf %gather3A_192, %gather3A_193 : vector<16xf32>
          %mul3A_195 = arith.mulf %sub3A_194, %sub3A_194 : vector<16xf32>
          %add3A_196 = arith.addf %scan3A_139, %mul3A_195 : vector<16xf32>
          %add3A_197 = arith.constant 4 : i32
          %add3A_198 = vector.broadcast %add3A_197 : i32 to vector<16xi32>
          %add3A_199 = arith.addi %add3A_143, %add3A_198 : vector<16xi32>
          %add3A_200 = arith.constant 0 : i32
          %add3A_201 = vector.broadcast %add3A_200 : i32 to vector<16xi32>
          %add3A_202 = arith.addi %add3A_199, %add3A_201 : vector<16xi32>
          %and3A_203 = arith.constant 127 : i32
          %and3A_204 = vector.broadcast %and3A_203 : i32 to vector<16xi32>
          %and3A_205 = arith.andi %add3A_202, %and3A_204 : vector<16xi32>
          %gather3A_206 = tpu.vector_load_idx %arg8[%add3A_124, %and3A_205] : memref<160x128xf32, #tpu.memory_space<vmem>>[vector<16xi32>, vector<16xi32>], vector<16xf32>,
          %gather3A_207 = tpu.vector_load_idx %arg10[%add3A_124, %and3A_205] : memref<160x128xf32, #tpu.memory_space<vmem>>[vector<16xi32>, vector<16xi32>], vector<16xf32>,
          %sub3A_208 = arith.subf %gather3A_206, %gather3A_207 : vector<16xf32>
          %mul3A_209 = arith.mulf %sub3A_208, %sub3A_208 : vector<16xf32>
          %add3A_210 = arith.addf %add3A_154, %mul3A_209 : vector<16xf32>
          %add3A_211 = arith.constant 4 : i32
          %add3A_212 = vector.broadcast %add3A_211 : i32 to vector<16xi32>
          %add3A_213 = arith.addi %add3A_143, %add3A_212 : vector<16xi32>
          %add3A_214 = arith.constant 1 : i32
          %add3A_215 = vector.broadcast %add3A_214 : i32 to vector<16xi32>
          %add3A_216 = arith.addi %add3A_213, %add3A_215 : vector<16xi32>
          %and3A_217 = arith.constant 127 : i32
          %and3A_218 = vector.broadcast %and3A_217 : i32 to vector<16xi32>
          %and3A_219 = arith.andi %add3A_216, %and3A_218 : vector<16xi32>
          %gather3A_220 = tpu.vector_load_idx %arg8[%add3A_124, %and3A_219] : memref<160x128xf32, #tpu.memory_space<vmem>>[vector<16xi32>, vector<16xi32>], vector<16xf32>,
          %gather3A_221 = tpu.vector_load_idx %arg10[%add3A_124, %and3A_219] : memref<160x128xf32, #tpu.memory_space<vmem>>[vector<16xi32>, vector<16xi32>], vector<16xf32>,
          %sub3A_222 = arith.subf %gather3A_220, %gather3A_221 : vector<16xf32>
          %mul3A_223 = arith.mulf %sub3A_222, %sub3A_222 : vector<16xf32>
          %add3A_224 = arith.addf %add3A_168, %mul3A_223 : vector<16xf32>
          %add3A_225 = arith.constant 4 : i32
          %add3A_226 = vector.broadcast %add3A_225 : i32 to vector<16xi32>
          %add3A_227 = arith.addi %add3A_143, %add3A_226 : vector<16xi32>
          %add3A_228 = arith.constant 2 : i32
          %add3A_229 = vector.broadcast %add3A_228 : i32 to vector<16xi32>
          %add3A_230 = arith.addi %add3A_227, %add3A_229 : vector<16xi32>
          %and3A_231 = arith.constant 127 : i32
          %and3A_232 = vector.broadcast %and3A_231 : i32 to vector<16xi32>
          %and3A_233 = arith.andi %add3A_230, %and3A_232 : vector<16xi32>
          %gather3A_234 = tpu.vector_load_idx %arg8[%add3A_124, %and3A_233] : memref<160x128xf32, #tpu.memory_space<vmem>>[vector<16xi32>, vector<16xi32>], vector<16xf32>,
          %gather3A_235 = tpu.vector_load_idx %arg10[%add3A_124, %and3A_233] : memref<160x128xf32, #tpu.memory_space<vmem>>[vector<16xi32>, vector<16xi32>], vector<16xf32>,
          %sub3A_236 = arith.subf %gather3A_234, %gather3A_235 : vector<16xf32>
          %mul3A_237 = arith.mulf %sub3A_236, %sub3A_236 : vector<16xf32>
          %add3A_238 = arith.addf %add3A_182, %mul3A_237 : vector<16xf32>
          %add3A_239 = arith.constant 4 : i32
          %add3A_240 = vector.broadcast %add3A_239 : i32 to vector<16xi32>
          %add3A_241 = arith.addi %add3A_143, %add3A_240 : vector<16xi32>
          %add3A_242 = arith.constant 3 : i32
          %add3A_243 = vector.broadcast %add3A_242 : i32 to vector<16xi32>
          %add3A_244 = arith.addi %add3A_241, %add3A_243 : vector<16xi32>
          %and3A_245 = arith.constant 127 : i32
          %and3A_246 = vector.broadcast %and3A_245 : i32 to vector<16xi32>
          %and3A_247 = arith.andi %add3A_244, %and3A_246 : vector<16xi32>
          %gather3A_248 = tpu.vector_load_idx %arg8[%add3A_124, %and3A_247] : memref<160x128xf32, #tpu.memory_space<vmem>>[vector<16xi32>, vector<16xi32>], vector<16xf32>,
          %gather3A_249 = tpu.vector_load_idx %arg10[%add3A_124, %and3A_247] : memref<160x128xf32, #tpu.memory_space<vmem>>[vector<16xi32>, vector<16xi32>], vector<16xf32>,
          %sub3A_250 = arith.subf %gather3A_248, %gather3A_249 : vector<16xf32>
          %mul3A_251 = arith.mulf %sub3A_250, %sub3A_250 : vector<16xf32>
          %add3A_252 = arith.addf %add3A_196, %mul3A_251 : vector<16xf32>
          %add3A_253 = arith.constant 8 : i32
          %add3A_254 = vector.broadcast %add3A_253 : i32 to vector<16xi32>
          %add3A_255 = arith.addi %add3A_143, %add3A_254 : vector<16xi32>
          %add3A_256 = arith.constant 0 : i32
          %add3A_257 = vector.broadcast %add3A_256 : i32 to vector<16xi32>
          %add3A_258 = arith.addi %add3A_255, %add3A_257 : vector<16xi32>
          %and3A_259 = arith.constant 127 : i32
          %and3A_260 = vector.broadcast %and3A_259 : i32 to vector<16xi32>
          %and3A_261 = arith.andi %add3A_258, %and3A_260 : vector<16xi32>
          %gather3A_262 = tpu.vector_load_idx %arg8[%add3A_124, %and3A_261] : memref<160x128xf32, #tpu.memory_space<vmem>>[vector<16xi32>, vector<16xi32>], vector<16xf32>,
          %gather3A_263 = tpu.vector_load_idx %arg10[%add3A_124, %and3A_261] : memref<160x128xf32, #tpu.memory_space<vmem>>[vector<16xi32>, vector<16xi32>], vector<16xf32>,
          %sub3A_264 = arith.subf %gather3A_262, %gather3A_263 : vector<16xf32>
          %mul3A_265 = arith.mulf %sub3A_264, %sub3A_264 : vector<16xf32>
          %add3A_266 = arith.addf %add3A_210, %mul3A_265 : vector<16xf32>
          %add3A_267 = arith.constant 8 : i32
          %add3A_268 = vector.broadcast %add3A_267 : i32 to vector<16xi32>
          %add3A_269 = arith.addi %add3A_143, %add3A_268 : vector<16xi32>
          %add3A_270 = arith.constant 1 : i32
          %add3A_271 = vector.broadcast %add3A_270 : i32 to vector<16xi32>
          %add3A_272 = arith.addi %add3A_269, %add3A_271 : vector<16xi32>
          %and3A_273 = arith.constant 127 : i32
          %and3A_274 = vector.broadcast %and3A_273 : i32 to vector<16xi32>
          %and3A_275 = arith.andi %add3A_272, %and3A_274 : vector<16xi32>
          %gather3A_276 = tpu.vector_load_idx %arg8[%add3A_124, %and3A_275] : memref<160x128xf32, #tpu.memory_space<vmem>>[vector<16xi32>, vector<16xi32>], vector<16xf32>,
          %gather3A_277 = tpu.vector_load_idx %arg10[%add3A_124, %and3A_275] : memref<160x128xf32, #tpu.memory_space<vmem>>[vector<16xi32>, vector<16xi32>], vector<16xf32>,
          %sub3A_278 = arith.subf %gather3A_276, %gather3A_277 : vector<16xf32>
          %mul3A_279 = arith.mulf %sub3A_278, %sub3A_278 : vector<16xf32>
          %add3A_280 = arith.addf %add3A_224, %mul3A_279 : vector<16xf32>
          %add3A_281 = arith.constant 8 : i32
          %add3A_282 = vector.broadcast %add3A_281 : i32 to vector<16xi32>
          %add3A_283 = arith.addi %add3A_143, %add3A_282 : vector<16xi32>
          %add3A_284 = arith.constant 2 : i32
          %add3A_285 = vector.broadcast %add3A_284 : i32 to vector<16xi32>
          %add3A_286 = arith.addi %add3A_283, %add3A_285 : vector<16xi32>
          %and3A_287 = arith.constant 127 : i32
          %and3A_288 = vector.broadcast %and3A_287 : i32 to vector<16xi32>
          %and3A_289 = arith.andi %add3A_286, %and3A_288 : vector<16xi32>
          %gather3A_290 = tpu.vector_load_idx %arg8[%add3A_124, %and3A_289] : memref<160x128xf32, #tpu.memory_space<vmem>>[vector<16xi32>, vector<16xi32>], vector<16xf32>,
          %gather3A_291 = tpu.vector_load_idx %arg10[%add3A_124, %and3A_289] : memref<160x128xf32, #tpu.memory_space<vmem>>[vector<16xi32>, vector<16xi32>], vector<16xf32>,
          %sub3A_292 = arith.subf %gather3A_290, %gather3A_291 : vector<16xf32>
          %mul3A_293 = arith.mulf %sub3A_292, %sub3A_292 : vector<16xf32>
          %add3A_294 = arith.addf %add3A_238, %mul3A_293 : vector<16xf32>
          %add3A_295 = arith.constant 8 : i32
          %add3A_296 = vector.broadcast %add3A_295 : i32 to vector<16xi32>
          %add3A_297 = arith.addi %add3A_143, %add3A_296 : vector<16xi32>
          %add3A_298 = arith.constant 3 : i32
          %add3A_299 = vector.broadcast %add3A_298 : i32 to vector<16xi32>
          %add3A_300 = arith.addi %add3A_297, %add3A_299 : vector<16xi32>
          %and3A_301 = arith.constant 127 : i32
          %and3A_302 = vector.broadcast %and3A_301 : i32 to vector<16xi32>
          %and3A_303 = arith.andi %add3A_300, %and3A_302 : vector<16xi32>
          %gather3A_304 = tpu.vector_load_idx %arg8[%add3A_124, %and3A_303] : memref<160x128xf32, #tpu.memory_space<vmem>>[vector<16xi32>, vector<16xi32>], vector<16xf32>,
          %gather3A_305 = tpu.vector_load_idx %arg10[%add3A_124, %and3A_303] : memref<160x128xf32, #tpu.memory_space<vmem>>[vector<16xi32>, vector<16xi32>], vector<16xf32>,
          %sub3A_306 = arith.subf %gather3A_304, %gather3A_305 : vector<16xf32>
          %mul3A_307 = arith.mulf %sub3A_306, %sub3A_306 : vector<16xf32>
          %add3A_308 = arith.addf %add3A_252, %mul3A_307 : vector<16xf32>
          %add3A_309 = arith.constant 12 : i32
          %add3A_310 = vector.broadcast %add3A_309 : i32 to vector<16xi32>
          %add3A_311 = arith.addi %add3A_143, %add3A_310 : vector<16xi32>
          %add3A_312 = arith.constant 0 : i32
          %add3A_313 = vector.broadcast %add3A_312 : i32 to vector<16xi32>
          %add3A_314 = arith.addi %add3A_311, %add3A_313 : vector<16xi32>
          %and3A_315 = arith.constant 127 : i32
          %and3A_316 = vector.broadcast %and3A_315 : i32 to vector<16xi32>
          %and3A_317 = arith.andi %add3A_314, %and3A_316 : vector<16xi32>
          %gather3A_318 = tpu.vector_load_idx %arg8[%add3A_124, %and3A_317] : memref<160x128xf32, #tpu.memory_space<vmem>>[vector<16xi32>, vector<16xi32>], vector<16xf32>,
          %gather3A_319 = tpu.vector_load_idx %arg10[%add3A_124, %and3A_317] : memref<160x128xf32, #tpu.memory_space<vmem>>[vector<16xi32>, vector<16xi32>], vector<16xf32>,
          %sub3A_320 = arith.subf %gather3A_318, %gather3A_319 : vector<16xf32>
          %mul3A_321 = arith.mulf %sub3A_320, %sub3A_320 : vector<16xf32>
          %add3A_322 = arith.addf %add3A_266, %mul3A_321 : vector<16xf32>
          %add3A_323 = arith.constant 12 : i32
          %add3A_324 = vector.broadcast %add3A_323 : i32 to vector<16xi32>
          %add3A_325 = arith.addi %add3A_143, %add3A_324 : vector<16xi32>
          %add3A_326 = arith.constant 1 : i32
          %add3A_327 = vector.broadcast %add3A_326 : i32 to vector<16xi32>
          %add3A_328 = arith.addi %add3A_325, %add3A_327 : vector<16xi32>
          %and3A_329 = arith.constant 127 : i32
          %and3A_330 = vector.broadcast %and3A_329 : i32 to vector<16xi32>
          %and3A_331 = arith.andi %add3A_328, %and3A_330 : vector<16xi32>
          %gather3A_332 = tpu.vector_load_idx %arg8[%add3A_124, %and3A_331] : memref<160x128xf32, #tpu.memory_space<vmem>>[vector<16xi32>, vector<16xi32>], vector<16xf32>,
          %gather3A_333 = tpu.vector_load_idx %arg10[%add3A_124, %and3A_331] : memref<160x128xf32, #tpu.memory_space<vmem>>[vector<16xi32>, vector<16xi32>], vector<16xf32>,
          %sub3A_334 = arith.subf %gather3A_332, %gather3A_333 : vector<16xf32>
          %mul3A_335 = arith.mulf %sub3A_334, %sub3A_334 : vector<16xf32>
          %add3A_336 = arith.addf %add3A_280, %mul3A_335 : vector<16xf32>
          %add3A_337 = arith.constant 12 : i32
          %add3A_338 = vector.broadcast %add3A_337 : i32 to vector<16xi32>
          %add3A_339 = arith.addi %add3A_143, %add3A_338 : vector<16xi32>
          %add3A_340 = arith.constant 2 : i32
          %add3A_341 = vector.broadcast %add3A_340 : i32 to vector<16xi32>
          %add3A_342 = arith.addi %add3A_339, %add3A_341 : vector<16xi32>
          %and3A_343 = arith.constant 127 : i32
          %and3A_344 = vector.broadcast %and3A_343 : i32 to vector<16xi32>
          %and3A_345 = arith.andi %add3A_342, %and3A_344 : vector<16xi32>
          %gather3A_346 = tpu.vector_load_idx %arg8[%add3A_124, %and3A_345] : memref<160x128xf32, #tpu.memory_space<vmem>>[vector<16xi32>, vector<16xi32>], vector<16xf32>,
          %gather3A_347 = tpu.vector_load_idx %arg10[%add3A_124, %and3A_345] : memref<160x128xf32, #tpu.memory_space<vmem>>[vector<16xi32>, vector<16xi32>], vector<16xf32>,
          %sub3A_348 = arith.subf %gather3A_346, %gather3A_347 : vector<16xf32>
          %mul3A_349 = arith.mulf %sub3A_348, %sub3A_348 : vector<16xf32>
          %add3A_350 = arith.addf %add3A_294, %mul3A_349 : vector<16xf32>
          %add3A_351 = arith.constant 12 : i32
          %add3A_352 = vector.broadcast %add3A_351 : i32 to vector<16xi32>
          %add3A_353 = arith.addi %add3A_143, %add3A_352 : vector<16xi32>
          %add3A_354 = arith.constant 3 : i32
          %add3A_355 = vector.broadcast %add3A_354 : i32 to vector<16xi32>
          %add3A_356 = arith.addi %add3A_353, %add3A_355 : vector<16xi32>
          %and3A_357 = arith.constant 127 : i32
          %and3A_358 = vector.broadcast %and3A_357 : i32 to vector<16xi32>
          %and3A_359 = arith.andi %add3A_356, %and3A_358 : vector<16xi32>
          %gather3A_360 = tpu.vector_load_idx %arg8[%add3A_124, %and3A_359] : memref<160x128xf32, #tpu.memory_space<vmem>>[vector<16xi32>, vector<16xi32>], vector<16xf32>,
          %gather3A_361 = tpu.vector_load_idx %arg10[%add3A_124, %and3A_359] : memref<160x128xf32, #tpu.memory_space<vmem>>[vector<16xi32>, vector<16xi32>], vector<16xf32>,
          %sub3A_362 = arith.subf %gather3A_360, %gather3A_361 : vector<16xf32>
          %mul3A_363 = arith.mulf %sub3A_362, %sub3A_362 : vector<16xf32>
          %add3A_364 = arith.addf %add3A_308, %mul3A_363 : vector<16xf32>
          %add3A_365 = arith.constant 16 : i32
          %add3A_366 = vector.broadcast %add3A_365 : i32 to vector<16xi32>
          %add3A_367 = arith.addi %add3A_143, %add3A_366 : vector<16xi32>
          %add3A_368 = arith.constant 0 : i32
          %add3A_369 = vector.broadcast %add3A_368 : i32 to vector<16xi32>
          %add3A_370 = arith.addi %add3A_367, %add3A_369 : vector<16xi32>
          %and3A_371 = arith.constant 127 : i32
          %and3A_372 = vector.broadcast %and3A_371 : i32 to vector<16xi32>
          %and3A_373 = arith.andi %add3A_370, %and3A_372 : vector<16xi32>
          %gather3A_374 = tpu.vector_load_idx %arg8[%add3A_124, %and3A_373] : memref<160x128xf32, #tpu.memory_space<vmem>>[vector<16xi32>, vector<16xi32>], vector<16xf32>,
          %gather3A_375 = tpu.vector_load_idx %arg10[%add3A_124, %and3A_373] : memref<160x128xf32, #tpu.memory_space<vmem>>[vector<16xi32>, vector<16xi32>], vector<16xf32>,
          %sub3A_376 = arith.subf %gather3A_374, %gather3A_375 : vector<16xf32>
          %mul3A_377 = arith.mulf %sub3A_376, %sub3A_376 : vector<16xf32>
          %add3A_378 = arith.addf %add3A_322, %mul3A_377 : vector<16xf32>
          %add3A_379 = arith.constant 16 : i32
          %add3A_380 = vector.broadcast %add3A_379 : i32 to vector<16xi32>
          %add3A_381 = arith.addi %add3A_143, %add3A_380 : vector<16xi32>
          %add3A_382 = arith.constant 1 : i32
          %add3A_383 = vector.broadcast %add3A_382 : i32 to vector<16xi32>
          %add3A_384 = arith.addi %add3A_381, %add3A_383 : vector<16xi32>
          %and3A_385 = arith.constant 127 : i32
          %and3A_386 = vector.broadcast %and3A_385 : i32 to vector<16xi32>
          %and3A_387 = arith.andi %add3A_384, %and3A_386 : vector<16xi32>
          %gather3A_388 = tpu.vector_load_idx %arg8[%add3A_124, %and3A_387] : memref<160x128xf32, #tpu.memory_space<vmem>>[vector<16xi32>, vector<16xi32>], vector<16xf32>,
          %gather3A_389 = tpu.vector_load_idx %arg10[%add3A_124, %and3A_387] : memref<160x128xf32, #tpu.memory_space<vmem>>[vector<16xi32>, vector<16xi32>], vector<16xf32>,
          %sub3A_390 = arith.subf %gather3A_388, %gather3A_389 : vector<16xf32>
          %mul3A_391 = arith.mulf %sub3A_390, %sub3A_390 : vector<16xf32>
          %add3A_392 = arith.addf %add3A_336, %mul3A_391 : vector<16xf32>
          %add3A_393 = arith.constant 16 : i32
          %add3A_394 = vector.broadcast %add3A_393 : i32 to vector<16xi32>
          %add3A_395 = arith.addi %add3A_143, %add3A_394 : vector<16xi32>
          %add3A_396 = arith.constant 2 : i32
          %add3A_397 = vector.broadcast %add3A_396 : i32 to vector<16xi32>
          %add3A_398 = arith.addi %add3A_395, %add3A_397 : vector<16xi32>
          %and3A_399 = arith.constant 127 : i32
          %and3A_400 = vector.broadcast %and3A_399 : i32 to vector<16xi32>
          %and3A_401 = arith.andi %add3A_398, %and3A_400 : vector<16xi32>
          %gather3A_402 = tpu.vector_load_idx %arg8[%add3A_124, %and3A_401] : memref<160x128xf32, #tpu.memory_space<vmem>>[vector<16xi32>, vector<16xi32>], vector<16xf32>,
          %gather3A_403 = tpu.vector_load_idx %arg10[%add3A_124, %and3A_401] : memref<160x128xf32, #tpu.memory_space<vmem>>[vector<16xi32>, vector<16xi32>], vector<16xf32>,
          %sub3A_404 = arith.subf %gather3A_402, %gather3A_403 : vector<16xf32>
          %mul3A_405 = arith.mulf %sub3A_404, %sub3A_404 : vector<16xf32>
          %add3A_406 = arith.addf %add3A_350, %mul3A_405 : vector<16xf32>
          %add3A_407 = arith.constant 16 : i32
          %add3A_408 = vector.broadcast %add3A_407 : i32 to vector<16xi32>
          %add3A_409 = arith.addi %add3A_143, %add3A_408 : vector<16xi32>
          %add3A_410 = arith.constant 3 : i32
          %add3A_411 = vector.broadcast %add3A_410 : i32 to vector<16xi32>
          %add3A_412 = arith.addi %add3A_409, %add3A_411 : vector<16xi32>
          %and3A_413 = arith.constant 127 : i32
          %and3A_414 = vector.broadcast %and3A_413 : i32 to vector<16xi32>
          %and3A_415 = arith.andi %add3A_412, %and3A_414 : vector<16xi32>
          %gather3A_416 = tpu.vector_load_idx %arg8[%add3A_124, %and3A_415] : memref<160x128xf32, #tpu.memory_space<vmem>>[vector<16xi32>, vector<16xi32>], vector<16xf32>,
          %gather3A_417 = tpu.vector_load_idx %arg10[%add3A_124, %and3A_415] : memref<160x128xf32, #tpu.memory_space<vmem>>[vector<16xi32>, vector<16xi32>], vector<16xf32>,
          %sub3A_418 = arith.subf %gather3A_416, %gather3A_417 : vector<16xf32>
          %mul3A_419 = arith.mulf %sub3A_418, %sub3A_418 : vector<16xf32>
          %add3A_420 = arith.addf %add3A_364, %mul3A_419 : vector<16xf32>
          %add3A_421 = arith.constant 20 : i32
          %add3A_422 = vector.broadcast %add3A_421 : i32 to vector<16xi32>
          %add3A_423 = arith.addi %add3A_143, %add3A_422 : vector<16xi32>
          %add3A_424 = arith.constant 0 : i32
          %add3A_425 = vector.broadcast %add3A_424 : i32 to vector<16xi32>
          %add3A_426 = arith.addi %add3A_423, %add3A_425 : vector<16xi32>
          %and3A_427 = arith.constant 127 : i32
          %and3A_428 = vector.broadcast %and3A_427 : i32 to vector<16xi32>
          %and3A_429 = arith.andi %add3A_426, %and3A_428 : vector<16xi32>
          %gather3A_430 = tpu.vector_load_idx %arg8[%add3A_124, %and3A_429] : memref<160x128xf32, #tpu.memory_space<vmem>>[vector<16xi32>, vector<16xi32>], vector<16xf32>,
          %gather3A_431 = tpu.vector_load_idx %arg10[%add3A_124, %and3A_429] : memref<160x128xf32, #tpu.memory_space<vmem>>[vector<16xi32>, vector<16xi32>], vector<16xf32>,
          %sub3A_432 = arith.subf %gather3A_430, %gather3A_431 : vector<16xf32>
          %mul3A_433 = arith.mulf %sub3A_432, %sub3A_432 : vector<16xf32>
          %add3A_434 = arith.addf %add3A_378, %mul3A_433 : vector<16xf32>
          %add3A_435 = arith.constant 20 : i32
          %add3A_436 = vector.broadcast %add3A_435 : i32 to vector<16xi32>
          %add3A_437 = arith.addi %add3A_143, %add3A_436 : vector<16xi32>
          %add3A_438 = arith.constant 1 : i32
          %add3A_439 = vector.broadcast %add3A_438 : i32 to vector<16xi32>
          %add3A_440 = arith.addi %add3A_437, %add3A_439 : vector<16xi32>
          %and3A_441 = arith.constant 127 : i32
          %and3A_442 = vector.broadcast %and3A_441 : i32 to vector<16xi32>
          %and3A_443 = arith.andi %add3A_440, %and3A_442 : vector<16xi32>
          %gather3A_444 = tpu.vector_load_idx %arg8[%add3A_124, %and3A_443] : memref<160x128xf32, #tpu.memory_space<vmem>>[vector<16xi32>, vector<16xi32>], vector<16xf32>,
          %gather3A_445 = tpu.vector_load_idx %arg10[%add3A_124, %and3A_443] : memref<160x128xf32, #tpu.memory_space<vmem>>[vector<16xi32>, vector<16xi32>], vector<16xf32>,
          %sub3A_446 = arith.subf %gather3A_444, %gather3A_445 : vector<16xf32>
          %mul3A_447 = arith.mulf %sub3A_446, %sub3A_446 : vector<16xf32>
          %add3A_448 = arith.addf %add3A_392, %mul3A_447 : vector<16xf32>
          %add3A_449 = arith.constant 20 : i32
          %add3A_450 = vector.broadcast %add3A_449 : i32 to vector<16xi32>
          %add3A_451 = arith.addi %add3A_143, %add3A_450 : vector<16xi32>
          %add3A_452 = arith.constant 2 : i32
          %add3A_453 = vector.broadcast %add3A_452 : i32 to vector<16xi32>
          %add3A_454 = arith.addi %add3A_451, %add3A_453 : vector<16xi32>
          %and3A_455 = arith.constant 127 : i32
          %and3A_456 = vector.broadcast %and3A_455 : i32 to vector<16xi32>
          %and3A_457 = arith.andi %add3A_454, %and3A_456 : vector<16xi32>
          %gather3A_458 = tpu.vector_load_idx %arg8[%add3A_124, %and3A_457] : memref<160x128xf32, #tpu.memory_space<vmem>>[vector<16xi32>, vector<16xi32>], vector<16xf32>,
          %gather3A_459 = tpu.vector_load_idx %arg10[%add3A_124, %and3A_457] : memref<160x128xf32, #tpu.memory_space<vmem>>[vector<16xi32>, vector<16xi32>], vector<16xf32>,
          %sub3A_460 = arith.subf %gather3A_458, %gather3A_459 : vector<16xf32>
          %mul3A_461 = arith.mulf %sub3A_460, %sub3A_460 : vector<16xf32>
          %add3A_462 = arith.addf %add3A_406, %mul3A_461 : vector<16xf32>
          %add3A_463 = arith.constant 20 : i32
          %add3A_464 = vector.broadcast %add3A_463 : i32 to vector<16xi32>
          %add3A_465 = arith.addi %add3A_143, %add3A_464 : vector<16xi32>
          %add3A_466 = arith.constant 3 : i32
          %add3A_467 = vector.broadcast %add3A_466 : i32 to vector<16xi32>
          %add3A_468 = arith.addi %add3A_465, %add3A_467 : vector<16xi32>
          %and3A_469 = arith.constant 127 : i32
          %and3A_470 = vector.broadcast %and3A_469 : i32 to vector<16xi32>
          %and3A_471 = arith.andi %add3A_468, %and3A_470 : vector<16xi32>
          %gather3A_472 = tpu.vector_load_idx %arg8[%add3A_124, %and3A_471] : memref<160x128xf32, #tpu.memory_space<vmem>>[vector<16xi32>, vector<16xi32>], vector<16xf32>,
          %gather3A_473 = tpu.vector_load_idx %arg10[%add3A_124, %and3A_471] : memref<160x128xf32, #tpu.memory_space<vmem>>[vector<16xi32>, vector<16xi32>], vector<16xf32>,
          %sub3A_474 = arith.subf %gather3A_472, %gather3A_473 : vector<16xf32>
          %mul3A_475 = arith.mulf %sub3A_474, %sub3A_474 : vector<16xf32>
          %add3A_476 = arith.addf %add3A_420, %mul3A_475 : vector<16xf32>
          %add3A_477 = arith.constant 24 : i32
          %add3A_478 = vector.broadcast %add3A_477 : i32 to vector<16xi32>
          %add3A_479 = arith.addi %add3A_143, %add3A_478 : vector<16xi32>
          %add3A_480 = arith.constant 0 : i32
          %add3A_481 = vector.broadcast %add3A_480 : i32 to vector<16xi32>
          %add3A_482 = arith.addi %add3A_479, %add3A_481 : vector<16xi32>
          %and3A_483 = arith.constant 127 : i32
          %and3A_484 = vector.broadcast %and3A_483 : i32 to vector<16xi32>
          %and3A_485 = arith.andi %add3A_482, %and3A_484 : vector<16xi32>
          %gather3A_486 = tpu.vector_load_idx %arg8[%add3A_124, %and3A_485] : memref<160x128xf32, #tpu.memory_space<vmem>>[vector<16xi32>, vector<16xi32>], vector<16xf32>,
          %gather3A_487 = tpu.vector_load_idx %arg10[%add3A_124, %and3A_485] : memref<160x128xf32, #tpu.memory_space<vmem>>[vector<16xi32>, vector<16xi32>], vector<16xf32>,
          %sub3A_488 = arith.subf %gather3A_486, %gather3A_487 : vector<16xf32>
          %mul3A_489 = arith.mulf %sub3A_488, %sub3A_488 : vector<16xf32>
          %add3A_490 = arith.addf %add3A_434, %mul3A_489 : vector<16xf32>
          %add3A_491 = arith.constant 24 : i32
          %add3A_492 = vector.broadcast %add3A_491 : i32 to vector<16xi32>
          %add3A_493 = arith.addi %add3A_143, %add3A_492 : vector<16xi32>
          %add3A_494 = arith.constant 1 : i32
          %add3A_495 = vector.broadcast %add3A_494 : i32 to vector<16xi32>
          %add3A_496 = arith.addi %add3A_493, %add3A_495 : vector<16xi32>
          %and3A_497 = arith.constant 127 : i32
          %and3A_498 = vector.broadcast %and3A_497 : i32 to vector<16xi32>
          %and3A_499 = arith.andi %add3A_496, %and3A_498 : vector<16xi32>
          %gather3A_500 = tpu.vector_load_idx %arg8[%add3A_124, %and3A_499] : memref<160x128xf32, #tpu.memory_space<vmem>>[vector<16xi32>, vector<16xi32>], vector<16xf32>,
          %gather3A_501 = tpu.vector_load_idx %arg10[%add3A_124, %and3A_499] : memref<160x128xf32, #tpu.memory_space<vmem>>[vector<16xi32>, vector<16xi32>], vector<16xf32>,
          %sub3A_502 = arith.subf %gather3A_500, %gather3A_501 : vector<16xf32>
          %mul3A_503 = arith.mulf %sub3A_502, %sub3A_502 : vector<16xf32>
          %add3A_504 = arith.addf %add3A_448, %mul3A_503 : vector<16xf32>
          %add3A_505 = arith.constant 24 : i32
          %add3A_506 = vector.broadcast %add3A_505 : i32 to vector<16xi32>
          %add3A_507 = arith.addi %add3A_143, %add3A_506 : vector<16xi32>
          %add3A_508 = arith.constant 2 : i32
          %add3A_509 = vector.broadcast %add3A_508 : i32 to vector<16xi32>
          %add3A_510 = arith.addi %add3A_507, %add3A_509 : vector<16xi32>
          %and3A_511 = arith.constant 127 : i32
          %and3A_512 = vector.broadcast %and3A_511 : i32 to vector<16xi32>
          %and3A_513 = arith.andi %add3A_510, %and3A_512 : vector<16xi32>
          %gather3A_514 = tpu.vector_load_idx %arg8[%add3A_124, %and3A_513] : memref<160x128xf32, #tpu.memory_space<vmem>>[vector<16xi32>, vector<16xi32>], vector<16xf32>,
          %gather3A_515 = tpu.vector_load_idx %arg10[%add3A_124, %and3A_513] : memref<160x128xf32, #tpu.memory_space<vmem>>[vector<16xi32>, vector<16xi32>], vector<16xf32>,
          %sub3A_516 = arith.subf %gather3A_514, %gather3A_515 : vector<16xf32>
          %mul3A_517 = arith.mulf %sub3A_516, %sub3A_516 : vector<16xf32>
          %add3A_518 = arith.addf %add3A_462, %mul3A_517 : vector<16xf32>
          %add3A_519 = arith.constant 24 : i32
          %add3A_520 = vector.broadcast %add3A_519 : i32 to vector<16xi32>
          %add3A_521 = arith.addi %add3A_143, %add3A_520 : vector<16xi32>
          %add3A_522 = arith.constant 3 : i32
          %add3A_523 = vector.broadcast %add3A_522 : i32 to vector<16xi32>
          %add3A_524 = arith.addi %add3A_521, %add3A_523 : vector<16xi32>
          %and3A_525 = arith.constant 127 : i32
          %and3A_526 = vector.broadcast %and3A_525 : i32 to vector<16xi32>
          %and3A_527 = arith.andi %add3A_524, %and3A_526 : vector<16xi32>
          %gather3A_528 = tpu.vector_load_idx %arg8[%add3A_124, %and3A_527] : memref<160x128xf32, #tpu.memory_space<vmem>>[vector<16xi32>, vector<16xi32>], vector<16xf32>,
          %gather3A_529 = tpu.vector_load_idx %arg10[%add3A_124, %and3A_527] : memref<160x128xf32, #tpu.memory_space<vmem>>[vector<16xi32>, vector<16xi32>], vector<16xf32>,
          %sub3A_530 = arith.subf %gather3A_528, %gather3A_529 : vector<16xf32>
          %mul3A_531 = arith.mulf %sub3A_530, %sub3A_530 : vector<16xf32>
          %add3A_532 = arith.addf %add3A_476, %mul3A_531 : vector<16xf32>
          %add3A_533 = arith.constant 28 : i32
          %add3A_534 = vector.broadcast %add3A_533 : i32 to vector<16xi32>
          %add3A_535 = arith.addi %add3A_143, %add3A_534 : vector<16xi32>
          %add3A_536 = arith.constant 0 : i32
          %add3A_537 = vector.broadcast %add3A_536 : i32 to vector<16xi32>
          %add3A_538 = arith.addi %add3A_535, %add3A_537 : vector<16xi32>
          %and3A_539 = arith.constant 127 : i32
          %and3A_540 = vector.broadcast %and3A_539 : i32 to vector<16xi32>
          %and3A_541 = arith.andi %add3A_538, %and3A_540 : vector<16xi32>
          %gather3A_542 = tpu.vector_load_idx %arg8[%add3A_124, %and3A_541] : memref<160x128xf32, #tpu.memory_space<vmem>>[vector<16xi32>, vector<16xi32>], vector<16xf32>,
          %gather3A_543 = tpu.vector_load_idx %arg10[%add3A_124, %and3A_541] : memref<160x128xf32, #tpu.memory_space<vmem>>[vector<16xi32>, vector<16xi32>], vector<16xf32>,
          %sub3A_544 = arith.subf %gather3A_542, %gather3A_543 : vector<16xf32>
          %mul3A_545 = arith.mulf %sub3A_544, %sub3A_544 : vector<16xf32>
          %add3A_546 = arith.addf %add3A_490, %mul3A_545 : vector<16xf32>
          %add3A_547 = arith.constant 28 : i32
          %add3A_548 = vector.broadcast %add3A_547 : i32 to vector<16xi32>
          %add3A_549 = arith.addi %add3A_143, %add3A_548 : vector<16xi32>
          %add3A_550 = arith.constant 1 : i32
          %add3A_551 = vector.broadcast %add3A_550 : i32 to vector<16xi32>
          %add3A_552 = arith.addi %add3A_549, %add3A_551 : vector<16xi32>
          %and3A_553 = arith.constant 127 : i32
          %and3A_554 = vector.broadcast %and3A_553 : i32 to vector<16xi32>
          %and3A_555 = arith.andi %add3A_552, %and3A_554 : vector<16xi32>
          %gather3A_556 = tpu.vector_load_idx %arg8[%add3A_124, %and3A_555] : memref<160x128xf32, #tpu.memory_space<vmem>>[vector<16xi32>, vector<16xi32>], vector<16xf32>,
          %gather3A_557 = tpu.vector_load_idx %arg10[%add3A_124, %and3A_555] : memref<160x128xf32, #tpu.memory_space<vmem>>[vector<16xi32>, vector<16xi32>], vector<16xf32>,
          %sub3A_558 = arith.subf %gather3A_556, %gather3A_557 : vector<16xf32>
          %mul3A_559 = arith.mulf %sub3A_558, %sub3A_558 : vector<16xf32>
          %add3A_560 = arith.addf %add3A_504, %mul3A_559 : vector<16xf32>
          %add3A_561 = arith.constant 28 : i32
          %add3A_562 = vector.broadcast %add3A_561 : i32 to vector<16xi32>
          %add3A_563 = arith.addi %add3A_143, %add3A_562 : vector<16xi32>
          %add3A_564 = arith.constant 2 : i32
          %add3A_565 = vector.broadcast %add3A_564 : i32 to vector<16xi32>
          %add3A_566 = arith.addi %add3A_563, %add3A_565 : vector<16xi32>
          %and3A_567 = arith.constant 127 : i32
          %and3A_568 = vector.broadcast %and3A_567 : i32 to vector<16xi32>
          %and3A_569 = arith.andi %add3A_566, %and3A_568 : vector<16xi32>
          %gather3A_570 = tpu.vector_load_idx %arg8[%add3A_124, %and3A_569] : memref<160x128xf32, #tpu.memory_space<vmem>>[vector<16xi32>, vector<16xi32>], vector<16xf32>,
          %gather3A_571 = tpu.vector_load_idx %arg10[%add3A_124, %and3A_569] : memref<160x128xf32, #tpu.memory_space<vmem>>[vector<16xi32>, vector<16xi32>], vector<16xf32>,
          %sub3A_572 = arith.subf %gather3A_570, %gather3A_571 : vector<16xf32>
          %mul3A_573 = arith.mulf %sub3A_572, %sub3A_572 : vector<16xf32>
          %add3A_574 = arith.addf %add3A_518, %mul3A_573 : vector<16xf32>
          %add3A_575 = arith.constant 28 : i32
          %add3A_576 = vector.broadcast %add3A_575 : i32 to vector<16xi32>
          %add3A_577 = arith.addi %add3A_143, %add3A_576 : vector<16xi32>
          %add3A_578 = arith.constant 3 : i32
          %add3A_579 = vector.broadcast %add3A_578 : i32 to vector<16xi32>
          %add3A_580 = arith.addi %add3A_577, %add3A_579 : vector<16xi32>
          %and3A_581 = arith.constant 127 : i32
          %and3A_582 = vector.broadcast %and3A_581 : i32 to vector<16xi32>
          %and3A_583 = arith.andi %add3A_580, %and3A_582 : vector<16xi32>
          %gather3A_584 = tpu.vector_load_idx %arg8[%add3A_124, %and3A_583] : memref<160x128xf32, #tpu.memory_space<vmem>>[vector<16xi32>, vector<16xi32>], vector<16xf32>,
          %gather3A_585 = tpu.vector_load_idx %arg10[%add3A_124, %and3A_583] : memref<160x128xf32, #tpu.memory_space<vmem>>[vector<16xi32>, vector<16xi32>], vector<16xf32>,
          %sub3A_586 = arith.subf %gather3A_584, %gather3A_585 : vector<16xf32>
          %mul3A_587 = arith.mulf %sub3A_586, %sub3A_586 : vector<16xf32>
          %add3A_588 = arith.addf %add3A_532, %mul3A_587 : vector<16xf32>
          scf.yield %add3A_546, %add3A_560, %add3A_574, %add3A_588 : vector<16xf32>, vector<16xf32>, vector<16xf32>, vector<16xf32>
        }
        %scan3A_130 = arith.constant 4 : i32
        %add3A_131 = arith.addf %scan3A_129#0, %scan3A_129#1 : vector<16xf32>
        %add3A_132 = arith.addf %scan3A_129#2, %scan3A_129#3 : vector<16xf32>
        %add3A_133 = arith.addf %add3A_131, %add3A_132 : vector<16xf32>
        %mul3A_134 = arith.mulf %add3A_133, %get3A_120 : vector<16xf32>
        tpu.vector_store_idx %arg14[%get3A_116, %iota3A], %mul3A_134 {add = true} : memref<64x16xf32, #tpu.memory_space<vmem>>[vector<16xi32>, vector<16xi32>], vector<16xf32>,
        tpu.vector_store_idx %arg15[%get3A_116, %iota3A], %get3A_120 {add = true} : memref<64x16xf32, #tpu.memory_space<vmem>>[vector<16xi32>, vector<16xi32>], vector<16xf32>,
      }
      %scan3A_76 = arith.constant 10 : i32
      %add3A_77 = arith.constant 2 : i32
      %add3A_78 = arith.addi %mul3A_45, %add3A_77 : i32
      %mul3A_79 = arith.constant 160 : i32
      %mul3A_80 = arith.muli %add3A_78, %mul3A_79 : i32
      %add3A_81 = arith.addi %add3A_4, %mul3A_80 : i32
      %dma_start3A_82 = arith.constant 0 : i32
      %dma_start3A_83 = tpu.memref_slice %arg2[%add3A_81, %dma_start3A_82] : memref<320000x128xf32, #tpu.memory_space<hbm>> -> memref<160x128xf32, #tpu.memory_space<hbm>>
      %dma_start3A_84 = arith.constant 0 : i32
      %dma_start3A_85 = tpu.memref_slice %arg2[%add3A_81, %dma_start3A_84] : memref<320000x128xf32, #tpu.memory_space<hbm>> -> memref<160x128xf32, #tpu.memory_space<hbm>>
      tpu.enqueue_dma source(%dma_start3A_85 : memref<160x128xf32, #tpu.memory_space<hbm>>) target(%arg8 : memref<160x128xf32, #tpu.memory_space<vmem>>) target_semaphore(%arg16 : memref<!tpu.dma_semaphore, #tpu.memory_space<semaphore_mem>>)
      %dma_start3A_86 = arith.constant 0 : i32
      %dma_start3A_87 = tpu.memref_slice %arg3[%add3A_81, %dma_start3A_86] : memref<320000x128xf32, #tpu.memory_space<hbm>> -> memref<160x128xf32, #tpu.memory_space<hbm>>
      %dma_start3A_88 = arith.constant 0 : i32
      %dma_start3A_89 = tpu.memref_slice %arg3[%add3A_81, %dma_start3A_88] : memref<320000x128xf32, #tpu.memory_space<hbm>> -> memref<160x128xf32, #tpu.memory_space<hbm>>
      tpu.enqueue_dma source(%dma_start3A_89 : memref<160x128xf32, #tpu.memory_space<hbm>>) target(%arg10 : memref<160x128xf32, #tpu.memory_space<vmem>>) target_semaphore(%arg18 : memref<!tpu.dma_semaphore, #tpu.memory_space<semaphore_mem>>)
      %dma_wait3A_90 = arith.constant 0 : i32
      %dma_wait3A_91 = arith.constant 0 : i32
      %dma_wait3A_92 = tpu.memref_slice %arg2[%dma_wait3A_90, %dma_wait3A_91] : memref<320000x128xf32, #tpu.memory_space<hbm>> -> memref<160x128xf32, #tpu.memory_space<hbm>>
      %dma_wait3A_93 = arith.constant 0 : i32
      %dma_wait3A_94 = arith.constant 0 : i32
      %dma_wait3A_95 = tpu.memref_slice %arg2[%dma_wait3A_93, %dma_wait3A_94] : memref<320000x128xf32, #tpu.memory_space<hbm>> -> memref<160x128xf32, #tpu.memory_space<hbm>>
      tpu.wait_dma2 semaphore(%arg17 : memref<!tpu.dma_semaphore, #tpu.memory_space<semaphore_mem>>) src(%dma_wait3A_95 : memref<160x128xf32, #tpu.memory_space<hbm>>) dst(%arg9 : memref<160x128xf32, #tpu.memory_space<vmem>>)
      %dma_wait3A_96 = arith.constant 0 : i32
      %dma_wait3A_97 = arith.constant 0 : i32
      %dma_wait3A_98 = tpu.memref_slice %arg3[%dma_wait3A_96, %dma_wait3A_97] : memref<320000x128xf32, #tpu.memory_space<hbm>> -> memref<160x128xf32, #tpu.memory_space<hbm>>
      %dma_wait3A_99 = arith.constant 0 : i32
      %dma_wait3A_100 = arith.constant 0 : i32
      %dma_wait3A_101 = tpu.memref_slice %arg3[%dma_wait3A_99, %dma_wait3A_100] : memref<320000x128xf32, #tpu.memory_space<hbm>> -> memref<160x128xf32, #tpu.memory_space<hbm>>
      tpu.wait_dma2 semaphore(%arg19 : memref<!tpu.dma_semaphore, #tpu.memory_space<semaphore_mem>>) src(%dma_wait3A_101 : memref<160x128xf32, #tpu.memory_space<hbm>>) dst(%arg11 : memref<160x128xf32, #tpu.memory_space<vmem>>)
      %add3A_102 = arith.constant 1 : i32
      %add3A_103 = arith.addi %mul3A_45, %add3A_102 : i32
      %scan3A_104 = arith.constant 0 : i32
      %scan3A_105 = arith.constant 0 : i32
      %scan3A_106 = arith.constant 10 : i32
      %scan3A_107 = arith.addi %scan3A_105, %scan3A_106 : i32
      %scan3A_108 = arith.constant 1 : i32
      scf.for %scan3A_110 = %scan3A_105 to %scan3A_107 step %scan3A_108  : i32 {
        %mul3A_111 = arith.constant 10 : i32
        %mul3A_112 = arith.muli %add3A_103, %mul3A_111 : i32
        %add3A_113 = arith.addi %mul3A_112, %scan3A_110 : i32
        %mul3A_114 = arith.constant 16 : i32
        %mul3A_115 = arith.muli %add3A_113, %mul3A_114 : i32
        %get3A = arith.index_cast %mul3A_115 : i32 to index
        %get3A_116 = tpu.vector_load %arg12[%get3A] {strides = array<i32>} : memref<5600xi32, #tpu.memory_space<vmem>>, vector<16xi32>,
        %mul3A_117 = arith.constant 16 : i32
        %mul3A_118 = arith.muli %add3A_113, %mul3A_117 : i32
        %get3A_119 = arith.index_cast %mul3A_118 : i32 to index
        %get3A_120 = tpu.vector_load %arg13[%get3A_119] {strides = array<i32>} : memref<5600xf32, #tpu.memory_space<vmem>>, vector<16xf32>,
        %mul3A_121 = arith.constant 16 : i32
        %mul3A_122 = arith.muli %scan3A_110, %mul3A_121 : i32
        %add3A_123 = vector.broadcast %mul3A_122 : i32 to vector<16xi32>
        %add3A_124 = arith.addi %iota3A, %add3A_123 : vector<16xi32>
        %scan3A_125 = arith.constant 0 : i32
        %scan3A_126 = arith.constant 4 : i32
        %scan3A_127 = arith.addi %scan3A_125, %scan3A_126 : i32
        %scan3A_128 = arith.constant 1 : i32
        %scan3A_129:4 = scf.for %scan3A_135 = %scan3A_125 to %scan3A_127 step %scan3A_128 iter_args(%scan3A_136 = %broadcast_in_dim3A_5, %scan3A_137 = %broadcast_in_dim3A_5, %scan3A_138 = %broadcast_in_dim3A_5, %scan3A_139 = %broadcast_in_dim3A_5) -> (vector<16xf32>, vector<16xf32>, vector<16xf32>, vector<16xf32>)  : i32 {
          %mul3A_140 = arith.constant 32 : i32
          %mul3A_141 = arith.muli %scan3A_135, %mul3A_140 : i32
          %add3A_142 = vector.broadcast %mul3A_141 : i32 to vector<16xi32>
          %add3A_143 = arith.addi %iota3A, %add3A_142 : vector<16xi32>
          %add3A_144 = arith.constant 0 : i32
          %add3A_145 = vector.broadcast %add3A_144 : i32 to vector<16xi32>
          %add3A_146 = arith.addi %add3A_143, %add3A_145 : vector<16xi32>
          %add3A_147 = arith.constant 0 : i32
          %add3A_148 = vector.broadcast %add3A_147 : i32 to vector<16xi32>
          %add3A_149 = arith.addi %add3A_146, %add3A_148 : vector<16xi32>
          %and3A = arith.constant 127 : i32
          %and3A_150 = vector.broadcast %and3A : i32 to vector<16xi32>
          %and3A_151 = arith.andi %add3A_149, %and3A_150 : vector<16xi32>
          %gather3A = tpu.vector_load_idx %arg9[%add3A_124, %and3A_151] : memref<160x128xf32, #tpu.memory_space<vmem>>[vector<16xi32>, vector<16xi32>], vector<16xf32>,
          %gather3A_152 = tpu.vector_load_idx %arg11[%add3A_124, %and3A_151] : memref<160x128xf32, #tpu.memory_space<vmem>>[vector<16xi32>, vector<16xi32>], vector<16xf32>,
          %sub3A = arith.subf %gather3A, %gather3A_152 : vector<16xf32>
          %mul3A_153 = arith.mulf %sub3A, %sub3A : vector<16xf32>
          %add3A_154 = arith.addf %scan3A_136, %mul3A_153 : vector<16xf32>
          %add3A_155 = arith.constant 0 : i32
          %add3A_156 = vector.broadcast %add3A_155 : i32 to vector<16xi32>
          %add3A_157 = arith.addi %add3A_143, %add3A_156 : vector<16xi32>
          %add3A_158 = arith.constant 1 : i32
          %add3A_159 = vector.broadcast %add3A_158 : i32 to vector<16xi32>
          %add3A_160 = arith.addi %add3A_157, %add3A_159 : vector<16xi32>
          %and3A_161 = arith.constant 127 : i32
          %and3A_162 = vector.broadcast %and3A_161 : i32 to vector<16xi32>
          %and3A_163 = arith.andi %add3A_160, %and3A_162 : vector<16xi32>
          %gather3A_164 = tpu.vector_load_idx %arg9[%add3A_124, %and3A_163] : memref<160x128xf32, #tpu.memory_space<vmem>>[vector<16xi32>, vector<16xi32>], vector<16xf32>,
          %gather3A_165 = tpu.vector_load_idx %arg11[%add3A_124, %and3A_163] : memref<160x128xf32, #tpu.memory_space<vmem>>[vector<16xi32>, vector<16xi32>], vector<16xf32>,
          %sub3A_166 = arith.subf %gather3A_164, %gather3A_165 : vector<16xf32>
          %mul3A_167 = arith.mulf %sub3A_166, %sub3A_166 : vector<16xf32>
          %add3A_168 = arith.addf %scan3A_137, %mul3A_167 : vector<16xf32>
          %add3A_169 = arith.constant 0 : i32
          %add3A_170 = vector.broadcast %add3A_169 : i32 to vector<16xi32>
          %add3A_171 = arith.addi %add3A_143, %add3A_170 : vector<16xi32>
          %add3A_172 = arith.constant 2 : i32
          %add3A_173 = vector.broadcast %add3A_172 : i32 to vector<16xi32>
          %add3A_174 = arith.addi %add3A_171, %add3A_173 : vector<16xi32>
          %and3A_175 = arith.constant 127 : i32
          %and3A_176 = vector.broadcast %and3A_175 : i32 to vector<16xi32>
          %and3A_177 = arith.andi %add3A_174, %and3A_176 : vector<16xi32>
          %gather3A_178 = tpu.vector_load_idx %arg9[%add3A_124, %and3A_177] : memref<160x128xf32, #tpu.memory_space<vmem>>[vector<16xi32>, vector<16xi32>], vector<16xf32>,
          %gather3A_179 = tpu.vector_load_idx %arg11[%add3A_124, %and3A_177] : memref<160x128xf32, #tpu.memory_space<vmem>>[vector<16xi32>, vector<16xi32>], vector<16xf32>,
          %sub3A_180 = arith.subf %gather3A_178, %gather3A_179 : vector<16xf32>
          %mul3A_181 = arith.mulf %sub3A_180, %sub3A_180 : vector<16xf32>
          %add3A_182 = arith.addf %scan3A_138, %mul3A_181 : vector<16xf32>
          %add3A_183 = arith.constant 0 : i32
          %add3A_184 = vector.broadcast %add3A_183 : i32 to vector<16xi32>
          %add3A_185 = arith.addi %add3A_143, %add3A_184 : vector<16xi32>
          %add3A_186 = arith.constant 3 : i32
          %add3A_187 = vector.broadcast %add3A_186 : i32 to vector<16xi32>
          %add3A_188 = arith.addi %add3A_185, %add3A_187 : vector<16xi32>
          %and3A_189 = arith.constant 127 : i32
          %and3A_190 = vector.broadcast %and3A_189 : i32 to vector<16xi32>
          %and3A_191 = arith.andi %add3A_188, %and3A_190 : vector<16xi32>
          %gather3A_192 = tpu.vector_load_idx %arg9[%add3A_124, %and3A_191] : memref<160x128xf32, #tpu.memory_space<vmem>>[vector<16xi32>, vector<16xi32>], vector<16xf32>,
          %gather3A_193 = tpu.vector_load_idx %arg11[%add3A_124, %and3A_191] : memref<160x128xf32, #tpu.memory_space<vmem>>[vector<16xi32>, vector<16xi32>], vector<16xf32>,
          %sub3A_194 = arith.subf %gather3A_192, %gather3A_193 : vector<16xf32>
          %mul3A_195 = arith.mulf %sub3A_194, %sub3A_194 : vector<16xf32>
          %add3A_196 = arith.addf %scan3A_139, %mul3A_195 : vector<16xf32>
          %add3A_197 = arith.constant 4 : i32
          %add3A_198 = vector.broadcast %add3A_197 : i32 to vector<16xi32>
          %add3A_199 = arith.addi %add3A_143, %add3A_198 : vector<16xi32>
          %add3A_200 = arith.constant 0 : i32
          %add3A_201 = vector.broadcast %add3A_200 : i32 to vector<16xi32>
          %add3A_202 = arith.addi %add3A_199, %add3A_201 : vector<16xi32>
          %and3A_203 = arith.constant 127 : i32
          %and3A_204 = vector.broadcast %and3A_203 : i32 to vector<16xi32>
          %and3A_205 = arith.andi %add3A_202, %and3A_204 : vector<16xi32>
          %gather3A_206 = tpu.vector_load_idx %arg9[%add3A_124, %and3A_205] : memref<160x128xf32, #tpu.memory_space<vmem>>[vector<16xi32>, vector<16xi32>], vector<16xf32>,
          %gather3A_207 = tpu.vector_load_idx %arg11[%add3A_124, %and3A_205] : memref<160x128xf32, #tpu.memory_space<vmem>>[vector<16xi32>, vector<16xi32>], vector<16xf32>,
          %sub3A_208 = arith.subf %gather3A_206, %gather3A_207 : vector<16xf32>
          %mul3A_209 = arith.mulf %sub3A_208, %sub3A_208 : vector<16xf32>
          %add3A_210 = arith.addf %add3A_154, %mul3A_209 : vector<16xf32>
          %add3A_211 = arith.constant 4 : i32
          %add3A_212 = vector.broadcast %add3A_211 : i32 to vector<16xi32>
          %add3A_213 = arith.addi %add3A_143, %add3A_212 : vector<16xi32>
          %add3A_214 = arith.constant 1 : i32
          %add3A_215 = vector.broadcast %add3A_214 : i32 to vector<16xi32>
          %add3A_216 = arith.addi %add3A_213, %add3A_215 : vector<16xi32>
          %and3A_217 = arith.constant 127 : i32
          %and3A_218 = vector.broadcast %and3A_217 : i32 to vector<16xi32>
          %and3A_219 = arith.andi %add3A_216, %and3A_218 : vector<16xi32>
          %gather3A_220 = tpu.vector_load_idx %arg9[%add3A_124, %and3A_219] : memref<160x128xf32, #tpu.memory_space<vmem>>[vector<16xi32>, vector<16xi32>], vector<16xf32>,
          %gather3A_221 = tpu.vector_load_idx %arg11[%add3A_124, %and3A_219] : memref<160x128xf32, #tpu.memory_space<vmem>>[vector<16xi32>, vector<16xi32>], vector<16xf32>,
          %sub3A_222 = arith.subf %gather3A_220, %gather3A_221 : vector<16xf32>
          %mul3A_223 = arith.mulf %sub3A_222, %sub3A_222 : vector<16xf32>
          %add3A_224 = arith.addf %add3A_168, %mul3A_223 : vector<16xf32>
          %add3A_225 = arith.constant 4 : i32
          %add3A_226 = vector.broadcast %add3A_225 : i32 to vector<16xi32>
          %add3A_227 = arith.addi %add3A_143, %add3A_226 : vector<16xi32>
          %add3A_228 = arith.constant 2 : i32
          %add3A_229 = vector.broadcast %add3A_228 : i32 to vector<16xi32>
          %add3A_230 = arith.addi %add3A_227, %add3A_229 : vector<16xi32>
          %and3A_231 = arith.constant 127 : i32
          %and3A_232 = vector.broadcast %and3A_231 : i32 to vector<16xi32>
          %and3A_233 = arith.andi %add3A_230, %and3A_232 : vector<16xi32>
          %gather3A_234 = tpu.vector_load_idx %arg9[%add3A_124, %and3A_233] : memref<160x128xf32, #tpu.memory_space<vmem>>[vector<16xi32>, vector<16xi32>], vector<16xf32>,
          %gather3A_235 = tpu.vector_load_idx %arg11[%add3A_124, %and3A_233] : memref<160x128xf32, #tpu.memory_space<vmem>>[vector<16xi32>, vector<16xi32>], vector<16xf32>,
          %sub3A_236 = arith.subf %gather3A_234, %gather3A_235 : vector<16xf32>
          %mul3A_237 = arith.mulf %sub3A_236, %sub3A_236 : vector<16xf32>
          %add3A_238 = arith.addf %add3A_182, %mul3A_237 : vector<16xf32>
          %add3A_239 = arith.constant 4 : i32
          %add3A_240 = vector.broadcast %add3A_239 : i32 to vector<16xi32>
          %add3A_241 = arith.addi %add3A_143, %add3A_240 : vector<16xi32>
          %add3A_242 = arith.constant 3 : i32
          %add3A_243 = vector.broadcast %add3A_242 : i32 to vector<16xi32>
          %add3A_244 = arith.addi %add3A_241, %add3A_243 : vector<16xi32>
          %and3A_245 = arith.constant 127 : i32
          %and3A_246 = vector.broadcast %and3A_245 : i32 to vector<16xi32>
          %and3A_247 = arith.andi %add3A_244, %and3A_246 : vector<16xi32>
          %gather3A_248 = tpu.vector_load_idx %arg9[%add3A_124, %and3A_247] : memref<160x128xf32, #tpu.memory_space<vmem>>[vector<16xi32>, vector<16xi32>], vector<16xf32>,
          %gather3A_249 = tpu.vector_load_idx %arg11[%add3A_124, %and3A_247] : memref<160x128xf32, #tpu.memory_space<vmem>>[vector<16xi32>, vector<16xi32>], vector<16xf32>,
          %sub3A_250 = arith.subf %gather3A_248, %gather3A_249 : vector<16xf32>
          %mul3A_251 = arith.mulf %sub3A_250, %sub3A_250 : vector<16xf32>
          %add3A_252 = arith.addf %add3A_196, %mul3A_251 : vector<16xf32>
          %add3A_253 = arith.constant 8 : i32
          %add3A_254 = vector.broadcast %add3A_253 : i32 to vector<16xi32>
          %add3A_255 = arith.addi %add3A_143, %add3A_254 : vector<16xi32>
          %add3A_256 = arith.constant 0 : i32
          %add3A_257 = vector.broadcast %add3A_256 : i32 to vector<16xi32>
          %add3A_258 = arith.addi %add3A_255, %add3A_257 : vector<16xi32>
          %and3A_259 = arith.constant 127 : i32
          %and3A_260 = vector.broadcast %and3A_259 : i32 to vector<16xi32>
          %and3A_261 = arith.andi %add3A_258, %and3A_260 : vector<16xi32>
          %gather3A_262 = tpu.vector_load_idx %arg9[%add3A_124, %and3A_261] : memref<160x128xf32, #tpu.memory_space<vmem>>[vector<16xi32>, vector<16xi32>], vector<16xf32>,
          %gather3A_263 = tpu.vector_load_idx %arg11[%add3A_124, %and3A_261] : memref<160x128xf32, #tpu.memory_space<vmem>>[vector<16xi32>, vector<16xi32>], vector<16xf32>,
          %sub3A_264 = arith.subf %gather3A_262, %gather3A_263 : vector<16xf32>
          %mul3A_265 = arith.mulf %sub3A_264, %sub3A_264 : vector<16xf32>
          %add3A_266 = arith.addf %add3A_210, %mul3A_265 : vector<16xf32>
          %add3A_267 = arith.constant 8 : i32
          %add3A_268 = vector.broadcast %add3A_267 : i32 to vector<16xi32>
          %add3A_269 = arith.addi %add3A_143, %add3A_268 : vector<16xi32>
          %add3A_270 = arith.constant 1 : i32
          %add3A_271 = vector.broadcast %add3A_270 : i32 to vector<16xi32>
          %add3A_272 = arith.addi %add3A_269, %add3A_271 : vector<16xi32>
          %and3A_273 = arith.constant 127 : i32
          %and3A_274 = vector.broadcast %and3A_273 : i32 to vector<16xi32>
          %and3A_275 = arith.andi %add3A_272, %and3A_274 : vector<16xi32>
          %gather3A_276 = tpu.vector_load_idx %arg9[%add3A_124, %and3A_275] : memref<160x128xf32, #tpu.memory_space<vmem>>[vector<16xi32>, vector<16xi32>], vector<16xf32>,
          %gather3A_277 = tpu.vector_load_idx %arg11[%add3A_124, %and3A_275] : memref<160x128xf32, #tpu.memory_space<vmem>>[vector<16xi32>, vector<16xi32>], vector<16xf32>,
          %sub3A_278 = arith.subf %gather3A_276, %gather3A_277 : vector<16xf32>
          %mul3A_279 = arith.mulf %sub3A_278, %sub3A_278 : vector<16xf32>
          %add3A_280 = arith.addf %add3A_224, %mul3A_279 : vector<16xf32>
          %add3A_281 = arith.constant 8 : i32
          %add3A_282 = vector.broadcast %add3A_281 : i32 to vector<16xi32>
          %add3A_283 = arith.addi %add3A_143, %add3A_282 : vector<16xi32>
          %add3A_284 = arith.constant 2 : i32
          %add3A_285 = vector.broadcast %add3A_284 : i32 to vector<16xi32>
          %add3A_286 = arith.addi %add3A_283, %add3A_285 : vector<16xi32>
          %and3A_287 = arith.constant 127 : i32
          %and3A_288 = vector.broadcast %and3A_287 : i32 to vector<16xi32>
          %and3A_289 = arith.andi %add3A_286, %and3A_288 : vector<16xi32>
          %gather3A_290 = tpu.vector_load_idx %arg9[%add3A_124, %and3A_289] : memref<160x128xf32, #tpu.memory_space<vmem>>[vector<16xi32>, vector<16xi32>], vector<16xf32>,
          %gather3A_291 = tpu.vector_load_idx %arg11[%add3A_124, %and3A_289] : memref<160x128xf32, #tpu.memory_space<vmem>>[vector<16xi32>, vector<16xi32>], vector<16xf32>,
          %sub3A_292 = arith.subf %gather3A_290, %gather3A_291 : vector<16xf32>
          %mul3A_293 = arith.mulf %sub3A_292, %sub3A_292 : vector<16xf32>
          %add3A_294 = arith.addf %add3A_238, %mul3A_293 : vector<16xf32>
          %add3A_295 = arith.constant 8 : i32
          %add3A_296 = vector.broadcast %add3A_295 : i32 to vector<16xi32>
          %add3A_297 = arith.addi %add3A_143, %add3A_296 : vector<16xi32>
          %add3A_298 = arith.constant 3 : i32
          %add3A_299 = vector.broadcast %add3A_298 : i32 to vector<16xi32>
          %add3A_300 = arith.addi %add3A_297, %add3A_299 : vector<16xi32>
          %and3A_301 = arith.constant 127 : i32
          %and3A_302 = vector.broadcast %and3A_301 : i32 to vector<16xi32>
          %and3A_303 = arith.andi %add3A_300, %and3A_302 : vector<16xi32>
          %gather3A_304 = tpu.vector_load_idx %arg9[%add3A_124, %and3A_303] : memref<160x128xf32, #tpu.memory_space<vmem>>[vector<16xi32>, vector<16xi32>], vector<16xf32>,
          %gather3A_305 = tpu.vector_load_idx %arg11[%add3A_124, %and3A_303] : memref<160x128xf32, #tpu.memory_space<vmem>>[vector<16xi32>, vector<16xi32>], vector<16xf32>,
          %sub3A_306 = arith.subf %gather3A_304, %gather3A_305 : vector<16xf32>
          %mul3A_307 = arith.mulf %sub3A_306, %sub3A_306 : vector<16xf32>
          %add3A_308 = arith.addf %add3A_252, %mul3A_307 : vector<16xf32>
          %add3A_309 = arith.constant 12 : i32
          %add3A_310 = vector.broadcast %add3A_309 : i32 to vector<16xi32>
          %add3A_311 = arith.addi %add3A_143, %add3A_310 : vector<16xi32>
          %add3A_312 = arith.constant 0 : i32
          %add3A_313 = vector.broadcast %add3A_312 : i32 to vector<16xi32>
          %add3A_314 = arith.addi %add3A_311, %add3A_313 : vector<16xi32>
          %and3A_315 = arith.constant 127 : i32
          %and3A_316 = vector.broadcast %and3A_315 : i32 to vector<16xi32>
          %and3A_317 = arith.andi %add3A_314, %and3A_316 : vector<16xi32>
          %gather3A_318 = tpu.vector_load_idx %arg9[%add3A_124, %and3A_317] : memref<160x128xf32, #tpu.memory_space<vmem>>[vector<16xi32>, vector<16xi32>], vector<16xf32>,
          %gather3A_319 = tpu.vector_load_idx %arg11[%add3A_124, %and3A_317] : memref<160x128xf32, #tpu.memory_space<vmem>>[vector<16xi32>, vector<16xi32>], vector<16xf32>,
          %sub3A_320 = arith.subf %gather3A_318, %gather3A_319 : vector<16xf32>
          %mul3A_321 = arith.mulf %sub3A_320, %sub3A_320 : vector<16xf32>
          %add3A_322 = arith.addf %add3A_266, %mul3A_321 : vector<16xf32>
          %add3A_323 = arith.constant 12 : i32
          %add3A_324 = vector.broadcast %add3A_323 : i32 to vector<16xi32>
          %add3A_325 = arith.addi %add3A_143, %add3A_324 : vector<16xi32>
          %add3A_326 = arith.constant 1 : i32
          %add3A_327 = vector.broadcast %add3A_326 : i32 to vector<16xi32>
          %add3A_328 = arith.addi %add3A_325, %add3A_327 : vector<16xi32>
          %and3A_329 = arith.constant 127 : i32
          %and3A_330 = vector.broadcast %and3A_329 : i32 to vector<16xi32>
          %and3A_331 = arith.andi %add3A_328, %and3A_330 : vector<16xi32>
          %gather3A_332 = tpu.vector_load_idx %arg9[%add3A_124, %and3A_331] : memref<160x128xf32, #tpu.memory_space<vmem>>[vector<16xi32>, vector<16xi32>], vector<16xf32>,
          %gather3A_333 = tpu.vector_load_idx %arg11[%add3A_124, %and3A_331] : memref<160x128xf32, #tpu.memory_space<vmem>>[vector<16xi32>, vector<16xi32>], vector<16xf32>,
          %sub3A_334 = arith.subf %gather3A_332, %gather3A_333 : vector<16xf32>
          %mul3A_335 = arith.mulf %sub3A_334, %sub3A_334 : vector<16xf32>
          %add3A_336 = arith.addf %add3A_280, %mul3A_335 : vector<16xf32>
          %add3A_337 = arith.constant 12 : i32
          %add3A_338 = vector.broadcast %add3A_337 : i32 to vector<16xi32>
          %add3A_339 = arith.addi %add3A_143, %add3A_338 : vector<16xi32>
          %add3A_340 = arith.constant 2 : i32
          %add3A_341 = vector.broadcast %add3A_340 : i32 to vector<16xi32>
          %add3A_342 = arith.addi %add3A_339, %add3A_341 : vector<16xi32>
          %and3A_343 = arith.constant 127 : i32
          %and3A_344 = vector.broadcast %and3A_343 : i32 to vector<16xi32>
          %and3A_345 = arith.andi %add3A_342, %and3A_344 : vector<16xi32>
          %gather3A_346 = tpu.vector_load_idx %arg9[%add3A_124, %and3A_345] : memref<160x128xf32, #tpu.memory_space<vmem>>[vector<16xi32>, vector<16xi32>], vector<16xf32>,
          %gather3A_347 = tpu.vector_load_idx %arg11[%add3A_124, %and3A_345] : memref<160x128xf32, #tpu.memory_space<vmem>>[vector<16xi32>, vector<16xi32>], vector<16xf32>,
          %sub3A_348 = arith.subf %gather3A_346, %gather3A_347 : vector<16xf32>
          %mul3A_349 = arith.mulf %sub3A_348, %sub3A_348 : vector<16xf32>
          %add3A_350 = arith.addf %add3A_294, %mul3A_349 : vector<16xf32>
          %add3A_351 = arith.constant 12 : i32
          %add3A_352 = vector.broadcast %add3A_351 : i32 to vector<16xi32>
          %add3A_353 = arith.addi %add3A_143, %add3A_352 : vector<16xi32>
          %add3A_354 = arith.constant 3 : i32
          %add3A_355 = vector.broadcast %add3A_354 : i32 to vector<16xi32>
          %add3A_356 = arith.addi %add3A_353, %add3A_355 : vector<16xi32>
          %and3A_357 = arith.constant 127 : i32
          %and3A_358 = vector.broadcast %and3A_357 : i32 to vector<16xi32>
          %and3A_359 = arith.andi %add3A_356, %and3A_358 : vector<16xi32>
          %gather3A_360 = tpu.vector_load_idx %arg9[%add3A_124, %and3A_359] : memref<160x128xf32, #tpu.memory_space<vmem>>[vector<16xi32>, vector<16xi32>], vector<16xf32>,
          %gather3A_361 = tpu.vector_load_idx %arg11[%add3A_124, %and3A_359] : memref<160x128xf32, #tpu.memory_space<vmem>>[vector<16xi32>, vector<16xi32>], vector<16xf32>,
          %sub3A_362 = arith.subf %gather3A_360, %gather3A_361 : vector<16xf32>
          %mul3A_363 = arith.mulf %sub3A_362, %sub3A_362 : vector<16xf32>
          %add3A_364 = arith.addf %add3A_308, %mul3A_363 : vector<16xf32>
          %add3A_365 = arith.constant 16 : i32
          %add3A_366 = vector.broadcast %add3A_365 : i32 to vector<16xi32>
          %add3A_367 = arith.addi %add3A_143, %add3A_366 : vector<16xi32>
          %add3A_368 = arith.constant 0 : i32
          %add3A_369 = vector.broadcast %add3A_368 : i32 to vector<16xi32>
          %add3A_370 = arith.addi %add3A_367, %add3A_369 : vector<16xi32>
          %and3A_371 = arith.constant 127 : i32
          %and3A_372 = vector.broadcast %and3A_371 : i32 to vector<16xi32>
          %and3A_373 = arith.andi %add3A_370, %and3A_372 : vector<16xi32>
          %gather3A_374 = tpu.vector_load_idx %arg9[%add3A_124, %and3A_373] : memref<160x128xf32, #tpu.memory_space<vmem>>[vector<16xi32>, vector<16xi32>], vector<16xf32>,
          %gather3A_375 = tpu.vector_load_idx %arg11[%add3A_124, %and3A_373] : memref<160x128xf32, #tpu.memory_space<vmem>>[vector<16xi32>, vector<16xi32>], vector<16xf32>,
          %sub3A_376 = arith.subf %gather3A_374, %gather3A_375 : vector<16xf32>
          %mul3A_377 = arith.mulf %sub3A_376, %sub3A_376 : vector<16xf32>
          %add3A_378 = arith.addf %add3A_322, %mul3A_377 : vector<16xf32>
          %add3A_379 = arith.constant 16 : i32
          %add3A_380 = vector.broadcast %add3A_379 : i32 to vector<16xi32>
          %add3A_381 = arith.addi %add3A_143, %add3A_380 : vector<16xi32>
          %add3A_382 = arith.constant 1 : i32
          %add3A_383 = vector.broadcast %add3A_382 : i32 to vector<16xi32>
          %add3A_384 = arith.addi %add3A_381, %add3A_383 : vector<16xi32>
          %and3A_385 = arith.constant 127 : i32
          %and3A_386 = vector.broadcast %and3A_385 : i32 to vector<16xi32>
          %and3A_387 = arith.andi %add3A_384, %and3A_386 : vector<16xi32>
          %gather3A_388 = tpu.vector_load_idx %arg9[%add3A_124, %and3A_387] : memref<160x128xf32, #tpu.memory_space<vmem>>[vector<16xi32>, vector<16xi32>], vector<16xf32>,
          %gather3A_389 = tpu.vector_load_idx %arg11[%add3A_124, %and3A_387] : memref<160x128xf32, #tpu.memory_space<vmem>>[vector<16xi32>, vector<16xi32>], vector<16xf32>,
          %sub3A_390 = arith.subf %gather3A_388, %gather3A_389 : vector<16xf32>
          %mul3A_391 = arith.mulf %sub3A_390, %sub3A_390 : vector<16xf32>
          %add3A_392 = arith.addf %add3A_336, %mul3A_391 : vector<16xf32>
          %add3A_393 = arith.constant 16 : i32
          %add3A_394 = vector.broadcast %add3A_393 : i32 to vector<16xi32>
          %add3A_395 = arith.addi %add3A_143, %add3A_394 : vector<16xi32>
          %add3A_396 = arith.constant 2 : i32
          %add3A_397 = vector.broadcast %add3A_396 : i32 to vector<16xi32>
          %add3A_398 = arith.addi %add3A_395, %add3A_397 : vector<16xi32>
          %and3A_399 = arith.constant 127 : i32
          %and3A_400 = vector.broadcast %and3A_399 : i32 to vector<16xi32>
          %and3A_401 = arith.andi %add3A_398, %and3A_400 : vector<16xi32>
          %gather3A_402 = tpu.vector_load_idx %arg9[%add3A_124, %and3A_401] : memref<160x128xf32, #tpu.memory_space<vmem>>[vector<16xi32>, vector<16xi32>], vector<16xf32>,
          %gather3A_403 = tpu.vector_load_idx %arg11[%add3A_124, %and3A_401] : memref<160x128xf32, #tpu.memory_space<vmem>>[vector<16xi32>, vector<16xi32>], vector<16xf32>,
          %sub3A_404 = arith.subf %gather3A_402, %gather3A_403 : vector<16xf32>
          %mul3A_405 = arith.mulf %sub3A_404, %sub3A_404 : vector<16xf32>
          %add3A_406 = arith.addf %add3A_350, %mul3A_405 : vector<16xf32>
          %add3A_407 = arith.constant 16 : i32
          %add3A_408 = vector.broadcast %add3A_407 : i32 to vector<16xi32>
          %add3A_409 = arith.addi %add3A_143, %add3A_408 : vector<16xi32>
          %add3A_410 = arith.constant 3 : i32
          %add3A_411 = vector.broadcast %add3A_410 : i32 to vector<16xi32>
          %add3A_412 = arith.addi %add3A_409, %add3A_411 : vector<16xi32>
          %and3A_413 = arith.constant 127 : i32
          %and3A_414 = vector.broadcast %and3A_413 : i32 to vector<16xi32>
          %and3A_415 = arith.andi %add3A_412, %and3A_414 : vector<16xi32>
          %gather3A_416 = tpu.vector_load_idx %arg9[%add3A_124, %and3A_415] : memref<160x128xf32, #tpu.memory_space<vmem>>[vector<16xi32>, vector<16xi32>], vector<16xf32>,
          %gather3A_417 = tpu.vector_load_idx %arg11[%add3A_124, %and3A_415] : memref<160x128xf32, #tpu.memory_space<vmem>>[vector<16xi32>, vector<16xi32>], vector<16xf32>,
          %sub3A_418 = arith.subf %gather3A_416, %gather3A_417 : vector<16xf32>
          %mul3A_419 = arith.mulf %sub3A_418, %sub3A_418 : vector<16xf32>
          %add3A_420 = arith.addf %add3A_364, %mul3A_419 : vector<16xf32>
          %add3A_421 = arith.constant 20 : i32
          %add3A_422 = vector.broadcast %add3A_421 : i32 to vector<16xi32>
          %add3A_423 = arith.addi %add3A_143, %add3A_422 : vector<16xi32>
          %add3A_424 = arith.constant 0 : i32
          %add3A_425 = vector.broadcast %add3A_424 : i32 to vector<16xi32>
          %add3A_426 = arith.addi %add3A_423, %add3A_425 : vector<16xi32>
          %and3A_427 = arith.constant 127 : i32
          %and3A_428 = vector.broadcast %and3A_427 : i32 to vector<16xi32>
          %and3A_429 = arith.andi %add3A_426, %and3A_428 : vector<16xi32>
          %gather3A_430 = tpu.vector_load_idx %arg9[%add3A_124, %and3A_429] : memref<160x128xf32, #tpu.memory_space<vmem>>[vector<16xi32>, vector<16xi32>], vector<16xf32>,
          %gather3A_431 = tpu.vector_load_idx %arg11[%add3A_124, %and3A_429] : memref<160x128xf32, #tpu.memory_space<vmem>>[vector<16xi32>, vector<16xi32>], vector<16xf32>,
          %sub3A_432 = arith.subf %gather3A_430, %gather3A_431 : vector<16xf32>
          %mul3A_433 = arith.mulf %sub3A_432, %sub3A_432 : vector<16xf32>
          %add3A_434 = arith.addf %add3A_378, %mul3A_433 : vector<16xf32>
          %add3A_435 = arith.constant 20 : i32
          %add3A_436 = vector.broadcast %add3A_435 : i32 to vector<16xi32>
          %add3A_437 = arith.addi %add3A_143, %add3A_436 : vector<16xi32>
          %add3A_438 = arith.constant 1 : i32
          %add3A_439 = vector.broadcast %add3A_438 : i32 to vector<16xi32>
          %add3A_440 = arith.addi %add3A_437, %add3A_439 : vector<16xi32>
          %and3A_441 = arith.constant 127 : i32
          %and3A_442 = vector.broadcast %and3A_441 : i32 to vector<16xi32>
          %and3A_443 = arith.andi %add3A_440, %and3A_442 : vector<16xi32>
          %gather3A_444 = tpu.vector_load_idx %arg9[%add3A_124, %and3A_443] : memref<160x128xf32, #tpu.memory_space<vmem>>[vector<16xi32>, vector<16xi32>], vector<16xf32>,
          %gather3A_445 = tpu.vector_load_idx %arg11[%add3A_124, %and3A_443] : memref<160x128xf32, #tpu.memory_space<vmem>>[vector<16xi32>, vector<16xi32>], vector<16xf32>,
          %sub3A_446 = arith.subf %gather3A_444, %gather3A_445 : vector<16xf32>
          %mul3A_447 = arith.mulf %sub3A_446, %sub3A_446 : vector<16xf32>
          %add3A_448 = arith.addf %add3A_392, %mul3A_447 : vector<16xf32>
          %add3A_449 = arith.constant 20 : i32
          %add3A_450 = vector.broadcast %add3A_449 : i32 to vector<16xi32>
          %add3A_451 = arith.addi %add3A_143, %add3A_450 : vector<16xi32>
          %add3A_452 = arith.constant 2 : i32
          %add3A_453 = vector.broadcast %add3A_452 : i32 to vector<16xi32>
          %add3A_454 = arith.addi %add3A_451, %add3A_453 : vector<16xi32>
          %and3A_455 = arith.constant 127 : i32
          %and3A_456 = vector.broadcast %and3A_455 : i32 to vector<16xi32>
          %and3A_457 = arith.andi %add3A_454, %and3A_456 : vector<16xi32>
          %gather3A_458 = tpu.vector_load_idx %arg9[%add3A_124, %and3A_457] : memref<160x128xf32, #tpu.memory_space<vmem>>[vector<16xi32>, vector<16xi32>], vector<16xf32>,
          %gather3A_459 = tpu.vector_load_idx %arg11[%add3A_124, %and3A_457] : memref<160x128xf32, #tpu.memory_space<vmem>>[vector<16xi32>, vector<16xi32>], vector<16xf32>,
          %sub3A_460 = arith.subf %gather3A_458, %gather3A_459 : vector<16xf32>
          %mul3A_461 = arith.mulf %sub3A_460, %sub3A_460 : vector<16xf32>
          %add3A_462 = arith.addf %add3A_406, %mul3A_461 : vector<16xf32>
          %add3A_463 = arith.constant 20 : i32
          %add3A_464 = vector.broadcast %add3A_463 : i32 to vector<16xi32>
          %add3A_465 = arith.addi %add3A_143, %add3A_464 : vector<16xi32>
          %add3A_466 = arith.constant 3 : i32
          %add3A_467 = vector.broadcast %add3A_466 : i32 to vector<16xi32>
          %add3A_468 = arith.addi %add3A_465, %add3A_467 : vector<16xi32>
          %and3A_469 = arith.constant 127 : i32
          %and3A_470 = vector.broadcast %and3A_469 : i32 to vector<16xi32>
          %and3A_471 = arith.andi %add3A_468, %and3A_470 : vector<16xi32>
          %gather3A_472 = tpu.vector_load_idx %arg9[%add3A_124, %and3A_471] : memref<160x128xf32, #tpu.memory_space<vmem>>[vector<16xi32>, vector<16xi32>], vector<16xf32>,
          %gather3A_473 = tpu.vector_load_idx %arg11[%add3A_124, %and3A_471] : memref<160x128xf32, #tpu.memory_space<vmem>>[vector<16xi32>, vector<16xi32>], vector<16xf32>,
          %sub3A_474 = arith.subf %gather3A_472, %gather3A_473 : vector<16xf32>
          %mul3A_475 = arith.mulf %sub3A_474, %sub3A_474 : vector<16xf32>
          %add3A_476 = arith.addf %add3A_420, %mul3A_475 : vector<16xf32>
          %add3A_477 = arith.constant 24 : i32
          %add3A_478 = vector.broadcast %add3A_477 : i32 to vector<16xi32>
          %add3A_479 = arith.addi %add3A_143, %add3A_478 : vector<16xi32>
          %add3A_480 = arith.constant 0 : i32
          %add3A_481 = vector.broadcast %add3A_480 : i32 to vector<16xi32>
          %add3A_482 = arith.addi %add3A_479, %add3A_481 : vector<16xi32>
          %and3A_483 = arith.constant 127 : i32
          %and3A_484 = vector.broadcast %and3A_483 : i32 to vector<16xi32>
          %and3A_485 = arith.andi %add3A_482, %and3A_484 : vector<16xi32>
          %gather3A_486 = tpu.vector_load_idx %arg9[%add3A_124, %and3A_485] : memref<160x128xf32, #tpu.memory_space<vmem>>[vector<16xi32>, vector<16xi32>], vector<16xf32>,
          %gather3A_487 = tpu.vector_load_idx %arg11[%add3A_124, %and3A_485] : memref<160x128xf32, #tpu.memory_space<vmem>>[vector<16xi32>, vector<16xi32>], vector<16xf32>,
          %sub3A_488 = arith.subf %gather3A_486, %gather3A_487 : vector<16xf32>
          %mul3A_489 = arith.mulf %sub3A_488, %sub3A_488 : vector<16xf32>
          %add3A_490 = arith.addf %add3A_434, %mul3A_489 : vector<16xf32>
          %add3A_491 = arith.constant 24 : i32
          %add3A_492 = vector.broadcast %add3A_491 : i32 to vector<16xi32>
          %add3A_493 = arith.addi %add3A_143, %add3A_492 : vector<16xi32>
          %add3A_494 = arith.constant 1 : i32
          %add3A_495 = vector.broadcast %add3A_494 : i32 to vector<16xi32>
          %add3A_496 = arith.addi %add3A_493, %add3A_495 : vector<16xi32>
          %and3A_497 = arith.constant 127 : i32
          %and3A_498 = vector.broadcast %and3A_497 : i32 to vector<16xi32>
          %and3A_499 = arith.andi %add3A_496, %and3A_498 : vector<16xi32>
          %gather3A_500 = tpu.vector_load_idx %arg9[%add3A_124, %and3A_499] : memref<160x128xf32, #tpu.memory_space<vmem>>[vector<16xi32>, vector<16xi32>], vector<16xf32>,
          %gather3A_501 = tpu.vector_load_idx %arg11[%add3A_124, %and3A_499] : memref<160x128xf32, #tpu.memory_space<vmem>>[vector<16xi32>, vector<16xi32>], vector<16xf32>,
          %sub3A_502 = arith.subf %gather3A_500, %gather3A_501 : vector<16xf32>
          %mul3A_503 = arith.mulf %sub3A_502, %sub3A_502 : vector<16xf32>
          %add3A_504 = arith.addf %add3A_448, %mul3A_503 : vector<16xf32>
          %add3A_505 = arith.constant 24 : i32
          %add3A_506 = vector.broadcast %add3A_505 : i32 to vector<16xi32>
          %add3A_507 = arith.addi %add3A_143, %add3A_506 : vector<16xi32>
          %add3A_508 = arith.constant 2 : i32
          %add3A_509 = vector.broadcast %add3A_508 : i32 to vector<16xi32>
          %add3A_510 = arith.addi %add3A_507, %add3A_509 : vector<16xi32>
          %and3A_511 = arith.constant 127 : i32
          %and3A_512 = vector.broadcast %and3A_511 : i32 to vector<16xi32>
          %and3A_513 = arith.andi %add3A_510, %and3A_512 : vector<16xi32>
          %gather3A_514 = tpu.vector_load_idx %arg9[%add3A_124, %and3A_513] : memref<160x128xf32, #tpu.memory_space<vmem>>[vector<16xi32>, vector<16xi32>], vector<16xf32>,
          %gather3A_515 = tpu.vector_load_idx %arg11[%add3A_124, %and3A_513] : memref<160x128xf32, #tpu.memory_space<vmem>>[vector<16xi32>, vector<16xi32>], vector<16xf32>,
          %sub3A_516 = arith.subf %gather3A_514, %gather3A_515 : vector<16xf32>
          %mul3A_517 = arith.mulf %sub3A_516, %sub3A_516 : vector<16xf32>
          %add3A_518 = arith.addf %add3A_462, %mul3A_517 : vector<16xf32>
          %add3A_519 = arith.constant 24 : i32
          %add3A_520 = vector.broadcast %add3A_519 : i32 to vector<16xi32>
          %add3A_521 = arith.addi %add3A_143, %add3A_520 : vector<16xi32>
          %add3A_522 = arith.constant 3 : i32
          %add3A_523 = vector.broadcast %add3A_522 : i32 to vector<16xi32>
          %add3A_524 = arith.addi %add3A_521, %add3A_523 : vector<16xi32>
          %and3A_525 = arith.constant 127 : i32
          %and3A_526 = vector.broadcast %and3A_525 : i32 to vector<16xi32>
          %and3A_527 = arith.andi %add3A_524, %and3A_526 : vector<16xi32>
          %gather3A_528 = tpu.vector_load_idx %arg9[%add3A_124, %and3A_527] : memref<160x128xf32, #tpu.memory_space<vmem>>[vector<16xi32>, vector<16xi32>], vector<16xf32>,
          %gather3A_529 = tpu.vector_load_idx %arg11[%add3A_124, %and3A_527] : memref<160x128xf32, #tpu.memory_space<vmem>>[vector<16xi32>, vector<16xi32>], vector<16xf32>,
          %sub3A_530 = arith.subf %gather3A_528, %gather3A_529 : vector<16xf32>
          %mul3A_531 = arith.mulf %sub3A_530, %sub3A_530 : vector<16xf32>
          %add3A_532 = arith.addf %add3A_476, %mul3A_531 : vector<16xf32>
          %add3A_533 = arith.constant 28 : i32
          %add3A_534 = vector.broadcast %add3A_533 : i32 to vector<16xi32>
          %add3A_535 = arith.addi %add3A_143, %add3A_534 : vector<16xi32>
          %add3A_536 = arith.constant 0 : i32
          %add3A_537 = vector.broadcast %add3A_536 : i32 to vector<16xi32>
          %add3A_538 = arith.addi %add3A_535, %add3A_537 : vector<16xi32>
          %and3A_539 = arith.constant 127 : i32
          %and3A_540 = vector.broadcast %and3A_539 : i32 to vector<16xi32>
          %and3A_541 = arith.andi %add3A_538, %and3A_540 : vector<16xi32>
          %gather3A_542 = tpu.vector_load_idx %arg9[%add3A_124, %and3A_541] : memref<160x128xf32, #tpu.memory_space<vmem>>[vector<16xi32>, vector<16xi32>], vector<16xf32>,
          %gather3A_543 = tpu.vector_load_idx %arg11[%add3A_124, %and3A_541] : memref<160x128xf32, #tpu.memory_space<vmem>>[vector<16xi32>, vector<16xi32>], vector<16xf32>,
          %sub3A_544 = arith.subf %gather3A_542, %gather3A_543 : vector<16xf32>
          %mul3A_545 = arith.mulf %sub3A_544, %sub3A_544 : vector<16xf32>
          %add3A_546 = arith.addf %add3A_490, %mul3A_545 : vector<16xf32>
          %add3A_547 = arith.constant 28 : i32
          %add3A_548 = vector.broadcast %add3A_547 : i32 to vector<16xi32>
          %add3A_549 = arith.addi %add3A_143, %add3A_548 : vector<16xi32>
          %add3A_550 = arith.constant 1 : i32
          %add3A_551 = vector.broadcast %add3A_550 : i32 to vector<16xi32>
          %add3A_552 = arith.addi %add3A_549, %add3A_551 : vector<16xi32>
          %and3A_553 = arith.constant 127 : i32
          %and3A_554 = vector.broadcast %and3A_553 : i32 to vector<16xi32>
          %and3A_555 = arith.andi %add3A_552, %and3A_554 : vector<16xi32>
          %gather3A_556 = tpu.vector_load_idx %arg9[%add3A_124, %and3A_555] : memref<160x128xf32, #tpu.memory_space<vmem>>[vector<16xi32>, vector<16xi32>], vector<16xf32>,
          %gather3A_557 = tpu.vector_load_idx %arg11[%add3A_124, %and3A_555] : memref<160x128xf32, #tpu.memory_space<vmem>>[vector<16xi32>, vector<16xi32>], vector<16xf32>,
          %sub3A_558 = arith.subf %gather3A_556, %gather3A_557 : vector<16xf32>
          %mul3A_559 = arith.mulf %sub3A_558, %sub3A_558 : vector<16xf32>
          %add3A_560 = arith.addf %add3A_504, %mul3A_559 : vector<16xf32>
          %add3A_561 = arith.constant 28 : i32
          %add3A_562 = vector.broadcast %add3A_561 : i32 to vector<16xi32>
          %add3A_563 = arith.addi %add3A_143, %add3A_562 : vector<16xi32>
          %add3A_564 = arith.constant 2 : i32
          %add3A_565 = vector.broadcast %add3A_564 : i32 to vector<16xi32>
          %add3A_566 = arith.addi %add3A_563, %add3A_565 : vector<16xi32>
          %and3A_567 = arith.constant 127 : i32
          %and3A_568 = vector.broadcast %and3A_567 : i32 to vector<16xi32>
          %and3A_569 = arith.andi %add3A_566, %and3A_568 : vector<16xi32>
          %gather3A_570 = tpu.vector_load_idx %arg9[%add3A_124, %and3A_569] : memref<160x128xf32, #tpu.memory_space<vmem>>[vector<16xi32>, vector<16xi32>], vector<16xf32>,
          %gather3A_571 = tpu.vector_load_idx %arg11[%add3A_124, %and3A_569] : memref<160x128xf32, #tpu.memory_space<vmem>>[vector<16xi32>, vector<16xi32>], vector<16xf32>,
          %sub3A_572 = arith.subf %gather3A_570, %gather3A_571 : vector<16xf32>
          %mul3A_573 = arith.mulf %sub3A_572, %sub3A_572 : vector<16xf32>
          %add3A_574 = arith.addf %add3A_518, %mul3A_573 : vector<16xf32>
          %add3A_575 = arith.constant 28 : i32
          %add3A_576 = vector.broadcast %add3A_575 : i32 to vector<16xi32>
          %add3A_577 = arith.addi %add3A_143, %add3A_576 : vector<16xi32>
          %add3A_578 = arith.constant 3 : i32
          %add3A_579 = vector.broadcast %add3A_578 : i32 to vector<16xi32>
          %add3A_580 = arith.addi %add3A_577, %add3A_579 : vector<16xi32>
          %and3A_581 = arith.constant 127 : i32
          %and3A_582 = vector.broadcast %and3A_581 : i32 to vector<16xi32>
          %and3A_583 = arith.andi %add3A_580, %and3A_582 : vector<16xi32>
          %gather3A_584 = tpu.vector_load_idx %arg9[%add3A_124, %and3A_583] : memref<160x128xf32, #tpu.memory_space<vmem>>[vector<16xi32>, vector<16xi32>], vector<16xf32>,
          %gather3A_585 = tpu.vector_load_idx %arg11[%add3A_124, %and3A_583] : memref<160x128xf32, #tpu.memory_space<vmem>>[vector<16xi32>, vector<16xi32>], vector<16xf32>,
          %sub3A_586 = arith.subf %gather3A_584, %gather3A_585 : vector<16xf32>
          %mul3A_587 = arith.mulf %sub3A_586, %sub3A_586 : vector<16xf32>
          %add3A_588 = arith.addf %add3A_532, %mul3A_587 : vector<16xf32>
          scf.yield %add3A_546, %add3A_560, %add3A_574, %add3A_588 : vector<16xf32>, vector<16xf32>, vector<16xf32>, vector<16xf32>
        }
        %scan3A_130 = arith.constant 4 : i32
        %add3A_131 = arith.addf %scan3A_129#0, %scan3A_129#1 : vector<16xf32>
        %add3A_132 = arith.addf %scan3A_129#2, %scan3A_129#3 : vector<16xf32>
        %add3A_133 = arith.addf %add3A_131, %add3A_132 : vector<16xf32>
        %mul3A_134 = arith.mulf %add3A_133, %get3A_120 : vector<16xf32>
        tpu.vector_store_idx %arg14[%get3A_116, %iota3A], %mul3A_134 {add = true} : memref<64x16xf32, #tpu.memory_space<vmem>>[vector<16xi32>, vector<16xi32>], vector<16xf32>,
        tpu.vector_store_idx %arg15[%get3A_116, %iota3A], %get3A_120 {add = true} : memref<64x16xf32, #tpu.memory_space<vmem>>[vector<16xi32>, vector<16xi32>], vector<16xf32>,
      }
      %scan3A_109 = arith.constant 10 : i32
    }
    %scan3A_25 = arith.constant 17 : i32
    %dma_wait3A = arith.constant 0 : i32
    %dma_wait3A_26 = arith.constant 0 : i32
    %dma_wait3A_27 = tpu.memref_slice %arg2[%dma_wait3A, %dma_wait3A_26] : memref<320000x128xf32, #tpu.memory_space<hbm>> -> memref<160x128xf32, #tpu.memory_space<hbm>>
    %dma_wait3A_28 = arith.constant 0 : i32
    %dma_wait3A_29 = arith.constant 0 : i32
    %dma_wait3A_30 = tpu.memref_slice %arg2[%dma_wait3A_28, %dma_wait3A_29] : memref<320000x128xf32, #tpu.memory_space<hbm>> -> memref<160x128xf32, #tpu.memory_space<hbm>>
    tpu.wait_dma2 semaphore(%arg16 : memref<!tpu.dma_semaphore, #tpu.memory_space<semaphore_mem>>) src(%dma_wait3A_30 : memref<160x128xf32, #tpu.memory_space<hbm>>) dst(%arg8 : memref<160x128xf32, #tpu.memory_space<vmem>>)
    %dma_wait3A_31 = arith.constant 0 : i32
    %dma_wait3A_32 = arith.constant 0 : i32
    %dma_wait3A_33 = tpu.memref_slice %arg3[%dma_wait3A_31, %dma_wait3A_32] : memref<320000x128xf32, #tpu.memory_space<hbm>> -> memref<160x128xf32, #tpu.memory_space<hbm>>
    %dma_wait3A_34 = arith.constant 0 : i32
    %dma_wait3A_35 = arith.constant 0 : i32
    %dma_wait3A_36 = tpu.memref_slice %arg3[%dma_wait3A_34, %dma_wait3A_35] : memref<320000x128xf32, #tpu.memory_space<hbm>> -> memref<160x128xf32, #tpu.memory_space<hbm>>
    tpu.wait_dma2 semaphore(%arg18 : memref<!tpu.dma_semaphore, #tpu.memory_space<semaphore_mem>>) src(%dma_wait3A_36 : memref<160x128xf32, #tpu.memory_space<hbm>>) dst(%arg10 : memref<160x128xf32, #tpu.memory_space<vmem>>)
    %scan3A_37 = arith.constant 0 : i32
    %scan3A_38 = arith.constant 0 : i32
    %scan3A_39 = arith.constant 10 : i32
    %scan3A_40 = arith.addi %scan3A_38, %scan3A_39 : i32
    %scan3A_41 = arith.constant 1 : i32
    scf.for %scan3A_43 = %scan3A_38 to %scan3A_40 step %scan3A_41  : i32 {
      %add3A_44 = arith.constant 340 : i32
      %add3A_45 = arith.addi %add3A_44, %scan3A_43 : i32
      %mul3A_46 = arith.constant 16 : i32
      %mul3A_47 = arith.muli %add3A_45, %mul3A_46 : i32
      %get3A = arith.index_cast %mul3A_47 : i32 to index
      %get3A_48 = tpu.vector_load %arg12[%get3A] {strides = array<i32>} : memref<5600xi32, #tpu.memory_space<vmem>>, vector<16xi32>,
      %mul3A_49 = arith.constant 16 : i32
      %mul3A_50 = arith.muli %add3A_45, %mul3A_49 : i32
      %get3A_51 = arith.index_cast %mul3A_50 : i32 to index
      %get3A_52 = tpu.vector_load %arg13[%get3A_51] {strides = array<i32>} : memref<5600xf32, #tpu.memory_space<vmem>>, vector<16xf32>,
      %mul3A_53 = arith.constant 16 : i32
      %mul3A_54 = arith.muli %scan3A_43, %mul3A_53 : i32
      %add3A_55 = vector.broadcast %mul3A_54 : i32 to vector<16xi32>
      %add3A_56 = arith.addi %iota3A, %add3A_55 : vector<16xi32>
      %scan3A_57 = arith.constant 0 : i32
      %scan3A_58 = arith.constant 4 : i32
      %scan3A_59 = arith.addi %scan3A_57, %scan3A_58 : i32
      %scan3A_60 = arith.constant 1 : i32
      %scan3A_61:4 = scf.for %scan3A_67 = %scan3A_57 to %scan3A_59 step %scan3A_60 iter_args(%scan3A_68 = %broadcast_in_dim3A_5, %scan3A_69 = %broadcast_in_dim3A_5, %scan3A_70 = %broadcast_in_dim3A_5, %scan3A_71 = %broadcast_in_dim3A_5) -> (vector<16xf32>, vector<16xf32>, vector<16xf32>, vector<16xf32>)  : i32 {
        %mul3A_72 = arith.constant 32 : i32
        %mul3A_73 = arith.muli %scan3A_67, %mul3A_72 : i32
        %add3A_74 = vector.broadcast %mul3A_73 : i32 to vector<16xi32>
        %add3A_75 = arith.addi %iota3A, %add3A_74 : vector<16xi32>
        %add3A_76 = arith.constant 0 : i32
        %add3A_77 = vector.broadcast %add3A_76 : i32 to vector<16xi32>
        %add3A_78 = arith.addi %add3A_75, %add3A_77 : vector<16xi32>
        %add3A_79 = arith.constant 0 : i32
        %add3A_80 = vector.broadcast %add3A_79 : i32 to vector<16xi32>
        %add3A_81 = arith.addi %add3A_78, %add3A_80 : vector<16xi32>
        %and3A = arith.constant 127 : i32
        %and3A_82 = vector.broadcast %and3A : i32 to vector<16xi32>
        %and3A_83 = arith.andi %add3A_81, %and3A_82 : vector<16xi32>
        %gather3A = tpu.vector_load_idx %arg8[%add3A_56, %and3A_83] : memref<160x128xf32, #tpu.memory_space<vmem>>[vector<16xi32>, vector<16xi32>], vector<16xf32>,
        %gather3A_84 = tpu.vector_load_idx %arg10[%add3A_56, %and3A_83] : memref<160x128xf32, #tpu.memory_space<vmem>>[vector<16xi32>, vector<16xi32>], vector<16xf32>,
        %sub3A = arith.subf %gather3A, %gather3A_84 : vector<16xf32>
        %mul3A_85 = arith.mulf %sub3A, %sub3A : vector<16xf32>
        %add3A_86 = arith.addf %scan3A_68, %mul3A_85 : vector<16xf32>
        %add3A_87 = arith.constant 0 : i32
        %add3A_88 = vector.broadcast %add3A_87 : i32 to vector<16xi32>
        %add3A_89 = arith.addi %add3A_75, %add3A_88 : vector<16xi32>
        %add3A_90 = arith.constant 1 : i32
        %add3A_91 = vector.broadcast %add3A_90 : i32 to vector<16xi32>
        %add3A_92 = arith.addi %add3A_89, %add3A_91 : vector<16xi32>
        %and3A_93 = arith.constant 127 : i32
        %and3A_94 = vector.broadcast %and3A_93 : i32 to vector<16xi32>
        %and3A_95 = arith.andi %add3A_92, %and3A_94 : vector<16xi32>
        %gather3A_96 = tpu.vector_load_idx %arg8[%add3A_56, %and3A_95] : memref<160x128xf32, #tpu.memory_space<vmem>>[vector<16xi32>, vector<16xi32>], vector<16xf32>,
        %gather3A_97 = tpu.vector_load_idx %arg10[%add3A_56, %and3A_95] : memref<160x128xf32, #tpu.memory_space<vmem>>[vector<16xi32>, vector<16xi32>], vector<16xf32>,
        %sub3A_98 = arith.subf %gather3A_96, %gather3A_97 : vector<16xf32>
        %mul3A_99 = arith.mulf %sub3A_98, %sub3A_98 : vector<16xf32>
        %add3A_100 = arith.addf %scan3A_69, %mul3A_99 : vector<16xf32>
        %add3A_101 = arith.constant 0 : i32
        %add3A_102 = vector.broadcast %add3A_101 : i32 to vector<16xi32>
        %add3A_103 = arith.addi %add3A_75, %add3A_102 : vector<16xi32>
        %add3A_104 = arith.constant 2 : i32
        %add3A_105 = vector.broadcast %add3A_104 : i32 to vector<16xi32>
        %add3A_106 = arith.addi %add3A_103, %add3A_105 : vector<16xi32>
        %and3A_107 = arith.constant 127 : i32
        %and3A_108 = vector.broadcast %and3A_107 : i32 to vector<16xi32>
        %and3A_109 = arith.andi %add3A_106, %and3A_108 : vector<16xi32>
        %gather3A_110 = tpu.vector_load_idx %arg8[%add3A_56, %and3A_109] : memref<160x128xf32, #tpu.memory_space<vmem>>[vector<16xi32>, vector<16xi32>], vector<16xf32>,
        %gather3A_111 = tpu.vector_load_idx %arg10[%add3A_56, %and3A_109] : memref<160x128xf32, #tpu.memory_space<vmem>>[vector<16xi32>, vector<16xi32>], vector<16xf32>,
        %sub3A_112 = arith.subf %gather3A_110, %gather3A_111 : vector<16xf32>
        %mul3A_113 = arith.mulf %sub3A_112, %sub3A_112 : vector<16xf32>
        %add3A_114 = arith.addf %scan3A_70, %mul3A_113 : vector<16xf32>
        %add3A_115 = arith.constant 0 : i32
        %add3A_116 = vector.broadcast %add3A_115 : i32 to vector<16xi32>
        %add3A_117 = arith.addi %add3A_75, %add3A_116 : vector<16xi32>
        %add3A_118 = arith.constant 3 : i32
        %add3A_119 = vector.broadcast %add3A_118 : i32 to vector<16xi32>
        %add3A_120 = arith.addi %add3A_117, %add3A_119 : vector<16xi32>
        %and3A_121 = arith.constant 127 : i32
        %and3A_122 = vector.broadcast %and3A_121 : i32 to vector<16xi32>
        %and3A_123 = arith.andi %add3A_120, %and3A_122 : vector<16xi32>
        %gather3A_124 = tpu.vector_load_idx %arg8[%add3A_56, %and3A_123] : memref<160x128xf32, #tpu.memory_space<vmem>>[vector<16xi32>, vector<16xi32>], vector<16xf32>,
        %gather3A_125 = tpu.vector_load_idx %arg10[%add3A_56, %and3A_123] : memref<160x128xf32, #tpu.memory_space<vmem>>[vector<16xi32>, vector<16xi32>], vector<16xf32>,
        %sub3A_126 = arith.subf %gather3A_124, %gather3A_125 : vector<16xf32>
        %mul3A_127 = arith.mulf %sub3A_126, %sub3A_126 : vector<16xf32>
        %add3A_128 = arith.addf %scan3A_71, %mul3A_127 : vector<16xf32>
        %add3A_129 = arith.constant 4 : i32
        %add3A_130 = vector.broadcast %add3A_129 : i32 to vector<16xi32>
        %add3A_131 = arith.addi %add3A_75, %add3A_130 : vector<16xi32>
        %add3A_132 = arith.constant 0 : i32
        %add3A_133 = vector.broadcast %add3A_132 : i32 to vector<16xi32>
        %add3A_134 = arith.addi %add3A_131, %add3A_133 : vector<16xi32>
        %and3A_135 = arith.constant 127 : i32
        %and3A_136 = vector.broadcast %and3A_135 : i32 to vector<16xi32>
        %and3A_137 = arith.andi %add3A_134, %and3A_136 : vector<16xi32>
        %gather3A_138 = tpu.vector_load_idx %arg8[%add3A_56, %and3A_137] : memref<160x128xf32, #tpu.memory_space<vmem>>[vector<16xi32>, vector<16xi32>], vector<16xf32>,
        %gather3A_139 = tpu.vector_load_idx %arg10[%add3A_56, %and3A_137] : memref<160x128xf32, #tpu.memory_space<vmem>>[vector<16xi32>, vector<16xi32>], vector<16xf32>,
        %sub3A_140 = arith.subf %gather3A_138, %gather3A_139 : vector<16xf32>
        %mul3A_141 = arith.mulf %sub3A_140, %sub3A_140 : vector<16xf32>
        %add3A_142 = arith.addf %add3A_86, %mul3A_141 : vector<16xf32>
        %add3A_143 = arith.constant 4 : i32
        %add3A_144 = vector.broadcast %add3A_143 : i32 to vector<16xi32>
        %add3A_145 = arith.addi %add3A_75, %add3A_144 : vector<16xi32>
        %add3A_146 = arith.constant 1 : i32
        %add3A_147 = vector.broadcast %add3A_146 : i32 to vector<16xi32>
        %add3A_148 = arith.addi %add3A_145, %add3A_147 : vector<16xi32>
        %and3A_149 = arith.constant 127 : i32
        %and3A_150 = vector.broadcast %and3A_149 : i32 to vector<16xi32>
        %and3A_151 = arith.andi %add3A_148, %and3A_150 : vector<16xi32>
        %gather3A_152 = tpu.vector_load_idx %arg8[%add3A_56, %and3A_151] : memref<160x128xf32, #tpu.memory_space<vmem>>[vector<16xi32>, vector<16xi32>], vector<16xf32>,
        %gather3A_153 = tpu.vector_load_idx %arg10[%add3A_56, %and3A_151] : memref<160x128xf32, #tpu.memory_space<vmem>>[vector<16xi32>, vector<16xi32>], vector<16xf32>,
        %sub3A_154 = arith.subf %gather3A_152, %gather3A_153 : vector<16xf32>
        %mul3A_155 = arith.mulf %sub3A_154, %sub3A_154 : vector<16xf32>
        %add3A_156 = arith.addf %add3A_100, %mul3A_155 : vector<16xf32>
        %add3A_157 = arith.constant 4 : i32
        %add3A_158 = vector.broadcast %add3A_157 : i32 to vector<16xi32>
        %add3A_159 = arith.addi %add3A_75, %add3A_158 : vector<16xi32>
        %add3A_160 = arith.constant 2 : i32
        %add3A_161 = vector.broadcast %add3A_160 : i32 to vector<16xi32>
        %add3A_162 = arith.addi %add3A_159, %add3A_161 : vector<16xi32>
        %and3A_163 = arith.constant 127 : i32
        %and3A_164 = vector.broadcast %and3A_163 : i32 to vector<16xi32>
        %and3A_165 = arith.andi %add3A_162, %and3A_164 : vector<16xi32>
        %gather3A_166 = tpu.vector_load_idx %arg8[%add3A_56, %and3A_165] : memref<160x128xf32, #tpu.memory_space<vmem>>[vector<16xi32>, vector<16xi32>], vector<16xf32>,
        %gather3A_167 = tpu.vector_load_idx %arg10[%add3A_56, %and3A_165] : memref<160x128xf32, #tpu.memory_space<vmem>>[vector<16xi32>, vector<16xi32>], vector<16xf32>,
        %sub3A_168 = arith.subf %gather3A_166, %gather3A_167 : vector<16xf32>
        %mul3A_169 = arith.mulf %sub3A_168, %sub3A_168 : vector<16xf32>
        %add3A_170 = arith.addf %add3A_114, %mul3A_169 : vector<16xf32>
        %add3A_171 = arith.constant 4 : i32
        %add3A_172 = vector.broadcast %add3A_171 : i32 to vector<16xi32>
        %add3A_173 = arith.addi %add3A_75, %add3A_172 : vector<16xi32>
        %add3A_174 = arith.constant 3 : i32
        %add3A_175 = vector.broadcast %add3A_174 : i32 to vector<16xi32>
        %add3A_176 = arith.addi %add3A_173, %add3A_175 : vector<16xi32>
        %and3A_177 = arith.constant 127 : i32
        %and3A_178 = vector.broadcast %and3A_177 : i32 to vector<16xi32>
        %and3A_179 = arith.andi %add3A_176, %and3A_178 : vector<16xi32>
        %gather3A_180 = tpu.vector_load_idx %arg8[%add3A_56, %and3A_179] : memref<160x128xf32, #tpu.memory_space<vmem>>[vector<16xi32>, vector<16xi32>], vector<16xf32>,
        %gather3A_181 = tpu.vector_load_idx %arg10[%add3A_56, %and3A_179] : memref<160x128xf32, #tpu.memory_space<vmem>>[vector<16xi32>, vector<16xi32>], vector<16xf32>,
        %sub3A_182 = arith.subf %gather3A_180, %gather3A_181 : vector<16xf32>
        %mul3A_183 = arith.mulf %sub3A_182, %sub3A_182 : vector<16xf32>
        %add3A_184 = arith.addf %add3A_128, %mul3A_183 : vector<16xf32>
        %add3A_185 = arith.constant 8 : i32
        %add3A_186 = vector.broadcast %add3A_185 : i32 to vector<16xi32>
        %add3A_187 = arith.addi %add3A_75, %add3A_186 : vector<16xi32>
        %add3A_188 = arith.constant 0 : i32
        %add3A_189 = vector.broadcast %add3A_188 : i32 to vector<16xi32>
        %add3A_190 = arith.addi %add3A_187, %add3A_189 : vector<16xi32>
        %and3A_191 = arith.constant 127 : i32
        %and3A_192 = vector.broadcast %and3A_191 : i32 to vector<16xi32>
        %and3A_193 = arith.andi %add3A_190, %and3A_192 : vector<16xi32>
        %gather3A_194 = tpu.vector_load_idx %arg8[%add3A_56, %and3A_193] : memref<160x128xf32, #tpu.memory_space<vmem>>[vector<16xi32>, vector<16xi32>], vector<16xf32>,
        %gather3A_195 = tpu.vector_load_idx %arg10[%add3A_56, %and3A_193] : memref<160x128xf32, #tpu.memory_space<vmem>>[vector<16xi32>, vector<16xi32>], vector<16xf32>,
        %sub3A_196 = arith.subf %gather3A_194, %gather3A_195 : vector<16xf32>
        %mul3A_197 = arith.mulf %sub3A_196, %sub3A_196 : vector<16xf32>
        %add3A_198 = arith.addf %add3A_142, %mul3A_197 : vector<16xf32>
        %add3A_199 = arith.constant 8 : i32
        %add3A_200 = vector.broadcast %add3A_199 : i32 to vector<16xi32>
        %add3A_201 = arith.addi %add3A_75, %add3A_200 : vector<16xi32>
        %add3A_202 = arith.constant 1 : i32
        %add3A_203 = vector.broadcast %add3A_202 : i32 to vector<16xi32>
        %add3A_204 = arith.addi %add3A_201, %add3A_203 : vector<16xi32>
        %and3A_205 = arith.constant 127 : i32
        %and3A_206 = vector.broadcast %and3A_205 : i32 to vector<16xi32>
        %and3A_207 = arith.andi %add3A_204, %and3A_206 : vector<16xi32>
        %gather3A_208 = tpu.vector_load_idx %arg8[%add3A_56, %and3A_207] : memref<160x128xf32, #tpu.memory_space<vmem>>[vector<16xi32>, vector<16xi32>], vector<16xf32>,
        %gather3A_209 = tpu.vector_load_idx %arg10[%add3A_56, %and3A_207] : memref<160x128xf32, #tpu.memory_space<vmem>>[vector<16xi32>, vector<16xi32>], vector<16xf32>,
        %sub3A_210 = arith.subf %gather3A_208, %gather3A_209 : vector<16xf32>
        %mul3A_211 = arith.mulf %sub3A_210, %sub3A_210 : vector<16xf32>
        %add3A_212 = arith.addf %add3A_156, %mul3A_211 : vector<16xf32>
        %add3A_213 = arith.constant 8 : i32
        %add3A_214 = vector.broadcast %add3A_213 : i32 to vector<16xi32>
        %add3A_215 = arith.addi %add3A_75, %add3A_214 : vector<16xi32>
        %add3A_216 = arith.constant 2 : i32
        %add3A_217 = vector.broadcast %add3A_216 : i32 to vector<16xi32>
        %add3A_218 = arith.addi %add3A_215, %add3A_217 : vector<16xi32>
        %and3A_219 = arith.constant 127 : i32
        %and3A_220 = vector.broadcast %and3A_219 : i32 to vector<16xi32>
        %and3A_221 = arith.andi %add3A_218, %and3A_220 : vector<16xi32>
        %gather3A_222 = tpu.vector_load_idx %arg8[%add3A_56, %and3A_221] : memref<160x128xf32, #tpu.memory_space<vmem>>[vector<16xi32>, vector<16xi32>], vector<16xf32>,
        %gather3A_223 = tpu.vector_load_idx %arg10[%add3A_56, %and3A_221] : memref<160x128xf32, #tpu.memory_space<vmem>>[vector<16xi32>, vector<16xi32>], vector<16xf32>,
        %sub3A_224 = arith.subf %gather3A_222, %gather3A_223 : vector<16xf32>
        %mul3A_225 = arith.mulf %sub3A_224, %sub3A_224 : vector<16xf32>
        %add3A_226 = arith.addf %add3A_170, %mul3A_225 : vector<16xf32>
        %add3A_227 = arith.constant 8 : i32
        %add3A_228 = vector.broadcast %add3A_227 : i32 to vector<16xi32>
        %add3A_229 = arith.addi %add3A_75, %add3A_228 : vector<16xi32>
        %add3A_230 = arith.constant 3 : i32
        %add3A_231 = vector.broadcast %add3A_230 : i32 to vector<16xi32>
        %add3A_232 = arith.addi %add3A_229, %add3A_231 : vector<16xi32>
        %and3A_233 = arith.constant 127 : i32
        %and3A_234 = vector.broadcast %and3A_233 : i32 to vector<16xi32>
        %and3A_235 = arith.andi %add3A_232, %and3A_234 : vector<16xi32>
        %gather3A_236 = tpu.vector_load_idx %arg8[%add3A_56, %and3A_235] : memref<160x128xf32, #tpu.memory_space<vmem>>[vector<16xi32>, vector<16xi32>], vector<16xf32>,
        %gather3A_237 = tpu.vector_load_idx %arg10[%add3A_56, %and3A_235] : memref<160x128xf32, #tpu.memory_space<vmem>>[vector<16xi32>, vector<16xi32>], vector<16xf32>,
        %sub3A_238 = arith.subf %gather3A_236, %gather3A_237 : vector<16xf32>
        %mul3A_239 = arith.mulf %sub3A_238, %sub3A_238 : vector<16xf32>
        %add3A_240 = arith.addf %add3A_184, %mul3A_239 : vector<16xf32>
        %add3A_241 = arith.constant 12 : i32
        %add3A_242 = vector.broadcast %add3A_241 : i32 to vector<16xi32>
        %add3A_243 = arith.addi %add3A_75, %add3A_242 : vector<16xi32>
        %add3A_244 = arith.constant 0 : i32
        %add3A_245 = vector.broadcast %add3A_244 : i32 to vector<16xi32>
        %add3A_246 = arith.addi %add3A_243, %add3A_245 : vector<16xi32>
        %and3A_247 = arith.constant 127 : i32
        %and3A_248 = vector.broadcast %and3A_247 : i32 to vector<16xi32>
        %and3A_249 = arith.andi %add3A_246, %and3A_248 : vector<16xi32>
        %gather3A_250 = tpu.vector_load_idx %arg8[%add3A_56, %and3A_249] : memref<160x128xf32, #tpu.memory_space<vmem>>[vector<16xi32>, vector<16xi32>], vector<16xf32>,
        %gather3A_251 = tpu.vector_load_idx %arg10[%add3A_56, %and3A_249] : memref<160x128xf32, #tpu.memory_space<vmem>>[vector<16xi32>, vector<16xi32>], vector<16xf32>,
        %sub3A_252 = arith.subf %gather3A_250, %gather3A_251 : vector<16xf32>
        %mul3A_253 = arith.mulf %sub3A_252, %sub3A_252 : vector<16xf32>
        %add3A_254 = arith.addf %add3A_198, %mul3A_253 : vector<16xf32>
        %add3A_255 = arith.constant 12 : i32
        %add3A_256 = vector.broadcast %add3A_255 : i32 to vector<16xi32>
        %add3A_257 = arith.addi %add3A_75, %add3A_256 : vector<16xi32>
        %add3A_258 = arith.constant 1 : i32
        %add3A_259 = vector.broadcast %add3A_258 : i32 to vector<16xi32>
        %add3A_260 = arith.addi %add3A_257, %add3A_259 : vector<16xi32>
        %and3A_261 = arith.constant 127 : i32
        %and3A_262 = vector.broadcast %and3A_261 : i32 to vector<16xi32>
        %and3A_263 = arith.andi %add3A_260, %and3A_262 : vector<16xi32>
        %gather3A_264 = tpu.vector_load_idx %arg8[%add3A_56, %and3A_263] : memref<160x128xf32, #tpu.memory_space<vmem>>[vector<16xi32>, vector<16xi32>], vector<16xf32>,
        %gather3A_265 = tpu.vector_load_idx %arg10[%add3A_56, %and3A_263] : memref<160x128xf32, #tpu.memory_space<vmem>>[vector<16xi32>, vector<16xi32>], vector<16xf32>,
        %sub3A_266 = arith.subf %gather3A_264, %gather3A_265 : vector<16xf32>
        %mul3A_267 = arith.mulf %sub3A_266, %sub3A_266 : vector<16xf32>
        %add3A_268 = arith.addf %add3A_212, %mul3A_267 : vector<16xf32>
        %add3A_269 = arith.constant 12 : i32
        %add3A_270 = vector.broadcast %add3A_269 : i32 to vector<16xi32>
        %add3A_271 = arith.addi %add3A_75, %add3A_270 : vector<16xi32>
        %add3A_272 = arith.constant 2 : i32
        %add3A_273 = vector.broadcast %add3A_272 : i32 to vector<16xi32>
        %add3A_274 = arith.addi %add3A_271, %add3A_273 : vector<16xi32>
        %and3A_275 = arith.constant 127 : i32
        %and3A_276 = vector.broadcast %and3A_275 : i32 to vector<16xi32>
        %and3A_277 = arith.andi %add3A_274, %and3A_276 : vector<16xi32>
        %gather3A_278 = tpu.vector_load_idx %arg8[%add3A_56, %and3A_277] : memref<160x128xf32, #tpu.memory_space<vmem>>[vector<16xi32>, vector<16xi32>], vector<16xf32>,
        %gather3A_279 = tpu.vector_load_idx %arg10[%add3A_56, %and3A_277] : memref<160x128xf32, #tpu.memory_space<vmem>>[vector<16xi32>, vector<16xi32>], vector<16xf32>,
        %sub3A_280 = arith.subf %gather3A_278, %gather3A_279 : vector<16xf32>
        %mul3A_281 = arith.mulf %sub3A_280, %sub3A_280 : vector<16xf32>
        %add3A_282 = arith.addf %add3A_226, %mul3A_281 : vector<16xf32>
        %add3A_283 = arith.constant 12 : i32
        %add3A_284 = vector.broadcast %add3A_283 : i32 to vector<16xi32>
        %add3A_285 = arith.addi %add3A_75, %add3A_284 : vector<16xi32>
        %add3A_286 = arith.constant 3 : i32
        %add3A_287 = vector.broadcast %add3A_286 : i32 to vector<16xi32>
        %add3A_288 = arith.addi %add3A_285, %add3A_287 : vector<16xi32>
        %and3A_289 = arith.constant 127 : i32
        %and3A_290 = vector.broadcast %and3A_289 : i32 to vector<16xi32>
        %and3A_291 = arith.andi %add3A_288, %and3A_290 : vector<16xi32>
        %gather3A_292 = tpu.vector_load_idx %arg8[%add3A_56, %and3A_291] : memref<160x128xf32, #tpu.memory_space<vmem>>[vector<16xi32>, vector<16xi32>], vector<16xf32>,
        %gather3A_293 = tpu.vector_load_idx %arg10[%add3A_56, %and3A_291] : memref<160x128xf32, #tpu.memory_space<vmem>>[vector<16xi32>, vector<16xi32>], vector<16xf32>,
        %sub3A_294 = arith.subf %gather3A_292, %gather3A_293 : vector<16xf32>
        %mul3A_295 = arith.mulf %sub3A_294, %sub3A_294 : vector<16xf32>
        %add3A_296 = arith.addf %add3A_240, %mul3A_295 : vector<16xf32>
        %add3A_297 = arith.constant 16 : i32
        %add3A_298 = vector.broadcast %add3A_297 : i32 to vector<16xi32>
        %add3A_299 = arith.addi %add3A_75, %add3A_298 : vector<16xi32>
        %add3A_300 = arith.constant 0 : i32
        %add3A_301 = vector.broadcast %add3A_300 : i32 to vector<16xi32>
        %add3A_302 = arith.addi %add3A_299, %add3A_301 : vector<16xi32>
        %and3A_303 = arith.constant 127 : i32
        %and3A_304 = vector.broadcast %and3A_303 : i32 to vector<16xi32>
        %and3A_305 = arith.andi %add3A_302, %and3A_304 : vector<16xi32>
        %gather3A_306 = tpu.vector_load_idx %arg8[%add3A_56, %and3A_305] : memref<160x128xf32, #tpu.memory_space<vmem>>[vector<16xi32>, vector<16xi32>], vector<16xf32>,
        %gather3A_307 = tpu.vector_load_idx %arg10[%add3A_56, %and3A_305] : memref<160x128xf32, #tpu.memory_space<vmem>>[vector<16xi32>, vector<16xi32>], vector<16xf32>,
        %sub3A_308 = arith.subf %gather3A_306, %gather3A_307 : vector<16xf32>
        %mul3A_309 = arith.mulf %sub3A_308, %sub3A_308 : vector<16xf32>
        %add3A_310 = arith.addf %add3A_254, %mul3A_309 : vector<16xf32>
        %add3A_311 = arith.constant 16 : i32
        %add3A_312 = vector.broadcast %add3A_311 : i32 to vector<16xi32>
        %add3A_313 = arith.addi %add3A_75, %add3A_312 : vector<16xi32>
        %add3A_314 = arith.constant 1 : i32
        %add3A_315 = vector.broadcast %add3A_314 : i32 to vector<16xi32>
        %add3A_316 = arith.addi %add3A_313, %add3A_315 : vector<16xi32>
        %and3A_317 = arith.constant 127 : i32
        %and3A_318 = vector.broadcast %and3A_317 : i32 to vector<16xi32>
        %and3A_319 = arith.andi %add3A_316, %and3A_318 : vector<16xi32>
        %gather3A_320 = tpu.vector_load_idx %arg8[%add3A_56, %and3A_319] : memref<160x128xf32, #tpu.memory_space<vmem>>[vector<16xi32>, vector<16xi32>], vector<16xf32>,
        %gather3A_321 = tpu.vector_load_idx %arg10[%add3A_56, %and3A_319] : memref<160x128xf32, #tpu.memory_space<vmem>>[vector<16xi32>, vector<16xi32>], vector<16xf32>,
        %sub3A_322 = arith.subf %gather3A_320, %gather3A_321 : vector<16xf32>
        %mul3A_323 = arith.mulf %sub3A_322, %sub3A_322 : vector<16xf32>
        %add3A_324 = arith.addf %add3A_268, %mul3A_323 : vector<16xf32>
        %add3A_325 = arith.constant 16 : i32
        %add3A_326 = vector.broadcast %add3A_325 : i32 to vector<16xi32>
        %add3A_327 = arith.addi %add3A_75, %add3A_326 : vector<16xi32>
        %add3A_328 = arith.constant 2 : i32
        %add3A_329 = vector.broadcast %add3A_328 : i32 to vector<16xi32>
        %add3A_330 = arith.addi %add3A_327, %add3A_329 : vector<16xi32>
        %and3A_331 = arith.constant 127 : i32
        %and3A_332 = vector.broadcast %and3A_331 : i32 to vector<16xi32>
        %and3A_333 = arith.andi %add3A_330, %and3A_332 : vector<16xi32>
        %gather3A_334 = tpu.vector_load_idx %arg8[%add3A_56, %and3A_333] : memref<160x128xf32, #tpu.memory_space<vmem>>[vector<16xi32>, vector<16xi32>], vector<16xf32>,
        %gather3A_335 = tpu.vector_load_idx %arg10[%add3A_56, %and3A_333] : memref<160x128xf32, #tpu.memory_space<vmem>>[vector<16xi32>, vector<16xi32>], vector<16xf32>,
        %sub3A_336 = arith.subf %gather3A_334, %gather3A_335 : vector<16xf32>
        %mul3A_337 = arith.mulf %sub3A_336, %sub3A_336 : vector<16xf32>
        %add3A_338 = arith.addf %add3A_282, %mul3A_337 : vector<16xf32>
        %add3A_339 = arith.constant 16 : i32
        %add3A_340 = vector.broadcast %add3A_339 : i32 to vector<16xi32>
        %add3A_341 = arith.addi %add3A_75, %add3A_340 : vector<16xi32>
        %add3A_342 = arith.constant 3 : i32
        %add3A_343 = vector.broadcast %add3A_342 : i32 to vector<16xi32>
        %add3A_344 = arith.addi %add3A_341, %add3A_343 : vector<16xi32>
        %and3A_345 = arith.constant 127 : i32
        %and3A_346 = vector.broadcast %and3A_345 : i32 to vector<16xi32>
        %and3A_347 = arith.andi %add3A_344, %and3A_346 : vector<16xi32>
        %gather3A_348 = tpu.vector_load_idx %arg8[%add3A_56, %and3A_347] : memref<160x128xf32, #tpu.memory_space<vmem>>[vector<16xi32>, vector<16xi32>], vector<16xf32>,
        %gather3A_349 = tpu.vector_load_idx %arg10[%add3A_56, %and3A_347] : memref<160x128xf32, #tpu.memory_space<vmem>>[vector<16xi32>, vector<16xi32>], vector<16xf32>,
        %sub3A_350 = arith.subf %gather3A_348, %gather3A_349 : vector<16xf32>
        %mul3A_351 = arith.mulf %sub3A_350, %sub3A_350 : vector<16xf32>
        %add3A_352 = arith.addf %add3A_296, %mul3A_351 : vector<16xf32>
        %add3A_353 = arith.constant 20 : i32
        %add3A_354 = vector.broadcast %add3A_353 : i32 to vector<16xi32>
        %add3A_355 = arith.addi %add3A_75, %add3A_354 : vector<16xi32>
        %add3A_356 = arith.constant 0 : i32
        %add3A_357 = vector.broadcast %add3A_356 : i32 to vector<16xi32>
        %add3A_358 = arith.addi %add3A_355, %add3A_357 : vector<16xi32>
        %and3A_359 = arith.constant 127 : i32
        %and3A_360 = vector.broadcast %and3A_359 : i32 to vector<16xi32>
        %and3A_361 = arith.andi %add3A_358, %and3A_360 : vector<16xi32>
        %gather3A_362 = tpu.vector_load_idx %arg8[%add3A_56, %and3A_361] : memref<160x128xf32, #tpu.memory_space<vmem>>[vector<16xi32>, vector<16xi32>], vector<16xf32>,
        %gather3A_363 = tpu.vector_load_idx %arg10[%add3A_56, %and3A_361] : memref<160x128xf32, #tpu.memory_space<vmem>>[vector<16xi32>, vector<16xi32>], vector<16xf32>,
        %sub3A_364 = arith.subf %gather3A_362, %gather3A_363 : vector<16xf32>
        %mul3A_365 = arith.mulf %sub3A_364, %sub3A_364 : vector<16xf32>
        %add3A_366 = arith.addf %add3A_310, %mul3A_365 : vector<16xf32>
        %add3A_367 = arith.constant 20 : i32
        %add3A_368 = vector.broadcast %add3A_367 : i32 to vector<16xi32>
        %add3A_369 = arith.addi %add3A_75, %add3A_368 : vector<16xi32>
        %add3A_370 = arith.constant 1 : i32
        %add3A_371 = vector.broadcast %add3A_370 : i32 to vector<16xi32>
        %add3A_372 = arith.addi %add3A_369, %add3A_371 : vector<16xi32>
        %and3A_373 = arith.constant 127 : i32
        %and3A_374 = vector.broadcast %and3A_373 : i32 to vector<16xi32>
        %and3A_375 = arith.andi %add3A_372, %and3A_374 : vector<16xi32>
        %gather3A_376 = tpu.vector_load_idx %arg8[%add3A_56, %and3A_375] : memref<160x128xf32, #tpu.memory_space<vmem>>[vector<16xi32>, vector<16xi32>], vector<16xf32>,
        %gather3A_377 = tpu.vector_load_idx %arg10[%add3A_56, %and3A_375] : memref<160x128xf32, #tpu.memory_space<vmem>>[vector<16xi32>, vector<16xi32>], vector<16xf32>,
        %sub3A_378 = arith.subf %gather3A_376, %gather3A_377 : vector<16xf32>
        %mul3A_379 = arith.mulf %sub3A_378, %sub3A_378 : vector<16xf32>
        %add3A_380 = arith.addf %add3A_324, %mul3A_379 : vector<16xf32>
        %add3A_381 = arith.constant 20 : i32
        %add3A_382 = vector.broadcast %add3A_381 : i32 to vector<16xi32>
        %add3A_383 = arith.addi %add3A_75, %add3A_382 : vector<16xi32>
        %add3A_384 = arith.constant 2 : i32
        %add3A_385 = vector.broadcast %add3A_384 : i32 to vector<16xi32>
        %add3A_386 = arith.addi %add3A_383, %add3A_385 : vector<16xi32>
        %and3A_387 = arith.constant 127 : i32
        %and3A_388 = vector.broadcast %and3A_387 : i32 to vector<16xi32>
        %and3A_389 = arith.andi %add3A_386, %and3A_388 : vector<16xi32>
        %gather3A_390 = tpu.vector_load_idx %arg8[%add3A_56, %and3A_389] : memref<160x128xf32, #tpu.memory_space<vmem>>[vector<16xi32>, vector<16xi32>], vector<16xf32>,
        %gather3A_391 = tpu.vector_load_idx %arg10[%add3A_56, %and3A_389] : memref<160x128xf32, #tpu.memory_space<vmem>>[vector<16xi32>, vector<16xi32>], vector<16xf32>,
        %sub3A_392 = arith.subf %gather3A_390, %gather3A_391 : vector<16xf32>
        %mul3A_393 = arith.mulf %sub3A_392, %sub3A_392 : vector<16xf32>
        %add3A_394 = arith.addf %add3A_338, %mul3A_393 : vector<16xf32>
        %add3A_395 = arith.constant 20 : i32
        %add3A_396 = vector.broadcast %add3A_395 : i32 to vector<16xi32>
        %add3A_397 = arith.addi %add3A_75, %add3A_396 : vector<16xi32>
        %add3A_398 = arith.constant 3 : i32
        %add3A_399 = vector.broadcast %add3A_398 : i32 to vector<16xi32>
        %add3A_400 = arith.addi %add3A_397, %add3A_399 : vector<16xi32>
        %and3A_401 = arith.constant 127 : i32
        %and3A_402 = vector.broadcast %and3A_401 : i32 to vector<16xi32>
        %and3A_403 = arith.andi %add3A_400, %and3A_402 : vector<16xi32>
        %gather3A_404 = tpu.vector_load_idx %arg8[%add3A_56, %and3A_403] : memref<160x128xf32, #tpu.memory_space<vmem>>[vector<16xi32>, vector<16xi32>], vector<16xf32>,
        %gather3A_405 = tpu.vector_load_idx %arg10[%add3A_56, %and3A_403] : memref<160x128xf32, #tpu.memory_space<vmem>>[vector<16xi32>, vector<16xi32>], vector<16xf32>,
        %sub3A_406 = arith.subf %gather3A_404, %gather3A_405 : vector<16xf32>
        %mul3A_407 = arith.mulf %sub3A_406, %sub3A_406 : vector<16xf32>
        %add3A_408 = arith.addf %add3A_352, %mul3A_407 : vector<16xf32>
        %add3A_409 = arith.constant 24 : i32
        %add3A_410 = vector.broadcast %add3A_409 : i32 to vector<16xi32>
        %add3A_411 = arith.addi %add3A_75, %add3A_410 : vector<16xi32>
        %add3A_412 = arith.constant 0 : i32
        %add3A_413 = vector.broadcast %add3A_412 : i32 to vector<16xi32>
        %add3A_414 = arith.addi %add3A_411, %add3A_413 : vector<16xi32>
        %and3A_415 = arith.constant 127 : i32
        %and3A_416 = vector.broadcast %and3A_415 : i32 to vector<16xi32>
        %and3A_417 = arith.andi %add3A_414, %and3A_416 : vector<16xi32>
        %gather3A_418 = tpu.vector_load_idx %arg8[%add3A_56, %and3A_417] : memref<160x128xf32, #tpu.memory_space<vmem>>[vector<16xi32>, vector<16xi32>], vector<16xf32>,
        %gather3A_419 = tpu.vector_load_idx %arg10[%add3A_56, %and3A_417] : memref<160x128xf32, #tpu.memory_space<vmem>>[vector<16xi32>, vector<16xi32>], vector<16xf32>,
        %sub3A_420 = arith.subf %gather3A_418, %gather3A_419 : vector<16xf32>
        %mul3A_421 = arith.mulf %sub3A_420, %sub3A_420 : vector<16xf32>
        %add3A_422 = arith.addf %add3A_366, %mul3A_421 : vector<16xf32>
        %add3A_423 = arith.constant 24 : i32
        %add3A_424 = vector.broadcast %add3A_423 : i32 to vector<16xi32>
        %add3A_425 = arith.addi %add3A_75, %add3A_424 : vector<16xi32>
        %add3A_426 = arith.constant 1 : i32
        %add3A_427 = vector.broadcast %add3A_426 : i32 to vector<16xi32>
        %add3A_428 = arith.addi %add3A_425, %add3A_427 : vector<16xi32>
        %and3A_429 = arith.constant 127 : i32
        %and3A_430 = vector.broadcast %and3A_429 : i32 to vector<16xi32>
        %and3A_431 = arith.andi %add3A_428, %and3A_430 : vector<16xi32>
        %gather3A_432 = tpu.vector_load_idx %arg8[%add3A_56, %and3A_431] : memref<160x128xf32, #tpu.memory_space<vmem>>[vector<16xi32>, vector<16xi32>], vector<16xf32>,
        %gather3A_433 = tpu.vector_load_idx %arg10[%add3A_56, %and3A_431] : memref<160x128xf32, #tpu.memory_space<vmem>>[vector<16xi32>, vector<16xi32>], vector<16xf32>,
        %sub3A_434 = arith.subf %gather3A_432, %gather3A_433 : vector<16xf32>
        %mul3A_435 = arith.mulf %sub3A_434, %sub3A_434 : vector<16xf32>
        %add3A_436 = arith.addf %add3A_380, %mul3A_435 : vector<16xf32>
        %add3A_437 = arith.constant 24 : i32
        %add3A_438 = vector.broadcast %add3A_437 : i32 to vector<16xi32>
        %add3A_439 = arith.addi %add3A_75, %add3A_438 : vector<16xi32>
        %add3A_440 = arith.constant 2 : i32
        %add3A_441 = vector.broadcast %add3A_440 : i32 to vector<16xi32>
        %add3A_442 = arith.addi %add3A_439, %add3A_441 : vector<16xi32>
        %and3A_443 = arith.constant 127 : i32
        %and3A_444 = vector.broadcast %and3A_443 : i32 to vector<16xi32>
        %and3A_445 = arith.andi %add3A_442, %and3A_444 : vector<16xi32>
        %gather3A_446 = tpu.vector_load_idx %arg8[%add3A_56, %and3A_445] : memref<160x128xf32, #tpu.memory_space<vmem>>[vector<16xi32>, vector<16xi32>], vector<16xf32>,
        %gather3A_447 = tpu.vector_load_idx %arg10[%add3A_56, %and3A_445] : memref<160x128xf32, #tpu.memory_space<vmem>>[vector<16xi32>, vector<16xi32>], vector<16xf32>,
        %sub3A_448 = arith.subf %gather3A_446, %gather3A_447 : vector<16xf32>
        %mul3A_449 = arith.mulf %sub3A_448, %sub3A_448 : vector<16xf32>
        %add3A_450 = arith.addf %add3A_394, %mul3A_449 : vector<16xf32>
        %add3A_451 = arith.constant 24 : i32
        %add3A_452 = vector.broadcast %add3A_451 : i32 to vector<16xi32>
        %add3A_453 = arith.addi %add3A_75, %add3A_452 : vector<16xi32>
        %add3A_454 = arith.constant 3 : i32
        %add3A_455 = vector.broadcast %add3A_454 : i32 to vector<16xi32>
        %add3A_456 = arith.addi %add3A_453, %add3A_455 : vector<16xi32>
        %and3A_457 = arith.constant 127 : i32
        %and3A_458 = vector.broadcast %and3A_457 : i32 to vector<16xi32>
        %and3A_459 = arith.andi %add3A_456, %and3A_458 : vector<16xi32>
        %gather3A_460 = tpu.vector_load_idx %arg8[%add3A_56, %and3A_459] : memref<160x128xf32, #tpu.memory_space<vmem>>[vector<16xi32>, vector<16xi32>], vector<16xf32>,
        %gather3A_461 = tpu.vector_load_idx %arg10[%add3A_56, %and3A_459] : memref<160x128xf32, #tpu.memory_space<vmem>>[vector<16xi32>, vector<16xi32>], vector<16xf32>,
        %sub3A_462 = arith.subf %gather3A_460, %gather3A_461 : vector<16xf32>
        %mul3A_463 = arith.mulf %sub3A_462, %sub3A_462 : vector<16xf32>
        %add3A_464 = arith.addf %add3A_408, %mul3A_463 : vector<16xf32>
        %add3A_465 = arith.constant 28 : i32
        %add3A_466 = vector.broadcast %add3A_465 : i32 to vector<16xi32>
        %add3A_467 = arith.addi %add3A_75, %add3A_466 : vector<16xi32>
        %add3A_468 = arith.constant 0 : i32
        %add3A_469 = vector.broadcast %add3A_468 : i32 to vector<16xi32>
        %add3A_470 = arith.addi %add3A_467, %add3A_469 : vector<16xi32>
        %and3A_471 = arith.constant 127 : i32
        %and3A_472 = vector.broadcast %and3A_471 : i32 to vector<16xi32>
        %and3A_473 = arith.andi %add3A_470, %and3A_472 : vector<16xi32>
        %gather3A_474 = tpu.vector_load_idx %arg8[%add3A_56, %and3A_473] : memref<160x128xf32, #tpu.memory_space<vmem>>[vector<16xi32>, vector<16xi32>], vector<16xf32>,
        %gather3A_475 = tpu.vector_load_idx %arg10[%add3A_56, %and3A_473] : memref<160x128xf32, #tpu.memory_space<vmem>>[vector<16xi32>, vector<16xi32>], vector<16xf32>,
        %sub3A_476 = arith.subf %gather3A_474, %gather3A_475 : vector<16xf32>
        %mul3A_477 = arith.mulf %sub3A_476, %sub3A_476 : vector<16xf32>
        %add3A_478 = arith.addf %add3A_422, %mul3A_477 : vector<16xf32>
        %add3A_479 = arith.constant 28 : i32
        %add3A_480 = vector.broadcast %add3A_479 : i32 to vector<16xi32>
        %add3A_481 = arith.addi %add3A_75, %add3A_480 : vector<16xi32>
        %add3A_482 = arith.constant 1 : i32
        %add3A_483 = vector.broadcast %add3A_482 : i32 to vector<16xi32>
        %add3A_484 = arith.addi %add3A_481, %add3A_483 : vector<16xi32>
        %and3A_485 = arith.constant 127 : i32
        %and3A_486 = vector.broadcast %and3A_485 : i32 to vector<16xi32>
        %and3A_487 = arith.andi %add3A_484, %and3A_486 : vector<16xi32>
        %gather3A_488 = tpu.vector_load_idx %arg8[%add3A_56, %and3A_487] : memref<160x128xf32, #tpu.memory_space<vmem>>[vector<16xi32>, vector<16xi32>], vector<16xf32>,
        %gather3A_489 = tpu.vector_load_idx %arg10[%add3A_56, %and3A_487] : memref<160x128xf32, #tpu.memory_space<vmem>>[vector<16xi32>, vector<16xi32>], vector<16xf32>,
        %sub3A_490 = arith.subf %gather3A_488, %gather3A_489 : vector<16xf32>
        %mul3A_491 = arith.mulf %sub3A_490, %sub3A_490 : vector<16xf32>
        %add3A_492 = arith.addf %add3A_436, %mul3A_491 : vector<16xf32>
        %add3A_493 = arith.constant 28 : i32
        %add3A_494 = vector.broadcast %add3A_493 : i32 to vector<16xi32>
        %add3A_495 = arith.addi %add3A_75, %add3A_494 : vector<16xi32>
        %add3A_496 = arith.constant 2 : i32
        %add3A_497 = vector.broadcast %add3A_496 : i32 to vector<16xi32>
        %add3A_498 = arith.addi %add3A_495, %add3A_497 : vector<16xi32>
        %and3A_499 = arith.constant 127 : i32
        %and3A_500 = vector.broadcast %and3A_499 : i32 to vector<16xi32>
        %and3A_501 = arith.andi %add3A_498, %and3A_500 : vector<16xi32>
        %gather3A_502 = tpu.vector_load_idx %arg8[%add3A_56, %and3A_501] : memref<160x128xf32, #tpu.memory_space<vmem>>[vector<16xi32>, vector<16xi32>], vector<16xf32>,
        %gather3A_503 = tpu.vector_load_idx %arg10[%add3A_56, %and3A_501] : memref<160x128xf32, #tpu.memory_space<vmem>>[vector<16xi32>, vector<16xi32>], vector<16xf32>,
        %sub3A_504 = arith.subf %gather3A_502, %gather3A_503 : vector<16xf32>
        %mul3A_505 = arith.mulf %sub3A_504, %sub3A_504 : vector<16xf32>
        %add3A_506 = arith.addf %add3A_450, %mul3A_505 : vector<16xf32>
        %add3A_507 = arith.constant 28 : i32
        %add3A_508 = vector.broadcast %add3A_507 : i32 to vector<16xi32>
        %add3A_509 = arith.addi %add3A_75, %add3A_508 : vector<16xi32>
        %add3A_510 = arith.constant 3 : i32
        %add3A_511 = vector.broadcast %add3A_510 : i32 to vector<16xi32>
        %add3A_512 = arith.addi %add3A_509, %add3A_511 : vector<16xi32>
        %and3A_513 = arith.constant 127 : i32
        %and3A_514 = vector.broadcast %and3A_513 : i32 to vector<16xi32>
        %and3A_515 = arith.andi %add3A_512, %and3A_514 : vector<16xi32>
        %gather3A_516 = tpu.vector_load_idx %arg8[%add3A_56, %and3A_515] : memref<160x128xf32, #tpu.memory_space<vmem>>[vector<16xi32>, vector<16xi32>], vector<16xf32>,
        %gather3A_517 = tpu.vector_load_idx %arg10[%add3A_56, %and3A_515] : memref<160x128xf32, #tpu.memory_space<vmem>>[vector<16xi32>, vector<16xi32>], vector<16xf32>,
        %sub3A_518 = arith.subf %gather3A_516, %gather3A_517 : vector<16xf32>
        %mul3A_519 = arith.mulf %sub3A_518, %sub3A_518 : vector<16xf32>
        %add3A_520 = arith.addf %add3A_464, %mul3A_519 : vector<16xf32>
        scf.yield %add3A_478, %add3A_492, %add3A_506, %add3A_520 : vector<16xf32>, vector<16xf32>, vector<16xf32>, vector<16xf32>
      }
      %scan3A_62 = arith.constant 4 : i32
      %add3A_63 = arith.addf %scan3A_61#0, %scan3A_61#1 : vector<16xf32>
      %add3A_64 = arith.addf %scan3A_61#2, %scan3A_61#3 : vector<16xf32>
      %add3A_65 = arith.addf %add3A_63, %add3A_64 : vector<16xf32>
      %mul3A_66 = arith.mulf %add3A_65, %get3A_52 : vector<16xf32>
      tpu.vector_store_idx %arg14[%get3A_48, %iota3A], %mul3A_66 {add = true} : memref<64x16xf32, #tpu.memory_space<vmem>>[vector<16xi32>, vector<16xi32>], vector<16xf32>,
      tpu.vector_store_idx %arg15[%get3A_48, %iota3A], %get3A_52 {add = true} : memref<64x16xf32, #tpu.memory_space<vmem>>[vector<16xi32>, vector<16xi32>], vector<16xf32>,
    }
    %scan3A_42 = arith.constant 10 : i32
    "tpu.region"() ({
      %run_scoped3A = tpu.sem_alloc : memref<!tpu.dma_semaphore, #tpu.memory_space<semaphore_mem>>
      %dma_start3A_43 = arith.constant 0 : i32
      %dma_start3A_44 = arith.constant 0 : i32
      %dma_start3A_45 = tpu.memref_slice %arg6[%add3A, %dma_start3A_43, %dma_start3A_44] : memref<32x64x16xf32, #tpu.memory_space<hbm>> -> memref<1x64x16xf32, #tpu.memory_space<hbm>>
      %dma_start3A_46 = tpu.memref_squeeze %dma_start3A_45 : memref<1x64x16xf32, #tpu.memory_space<hbm>> -> memref<64x16xf32, #tpu.memory_space<hbm>>
      %dma_start3A_47 = arith.constant 0 : i32
      %dma_start3A_48 = arith.constant 0 : i32
      %dma_start3A_49 = tpu.memref_slice %arg6[%add3A, %dma_start3A_47, %dma_start3A_48] : memref<32x64x16xf32, #tpu.memory_space<hbm>> -> memref<1x64x16xf32, #tpu.memory_space<hbm>>
      %dma_start3A_50 = tpu.memref_squeeze %dma_start3A_49 : memref<1x64x16xf32, #tpu.memory_space<hbm>> -> memref<64x16xf32, #tpu.memory_space<hbm>>
      tpu.enqueue_dma source(%arg14 : memref<64x16xf32, #tpu.memory_space<vmem>>) target(%dma_start3A_50 : memref<64x16xf32, #tpu.memory_space<hbm>>) target_semaphore(%run_scoped3A : memref<!tpu.dma_semaphore, #tpu.memory_space<semaphore_mem>>)
      %dma_wait3A_51 = arith.constant 0 : i32
      %dma_wait3A_52 = arith.constant 0 : i32
      %dma_wait3A_53 = tpu.memref_slice %arg6[%add3A, %dma_wait3A_51, %dma_wait3A_52] : memref<32x64x16xf32, #tpu.memory_space<hbm>> -> memref<1x64x16xf32, #tpu.memory_space<hbm>>
      %dma_wait3A_54 = tpu.memref_squeeze %dma_wait3A_53 : memref<1x64x16xf32, #tpu.memory_space<hbm>> -> memref<64x16xf32, #tpu.memory_space<hbm>>
      %dma_wait3A_55 = arith.constant 0 : i32
      %dma_wait3A_56 = arith.constant 0 : i32
      %dma_wait3A_57 = tpu.memref_slice %arg6[%add3A, %dma_wait3A_55, %dma_wait3A_56] : memref<32x64x16xf32, #tpu.memory_space<hbm>> -> memref<1x64x16xf32, #tpu.memory_space<hbm>>
      %dma_wait3A_58 = tpu.memref_squeeze %dma_wait3A_57 : memref<1x64x16xf32, #tpu.memory_space<hbm>> -> memref<64x16xf32, #tpu.memory_space<hbm>>
      tpu.wait_dma2 semaphore(%run_scoped3A : memref<!tpu.dma_semaphore, #tpu.memory_space<semaphore_mem>>) src(%arg14 : memref<64x16xf32, #tpu.memory_space<vmem>>) dst(%dma_wait3A_58 : memref<64x16xf32, #tpu.memory_space<hbm>>)
      tpu.yield
    }) : () -> ()
    "tpu.region"() ({
      %run_scoped3A = tpu.sem_alloc : memref<!tpu.dma_semaphore, #tpu.memory_space<semaphore_mem>>
      %dma_start3A_43 = arith.constant 0 : i32
      %dma_start3A_44 = arith.constant 0 : i32
      %dma_start3A_45 = tpu.memref_slice %arg7[%add3A, %dma_start3A_43, %dma_start3A_44] : memref<32x64x16xf32, #tpu.memory_space<hbm>> -> memref<1x64x16xf32, #tpu.memory_space<hbm>>
      %dma_start3A_46 = tpu.memref_squeeze %dma_start3A_45 : memref<1x64x16xf32, #tpu.memory_space<hbm>> -> memref<64x16xf32, #tpu.memory_space<hbm>>
      %dma_start3A_47 = arith.constant 0 : i32
      %dma_start3A_48 = arith.constant 0 : i32
      %dma_start3A_49 = tpu.memref_slice %arg7[%add3A, %dma_start3A_47, %dma_start3A_48] : memref<32x64x16xf32, #tpu.memory_space<hbm>> -> memref<1x64x16xf32, #tpu.memory_space<hbm>>
      %dma_start3A_50 = tpu.memref_squeeze %dma_start3A_49 : memref<1x64x16xf32, #tpu.memory_space<hbm>> -> memref<64x16xf32, #tpu.memory_space<hbm>>
      tpu.enqueue_dma source(%arg15 : memref<64x16xf32, #tpu.memory_space<vmem>>) target(%dma_start3A_50 : memref<64x16xf32, #tpu.memory_space<hbm>>) target_semaphore(%run_scoped3A : memref<!tpu.dma_semaphore, #tpu.memory_space<semaphore_mem>>)
      %dma_wait3A_51 = arith.constant 0 : i32
      %dma_wait3A_52 = arith.constant 0 : i32
      %dma_wait3A_53 = tpu.memref_slice %arg7[%add3A, %dma_wait3A_51, %dma_wait3A_52] : memref<32x64x16xf32, #tpu.memory_space<hbm>> -> memref<1x64x16xf32, #tpu.memory_space<hbm>>
      %dma_wait3A_54 = tpu.memref_squeeze %dma_wait3A_53 : memref<1x64x16xf32, #tpu.memory_space<hbm>> -> memref<64x16xf32, #tpu.memory_space<hbm>>
      %dma_wait3A_55 = arith.constant 0 : i32
      %dma_wait3A_56 = arith.constant 0 : i32
      %dma_wait3A_57 = tpu.memref_slice %arg7[%add3A, %dma_wait3A_55, %dma_wait3A_56] : memref<32x64x16xf32, #tpu.memory_space<hbm>> -> memref<1x64x16xf32, #tpu.memory_space<hbm>>
      %dma_wait3A_58 = tpu.memref_squeeze %dma_wait3A_57 : memref<1x64x16xf32, #tpu.memory_space<hbm>> -> memref<64x16xf32, #tpu.memory_space<hbm>>
      tpu.wait_dma2 semaphore(%run_scoped3A : memref<!tpu.dma_semaphore, #tpu.memory_space<semaphore_mem>>) src(%arg15 : memref<64x16xf32, #tpu.memory_space<vmem>>) dst(%dma_wait3A_58 : memref<64x16xf32, #tpu.memory_space<hbm>>)
      tpu.yield
    }) : () -> ()
    return
  }
}

module attributes {stable_mosaic.version = 14 : i64} {
  func.func @_tc_rows_body(%arg0: i32, %arg1: memref<2560x128xf32, #tpu.memory_space<vmem>>, %arg2: memref<2560x128xf32, #tpu.memory_space<vmem>>, %arg3: memref<1x1x2560xi32, #tpu.memory_space<vmem>>, %arg4: memref<1x1x2560xf32, #tpu.memory_space<vmem>>, %arg5: memref<64xf32, #tpu.memory_space<vmem>>, %arg6: memref<64xf32, #tpu.memory_space<vmem>>) attributes {dimension_semantics = [#tpu.dimension_semantics<arbitrary>], iteration_bounds = array<i64: 55>, scalar_prefetch = 0 : i64, scratch_operands = 0 : i64, tpu.core_type = #tpu.core_type<tc>, window_params = [{transform_indices = @transform_0, window_bounds = array<i64: 2560, 128>}, {transform_indices = @transform_1, window_bounds = array<i64: 2560, 128>}, {transform_indices = @transform_2, window_bounds = array<i64: 1, 1, 2560>}, {transform_indices = @transform_3, window_bounds = array<i64: 1, 1, 2560>}, {pipeline_mode = #tpu.pipeline_mode<synchronous>, transform_indices = @transform_4, window_bounds = array<i64: 64>}, {pipeline_mode = #tpu.pipeline_mode<synchronous>, transform_indices = @transform_5, window_bounds = array<i64: 64>}]} {
    %eq3A = arith.constant 0 : i32
    %eq3A_0 = arith.cmpi eq, %arg0, %eq3A : i32
    %convert_element_type3A = arith.extui %eq3A_0 : i1 to i32
    %cond3A = arith.constant 0 : i32
    %cond3A_1 = arith.cmpi ne, %convert_element_type3A, %cond3A : i32
    scf.if %cond3A_1 {
      %broadcast_in_dim3A_37 = arith.constant 0.000000e+00 : f32
      %broadcast_in_dim3A_38 = vector.broadcast %broadcast_in_dim3A_37 : f32 to vector<64xf32>
      %swap3A_39 = arith.constant 0 : index
      %swap3A_40 = vector.load %arg5[%swap3A_39] : memref<64xf32, #tpu.memory_space<vmem>>, vector<64xf32>
      tpu.vector_store %arg5[%swap3A_39], %broadcast_in_dim3A_38 {strides = array<i32>} : memref<64xf32, #tpu.memory_space<vmem>>, vector<64xf32>,
      %broadcast_in_dim3A_41 = arith.constant 0.000000e+00 : f32
      %broadcast_in_dim3A_42 = vector.broadcast %broadcast_in_dim3A_41 : f32 to vector<64xf32>
      %swap3A_43 = arith.constant 0 : index
      %swap3A_44 = vector.load %arg6[%swap3A_43] : memref<64xf32, #tpu.memory_space<vmem>>, vector<64xf32>
      tpu.vector_store %arg6[%swap3A_43], %broadcast_in_dim3A_42 {strides = array<i32>} : memref<64xf32, #tpu.memory_space<vmem>>, vector<64xf32>,
    } else {
    }
    %get3A = arith.constant 0 : index
    %get3A_2 = arith.constant 0 : index
    %get3A_3 = vector.load %arg1[%get3A, %get3A_2] : memref<2560x128xf32, #tpu.memory_space<vmem>>, vector<2560x128xf32>
    %get3A_4 = arith.constant 0 : index
    %get3A_5 = arith.constant 0 : index
    %get3A_6 = vector.load %arg2[%get3A_4, %get3A_5] : memref<2560x128xf32, #tpu.memory_space<vmem>>, vector<2560x128xf32>
    %sub3A = arith.subf %get3A_3, %get3A_6 : vector<2560x128xf32>
    %mul3A = arith.mulf %sub3A, %sub3A : vector<2560x128xf32>
    %reduce_sum3A = arith.constant dense<0.000000e+00> : vector<2560xf32>
    %reduce_sum3A_7 = vector.multi_reduction <add>, %mul3A, %reduce_sum3A [1] : vector<2560x128xf32> to vector<2560xf32>
    %broadcast_in_dim3A = vector.shape_cast %reduce_sum3A_7 : vector<2560xf32> to vector<2560x1xf32>
    %transpose3A = tpu.transpose %broadcast_in_dim3A, [1, 0] : vector<2560x1xf32> -> vector<1x2560xf32>
    %get3A_8 = arith.constant 0 : index
    %get3A_9 = arith.constant 0 : index
    %get3A_10 = arith.constant 0 : index
    %get3A_11 = vector.load %arg3[%get3A_8, %get3A_9, %get3A_10] : memref<1x1x2560xi32, #tpu.memory_space<vmem>>, vector<1x1x2560xi32>
    %get3A_12 = vector.shape_cast %get3A_11 : vector<1x1x2560xi32> to vector<1x2560xi32>
    %get3A_13 = arith.constant 0 : index
    %get3A_14 = arith.constant 0 : index
    %get3A_15 = arith.constant 0 : index
    %get3A_16 = vector.load %arg4[%get3A_13, %get3A_14, %get3A_15] : memref<1x1x2560xf32, #tpu.memory_space<vmem>>, vector<1x1x2560xf32>
    %get3A_17 = vector.shape_cast %get3A_16 : vector<1x1x2560xf32> to vector<1x2560xf32>
    %iota3A = tpu.iota {dimensions = array<i32: 0>} : vector<64x2560xi32>
    %eq3A_18 = vector.broadcast %get3A_12 : vector<1x2560xi32> to vector<64x2560xi32>
    %eq3A_19 = arith.cmpi eq, %eq3A_18, %iota3A : vector<64x2560xi32>
    %jit3A = arith.constant 0.000000e+00 : f32
    %broadcast_in_dim3A_20 = vector.shape_cast %get3A_17 : vector<1x2560xf32> to vector<1x2560xf32>
    %broadcast_in_dim3A_21 = vector.broadcast %broadcast_in_dim3A_20 : vector<1x2560xf32> to vector<64x2560xf32>
    %broadcast_in_dim3A_22 = vector.broadcast %jit3A : f32 to vector<64x2560xf32>
    %select_n3A = arith.select %eq3A_19, %broadcast_in_dim3A_21, %broadcast_in_dim3A_22 : vector<64x2560xi1>, vector<64x2560xf32>
    %get3A_23 = arith.constant 0 : index
    %get3A_24 = vector.load %arg5[%get3A_23] : memref<64xf32, #tpu.memory_space<vmem>>, vector<64xf32>
    %mul3A_25 = vector.broadcast %transpose3A : vector<1x2560xf32> to vector<64x2560xf32>
    %mul3A_26 = arith.mulf %select_n3A, %mul3A_25 : vector<64x2560xf32>
    %reduce_sum3A_27 = arith.constant dense<0.000000e+00> : vector<64xf32>
    %reduce_sum3A_28 = vector.multi_reduction <add>, %mul3A_26, %reduce_sum3A_27 [1] : vector<64x2560xf32> to vector<64xf32>
    %add3A = arith.addf %get3A_24, %reduce_sum3A_28 : vector<64xf32>
    %swap3A = arith.constant 0 : index
    %swap3A_29 = vector.load %arg5[%swap3A] : memref<64xf32, #tpu.memory_space<vmem>>, vector<64xf32>
    tpu.vector_store %arg5[%swap3A], %add3A {strides = array<i32>} : memref<64xf32, #tpu.memory_space<vmem>>, vector<64xf32>,
    %get3A_30 = arith.constant 0 : index
    %get3A_31 = vector.load %arg6[%get3A_30] : memref<64xf32, #tpu.memory_space<vmem>>, vector<64xf32>
    %reduce_sum3A_32 = arith.constant dense<0.000000e+00> : vector<64xf32>
    %reduce_sum3A_33 = vector.multi_reduction <add>, %select_n3A, %reduce_sum3A_32 [1] : vector<64x2560xf32> to vector<64xf32>
    %add3A_34 = arith.addf %get3A_31, %reduce_sum3A_33 : vector<64xf32>
    %swap3A_35 = arith.constant 0 : index
    %swap3A_36 = vector.load %arg6[%swap3A_35] : memref<64xf32, #tpu.memory_space<vmem>>, vector<64xf32>
    tpu.vector_store %arg6[%swap3A_35], %add3A_34 {strides = array<i32>} : memref<64xf32, #tpu.memory_space<vmem>>, vector<64xf32>,
    return
  }
  func.func @transform_0(%arg0: i32) -> (i32, i32) {
    %c0_i32 = arith.constant 0 : i32
    %c0_i32_0 = arith.constant 0 : i32
    return %arg0, %c0_i32 : i32, i32
  }
  func.func @transform_1(%arg0: i32) -> (i32, i32) {
    %c0_i32 = arith.constant 0 : i32
    %c0_i32_0 = arith.constant 0 : i32
    return %arg0, %c0_i32 : i32, i32
  }
  func.func @transform_2(%arg0: i32) -> (i32, i32, i32) {
    %c0_i32 = arith.constant 0 : i32
    %c0_i32_0 = arith.constant 0 : i32
    %c0_i32_1 = arith.constant 0 : i32
    return %arg0, %c0_i32, %c0_i32_0 : i32, i32, i32
  }
  func.func @transform_3(%arg0: i32) -> (i32, i32, i32) {
    %c0_i32 = arith.constant 0 : i32
    %c0_i32_0 = arith.constant 0 : i32
    %c0_i32_1 = arith.constant 0 : i32
    return %arg0, %c0_i32, %c0_i32_0 : i32, i32, i32
  }
  func.func @transform_4(%arg0: i32) -> i32 {
    %c0_i32 = arith.constant 0 : i32
    %c0_i32_0 = arith.constant 0 : i32
    return %c0_i32 : i32
  }
  func.func @transform_5(%arg0: i32) -> i32 {
    %c0_i32 = arith.constant 0 : i32
    %c0_i32_0 = arith.constant 0 : i32
    return %c0_i32 : i32
  }
}

module attributes {stable_mosaic.version = 14 : i64} {
  func.func @_tc_combine_body(%arg0: memref<32x64x16xf32, #tpu.memory_space<vmem>>, %arg1: memref<32x64x16xf32, #tpu.memory_space<vmem>>, %arg2: memref<64xf32, #tpu.memory_space<vmem>>, %arg3: memref<64xf32, #tpu.memory_space<vmem>>, %arg4: memref<1x1xf32, #tpu.memory_space<vmem>>) attributes {dimension_semantics = [], scalar_prefetch = 0 : i64, scratch_operands = 0 : i64, tpu.core_type = #tpu.core_type<tc>} {
    %get3A = arith.constant 0 : index
    %get3A_0 = arith.constant 0 : index
    %get3A_1 = arith.constant 0 : index
    %get3A_2 = vector.load %arg0[%get3A, %get3A_0, %get3A_1] : memref<32x64x16xf32, #tpu.memory_space<vmem>>, vector<32x64x16xf32>
    %reduce_sum3A = arith.constant dense<0.000000e+00> : vector<32x64xf32>
    %reduce_sum3A_3 = vector.multi_reduction <add>, %get3A_2, %reduce_sum3A [2] : vector<32x64x16xf32> to vector<32x64xf32>
    %reduce_sum3A_4 = arith.constant dense<0.000000e+00> : vector<64xf32>
    %reduce_sum3A_5 = vector.multi_reduction <add>, %reduce_sum3A_3, %reduce_sum3A_4 [0] : vector<32x64xf32> to vector<64xf32>
    %get3A_6 = arith.constant 0 : index
    %get3A_7 = vector.load %arg2[%get3A_6] : memref<64xf32, #tpu.memory_space<vmem>>, vector<64xf32>
    %add3A = arith.addf %reduce_sum3A_5, %get3A_7 : vector<64xf32>
    %get3A_8 = arith.constant 0 : index
    %get3A_9 = arith.constant 0 : index
    %get3A_10 = arith.constant 0 : index
    %get3A_11 = vector.load %arg1[%get3A_8, %get3A_9, %get3A_10] : memref<32x64x16xf32, #tpu.memory_space<vmem>>, vector<32x64x16xf32>
    %reduce_sum3A_12 = arith.constant dense<0.000000e+00> : vector<32x64xf32>
    %reduce_sum3A_13 = vector.multi_reduction <add>, %get3A_11, %reduce_sum3A_12 [2] : vector<32x64x16xf32> to vector<32x64xf32>
    %reduce_sum3A_14 = arith.constant dense<0.000000e+00> : vector<64xf32>
    %reduce_sum3A_15 = vector.multi_reduction <add>, %reduce_sum3A_13, %reduce_sum3A_14 [0] : vector<32x64xf32> to vector<64xf32>
    %get3A_16 = arith.constant 0 : index
    %get3A_17 = vector.load %arg3[%get3A_16] : memref<64xf32, #tpu.memory_space<vmem>>, vector<64xf32>
    %add3A_18 = arith.addf %reduce_sum3A_15, %get3A_17 : vector<64xf32>
    %max3A = arith.constant 1.000000e+00 : f32
    %max3A_19 = vector.broadcast %max3A : f32 to vector<64xf32>
    %max3A_20 = arith.maximumf %add3A_18, %max3A_19 : vector<64xf32>
    %div3A = arith.divf %add3A, %max3A_20 : vector<64xf32>
    %reduce_sum3A_21 = vector.shape_cast %div3A : vector<64xf32> to vector<1x64xf32>
    %reduce_sum3A_22 = arith.constant dense<0.000000e+00> : vector<1xf32>
    %reduce_sum3A_23 = vector.multi_reduction <add>, %reduce_sum3A_21, %reduce_sum3A_22 [1] : vector<1x64xf32> to vector<1xf32>
    %reduce_sum3A_24 = vector.shape_cast %reduce_sum3A_23 : vector<1xf32> to vector<1x1xf32>
    %reduce_sum3A_25 = vector.extract %reduce_sum3A_24[0, 0] : f32 from vector<1x1xf32>
    %div3A_26 = arith.constant 6.400000e+01 : f32
    %div3A_27 = arith.divf %reduce_sum3A_25, %div3A_26 : f32
    %reshape3A = vector.broadcast %div3A_27 : f32 to vector<1x1xf32>
    %swap3A = arith.constant 0 : index
    %swap3A_28 = arith.constant 0 : index
    %swap3A_29 = vector.load %arg4[%swap3A, %swap3A_28] : memref<1x1xf32, #tpu.memory_space<vmem>>, vector<1x1xf32>
    tpu.vector_store %arg4[%swap3A, %swap3A_28], %reshape3A {strides = array<i32>} : memref<1x1xf32, #tpu.memory_space<vmem>>, vector<1x1xf32>,
    return
  }
}

</mosaic_0001>

<sc_bundles>
// kernel: kernel.5.cloned.1.call-start
scs
__scs_entry_jumppad:
0x0: {  	(pc) =	sbr.rel $0x88, $3  }
0x1: {  	(tag) =	ssettag $0x0;
	lr =	simm.s32 $0x1  }
0x2: {  	[smem:$0x3F9D] =	sst lr;
	_ =	strace $0xD0000000  }
0x3: {  	_ = 	snop  }
0x4: {  	_ = 	snop  }
0x5: {  	_ = 	snop  }
0x6: {  	_ = 	snop  }
0x7: {  	_ = 	snop  }
__scs_overlays_trampoline_lowered:
0x8: {  	[smem:$0x3FAC] =	sst s0  }
0x9: {  	[smem:$0x3FAD] =	sst s1  }
0xa: {  	[smem:$0x3FAE] =	sst s2  }
0xb: {  	[smem:$0x3FAF] =	sst s3  }
0xc: {  	[smem:$0x3FB0] =	sst s4  }
0xd: {  	[smem:$0x3FB1] =	sst s5  }
0xe: {  	[smem:$0x3FB2] =	sst s6  }
0xf: {  	[smem:$0x3FB3] =	sst s7  }
0x10: {  	[smem:$0x3FB4] =	sst s8  }
0x11: {  	[smem:$0x3FB5] =	sst s9;
	s0 =	simm.s32 @!p0 $0x0  }
0x12: {  	s1 =	sld [smem:$0x3F9B];
	s0 =	simm.s32 @p0 $0x1  }
0x13: {  	[smem:$0x3FB6] =	sst s0;
	s0 =	simm.s32 @!p1 $0x0  }
0x14: {  	s2 =	sld [smem:$0x3F9A];
	s0 =	simm.s32 @p1 $0x1  }
0x15: {  	[smem:$0x3FB7] =	sst s0;
	s0 =	simm.s32 @!p2 $0x0  }
0x16: {  	s3 =	sld [smem:$0x3FDB];
	s0 =	simm.s32 @p2 $0x1  }
0x17: {  	s4 =	simm.s32 $0x1BF5;
	[smem:$0x3FB9] =	sst s0  }
0x18: {  	s0 =	sld [smem:$0x3F9C];
	_ =	swait.ge [sflag:s4], $0x0  }
0x19: {  	s7 =	sld [smem:$0x3F9D]  }
0x1a: {  	s8 =	sadd.s32 $0xFFFFE003, lr  }
0x1b: {  	s9 =	sadd.s32 $0xFFFFFEF7, lr;
	s5 =	simm.s32 $0xFFFFFFFF;
	p2 =	slt.u32 s8, $0xFFFFF086  }
0x1c: {  	p1 =	slt.u32 s9, $0xF7A;
	s5 =	simm.s32 @!p2 $0x0  }
0x1d: {  	s5 =	simm.s32 @p1 $0x1;
	p0 =	seq.s32 s7, s2  }
0x1e: {  	s7 =	smul.u32 @!p0 $0xF7A, s2;
	p2 =	seq.s32 @!p0 s5, $0x0  }
0x1f: {  	s9 =	smul.u32 $0xF7A, s1;
	s8 =	simm.s32 @!p0 $0x1BF5;
	p2 =	por !p2, p0  }
0x20: {  	[sflag:s8] =	ssyncset.s32 @!p0 $0xFFFFF086;
	s6 =	sadd.s32 @!p0 s3, s7;
	s7 =	simm.s32 @!p0 $0x108  }
0x21: {  	s3 =	sadd.s32 s3, s9;
	s6 =	sadd.s32 @!p0 $0x88, s6;
	s7 =	simm.s32 @p2 $0x1082  }
0x22: {  	[simem:s7], [sflag:s8] =	dma.local @!p0 [hbm:s6], $0xF7A  }
0x23: {  	s9 =	sor.u32 $0xD0000000, s2;
	s6 =	simm.s32 $0x108;
	_ =	swait.ge @!p0 [sflag:s8], $0x0  }
0x24: {  	s3 =	sadd.s32 $0x88, s3;
	s6 =	simm.s32 @!p1 $0x1082;
	[sflag:s4] =	ssyncset.s32 $0xFFFFF086  }
0x25: {  	[simem:s6], [sflag:s4] =	dma.local [hbm:s3], $0xF7A  }
0x26: {  	[smem:$0x3F9D] =	sst s1;
	(tag) =	ssettag s2;
	_ =	strace s9  }
0x27: {  	s1 =	sld [smem:$0x3FAD]  }
0x28: {  	s2 =	sld [smem:$0x3FAE]  }
0x29: {  	s4 =	sld [smem:$0x3FB0]  }
0x2a: {  	p0 =	seq.s32 s5, $0x0;
	s5 =	sld [smem:$0x3FB1]  }
0x2b: {  	s6 =	sld [smem:$0x3FB2]  }
0x2c: {  	s7 =	sld [smem:$0x3FB3]  }
0x2d: {  	s3 =	simm.s32 $0x108;
	s8 =	sld [smem:$0x3FB4]  }
0x2e: {  	s3 =	simm.s32 @!p0 $0x1082;
	s9 =	sld [smem:$0x3FB5]  }
0x2f: {  	lr =	sadd.s32 s0, s3;
	s0 =	sld [smem:$0x3FAC]  }
0x30: {  	s3 =	sld [smem:$0x3FAF]  }
0x31: {  	[smem:$0x3FB8] =	sst s10  }
0x32: {  	s10 =	sld [smem:$0x3FB6];
	_ =	sdelay $0x3  }
0x33: {  	p0 =	seq.s32 s10, $0x1;
	s10 =	sld [smem:$0x3FB8];
	_ =	sdelay $0x3  }
0x34: {  	[smem:$0x3FB8] =	sst s10  }
0x35: {  	s10 =	sld [smem:$0x3FB7];
	_ =	sdelay $0x3  }
0x36: {  	p1 =	seq.s32 s10, $0x1;
	s10 =	sld [smem:$0x3FB8];
	_ =	sdelay $0x3  }
0x37: {  	[smem:$0x3FB8] =	sst s10  }
0x38: {  	s10 =	sld [smem:$0x3FB9]  }
0x39: {  	_ = 	snop;
	(pc) =	sbr.ind lr, $3  }
0x3a: {  	_ = 	snop  }
0x3b: {  	_ = 	snop  }
0x3c: {  	p2 =	seq.s32 s10, $0x1;
	s10 =	sld [smem:$0x3FB8]  }
0x3d: {  	_ =	shalt  }
0x3e: {  	_ =	shalt  }
0x3f: {  	_ =	shalt  }
0x40: {  	_ =	shalt  }
0x41: {  	_ =	shalt  }
0x42: {  	_ =	shalt  }
0x43: {  	_ =	shalt  }
0x44: {  	_ =	shalt  }
0x45: {  	_ =	shalt  }
0x46: {  	_ =	shalt  }
0x47: {  	_ =	shalt  }
0x48: {  	_ =	shalt  }
0x49: {  	_ =	shalt  }
0x4a: {  	_ =	shalt  }
0x4b: {  	_ =	shalt  }
0x4c: {  	_ =	shalt  }
0x4d: {  	_ =	shalt  }
0x4e: {  	_ =	shalt  }
0x4f: {  	_ =	shalt  }
0x50: {  	_ =	shalt  }
0x51: {  	_ =	shalt  }
0x52: {  	_ =	shalt  }
0x53: {  	_ =	shalt  }
0x54: {  	_ =	shalt  }
0x55: {  	_ =	shalt  }
0x56: {  	_ =	shalt  }
0x57: {  	_ =	shalt  }
0x58: {  	_ =	shalt  }
0x59: {  	_ =	shalt  }
0x5a: {  	_ =	shalt  }
0x5b: {  	_ =	shalt  }
0x5c: {  	_ =	shalt  }
0x5d: {  	_ =	shalt  }
0x5e: {  	_ =	shalt  }
0x5f: {  	_ =	shalt  }
0x60: {  	_ =	shalt  }
0x61: {  	_ =	shalt  }
0x62: {  	_ =	shalt  }
0x63: {  	_ =	shalt  }
0x64: {  	_ =	shalt  }
0x65: {  	_ =	shalt  }
0x66: {  	_ =	shalt  }
0x67: {  	_ =	shalt  }
0x68: {  	_ =	shalt  }
0x69: {  	_ =	shalt  }
0x6a: {  	_ =	shalt  }
0x6b: {  	_ =	shalt  }
0x6c: {  	_ =	shalt  }
0x6d: {  	_ =	shalt  }
0x6e: {  	_ =	shalt  }
0x6f: {  	_ =	shalt  }
0x70: {  	_ =	shalt  }
0x71: {  	_ =	shalt  }
0x72: {  	_ =	shalt  }
0x73: {  	_ =	shalt  }
0x74: {  	_ =	shalt  }
0x75: {  	_ =	shalt  }
0x76: {  	_ =	shalt  }
0x77: {  	_ =	shalt  }
0x78: {  	_ =	shalt  }
0x79: {  	_ =	shalt  }
0x7a: {  	_ =	shalt  }
0x7b: {  	_ =	shalt  }
0x7c: {  	_ =	shalt  }
0x7d: {  	_ =	shalt  }
0x7e: {  	_ =	shalt  }
0x7f: {  	_ =	shalt  }
0x80: {  	_ =	shalt  }
0x81: {  	_ =	shalt  }
0x82: {  	_ =	shalt  }
0x83: {  	_ =	shalt  }
0x84: {  	_ =	shalt  }
0x85: {  	_ =	shalt  }
0x86: {  	_ =	shalt  }
0x87: {  	_ =	shalt  }
.Lfunc_end0:
.L_simem_size_0:
called_computation_lowered:
.L_overlay_start_0:
0x88: {  	s2 =	sld [smem:$0x3FD9]  }
0x89: {  	s3 =	sld [smem:$0x3FFE];
	_ =	sdelay $0x1  }
0x8a: {  	s1 =	srdreg.scid  }
0x8b: {  	s0 =	sand.u32 $0x1, s1  }
0x8c: {  	s17 =	sshll.u32 s0, $0xA;
	s2 =	sadd.s32 s3, s2  }
0x8d: {  	s2 =	sadd.s32 s2, s17  }
0x8e: {  	[smem:$0x3FC4] =	sst s2  }
0x8f: {  	_ = 	snop  }
0x90: {  	s2 =	sld [smem:$0x3FC9]  }
0x91: {  	s18 =	sld [smem:$0x3FC8]  }
0x92: {  	s4 =	sld [smem:$0x3FC6];
	(tm) =	ssettm $0x1  }
0x93: {  	s5 =	sld [smem:$0x3FFB];
	_ =	sdelay $0x3  }
0x94: {  	_ =	strace s5  }
0x95: {  	s5 =	sld [smem:$0x3FFC];
	_ =	sdelay $0x3  }
0x96: {  	_ =	strace s5  }
0x97: {  	s5 =	sld [smem:$0x3FFD];
	_ =	sdelay $0x3  }
0x98: {  	_ =	strace s5  }
0x99: {  	_ =	strace $0x8FFFFFFF  }
0x9a: {  	s19 =	sld [smem:$0x3FDB];
	_ =	sdelay $0x1  }
0x9b: {  	s6 =	simm.s32 $_scs_section_size  }
0x9c: {  	s7 =	simm.s32 $_size__tile_overlayer_lowered;
	s8 =	simm.s32 $_tile_overlayer_lowered  }
0x9d: {  	s22 =	simm.s32 $0x1BFF;
	s21 =	sshll.u32 s8, $0x1;
	s5 =	sadd.s32 s6, s19  }
0x9e: {  	s9 =	simm.s32 $0x0;
	s20 =	sshll.u32 s7, $0x1;
	s7 =	sadd.s32 s21, s5  }
0x9f: {  	[timem:s9], [sflag:s22] =	dma.local [hbm:s7], s20  }
0xa0: {  	_ =	swait.ge [sflag:s22], s20  }
0xa1: {  	s6 =	ssub.s32 $0x0, s20;
	[sflag:s22] =	ssyncset.done $0x0  }
0xa2: {  	[sflag:s22] =	ssyncadd.s32 s6;
	_ =	sdelay $0x1  }
0xa3: {  	s23 =	simm.s32 $0x1B8B  }
0xa4: {  	_ =	swait.ge [sflag:s23], $0x1  }
0xa5: {  	[sflag:s23] =	ssyncset.done $0x0  }
0xa6: {  	s25 =	simm.s32 $0x1B8E;
	s24 =	sld [smem:$0x3FFE];
	[sflag:s23] =	ssyncadd.s32 $0xFFFFFFFF  }
0xa7: {  	s26 =	simm.s32 $execute0_lowered;
	[smem:$0x3FD2] =	sst s25  }
0xa8: {  	s7 =	sshll.u32 s26, $0x1;
	_ =	strace $0x80000046;
	[dreg:$0x1] =	wrdreg $0xFFFFFFFF  }
0xa9: {  	s28 =	simm.s32 $_size_execute0_lowered;
	s5 =	sadd.s32 s5, s7;
	[dreg:$0x0] =	wrdreg $0x0  }
0xaa: {  	s7 =	sshll.u32 s28, $0x1;
	[dreg:$0x2] =	wrdreg s5  }
0xab: {  	[dreg:$0x3] =	wrdreg s7  }
0xac: {  	[dreg:$0x4] =	wrdreg $0xC0  }
0xad: {  	_ =	task [dreg:s9], $0x5FFFF  }
0xae: {  	[dreg:$0x1] =	wrdreg $0xFFFFFFFF  }
0xaf: {  	[dreg:$0x0] =	wrdreg $0x60  }
0xb0: {  	[dreg:$0x2] =	wrdreg s2  }
0xb1: {  	[dreg:$0x3] =	wrdreg s18  }
0xb2: {  	[dreg:$0x4] =	wrdreg s4  }
0xb3: {  	[dreg:$0x5] =	wrdreg s24  }
0xb4: {  	[dreg:$0x6] =	wrdreg $0x9  }
0xb5: {  	_ =	task.clear_ibuf [dreg:s9], $0x7FFFF;
	_ =	strace $0x90000046  }
0xb6: {  	s29 =	simm.s32 $0x9;
	_ =	strace $0x80000048  }
0xb7: {  	_ =	swait.ge [sflag:s29], $0x1  }
0xb8: {  	[sflag:s29] =	ssyncadd.s32 $0xFFFFFFFF  }
0xb9: {  	_ =	strace $0x90000048  }
0xba: {  	_ =	sfence  }
0xbb: {  	s30 =	sld [smem:$0x0];
	_ =	sdelay $0x2  }
0xbc: {  	s31 =	sshll.u32 s1, $0xD;
	s1 =	sshrl.u32 s1, $0x2  }
0xbd: {  	s3 =	sand.u32 $0x4000, s31;
	s1 =	sadd.s32 s1, s30  }
0xbe: {  	s0 =	sor.u32 s3, s0;
	s1 =	sshll.u32 s1, $0x11  }
0xbf: {  	s0 =	sor.u32 s1, s0  }
0xc0: {  	s0 =	sadd.s32 $0x8F2B, s0  }
0xc1: {  	[sflag:s0] =	ssyncadd.remote.s32 $0x1  }
0xc2: {  	_ =	sfence.sel $0xFFFF  }
0xc3: {  	[dreg:$0x0] =	wrdreg $0xFFFFFFFF;
	(pc) =	sbr.abs _section_cstart, $3  }
0xc4: {  	[dreg:$0x1] =	wrdreg $0xFFFFFFFF  }
0xc5: {  	_ =	task.clear_ibuf [dreg:s9], $0x2FFFF;
	_ =	strace $0x9FFFFFFF  }
0xc6: {  	(tm) =	ssettm $0x7FFFFFFF  }
0xc7: {  	_ =	shalt  }
tec
execute0_lowered:
.L_overlay_start_1:
0x0: {  	(tag) =	ssettag $0x1  }
0x1: {  	s0 =	srdreg.scid;
	v18 =	vlaneseq.u32  }
0x2: {  	s1 =	rddreg [dreg:$0x0];
	s0 =	sand.u32 $0x1, s0;
	v1 =	vmul.u32 $0x80, v18  }
0x3: {  	s2 =	rddreg [dreg:$0x1];
	s4 =	stileid.u32;
	s3 =	sshll.u32 s0, $0x4  }
0x4: {  	s6 =	rddreg [dreg:$0x2];
	s3 =	sor.u32 s4, s3;
	s4 =	simm.s32 $0x0;
	[tilespmem:$0x1FEF0] =	vst v1;
	v1 =	vadd.s32 $0x1, v18  }
0x5: {  	[smem:$0x7FF] =	sst s4;
	[tilespmem:$0x1FF00] =	vst v1;
	v1 =	vadd.s32 $0x2, v18  }
0x6: {  	s7 =	rddreg [dreg:$0x3];
	_ =	strace $0x80000047;
	[tilespmem:$0x1FF10] =	vst v1;
	v1 =	vadd.s32 $0x3, v18  }
0x7: {  	[tilespmem:$0x1FF20] =	vst v1;
	v1 =	vadd.s32 $0x4, v18  }
0x8: {  	[tilespmem:$0x1FF30] =	vst v1;
	v1 =	vadd.s32 $0x5, v18  }
0x9: {  	[tilespmem:$0x1FF40] =	vst v1;
	v1 =	vadd.s32 $0x6, v18  }
0xa: {  	[tilespmem:$0x1FF50] =	vst v1;
	v1 =	vadd.s32 $0x7, v18  }
0xb: {  	s15 =	simm.s32 $0x5;
	s17 =	simm.s32 $0xA000;
	[tilespmem:$0x1FF60] =	vst v1;
	v1 =	vadd.s32 $0x8, v18  }
0xc: {  	s18 =	simm.s32 $0x5000;
	s19 =	simm.s32 $0xF000;
	s20 =	simm.s32 $0x1;
	[tilespmem:$0x1FF70] =	vst v1;
	v1 =	vadd.s32 $0x9, v18  }
0xd: {  	v0 =	vimm.f32 $0.0e+00;
	s21 =	simm.s32 $0x3;
	s22 =	simm.s32 $0x16C00;
	s23 =	simm.s32 $0x18C00;
	[tilespmem:$0x1FF80] =	vst v1;
	v1 =	vadd.s32 $0xA, v18  }
0xe: {  	s24 =	simm.s32 $0x2;
	s25 =	simm.s32 $0x4;
	v19 =	vadd.s32 $0x11, v18;
	v20 =	vadd.s32 $0x12, v18;
	s0 =	ssub.s32 $0x2, s0;
	[tilespmem:$0x1FF90] =	vst v1;
	v1 =	vadd.s32 $0xB, v18  }
0xf: {  	v21 =	vadd.s32 $0x13, v18;
	v22 =	vadd.s32 $0x14, v18;
	s11 =	sshrl.u32 s0, $0x1;
	s10 =	smul.u32 $0x15E0, s3;
	s3 =	sshll.u32 s3, $0xA;
	[tilespmem:$0x1FFA0] =	vst v1;
	v1 =	vadd.s32 $0xC, v18  }
0x10: {  	s26 =	simm.s32 $0x0;
	v23 =	vadd.s32 $0x15, v18;
	v24 =	vadd.s32 $0x16, v18;
	s0 =	ssub.s32 s0, s11;
	s3 =	sadd.s32 s3, s7;
	[tilespmem:$0x1FFB0] =	vst v1;
	v1 =	vadd.s32 $0xD, v18  }
0x11: {  	v25 =	vadd.s32 $0x17, v18;
	v26 =	vadd.s32 $0x18, v18;
	s13 =	smax.u32 s0, $0x1;
	s5 =	sadd.s32 $0x22600, s10;
	s10 =	sadd.s32 $0x22740, s10;
	[tilespmem:$0x1FFC0] =	vst v1;
	v1 =	vadd.s32 $0xE, v18  }
0x12: {  	v27 =	vadd.s32 $0x19, v18;
	v28 =	vadd.s32 $0x1A, v18;
	s11 =	sadd.s32 $0xAC00, s3;
	s12 =	sadd.s32 $0x12C00, s3;
	s8 =	sshrl.u32 s5, $0x3;
	[tilespmem:$0x1FFD0] =	vst v1;
	v1 =	vadd.s32 $0xF, v18  }
0x13: {  	v29 =	vadd.s32 $0x1B, v18;
	v30 =	vadd.s32 $0x1C, v18;
	s31 =	sshll.u32 s5, $0x4;
	s9 =	sadd.s32 s8, s7;
	s6 =	sadd.s32 s6, s8;
	[tilespmem:$0x1FFE0] =	vst v1;
	v1 =	vor.u32 $0x10, v18  }
0x14: {  	v31 =	vadd.s32 $0x1D, v18;
	v32 =	vadd.s32 $0x1E, v18;
	v33 =	vadd.s32 $0x1F, v18;
	s8 =	sadd.s32 s1, s31;
	s7 =	sadd.s32 $0xE00, s9;
	s9 =	sadd.s32 s2, s31;
	[tilespmem:$0x1FFF0] =	vst v1  }
.LBB2_1:
0x15: {  	s0 =	simm.s32 $0x14000  }
0x16: {  	[tilespmem:s0], [sflag:$0x5] =	stream.linear.gather [hbm4b:s6+s4], $0x15E0, $0x38;
	[tilespmem:$0x1AC00] =	vst v63  }
0x17: {  	_ =	swait.ge [sflag:s15], $0x15E0  }
0x18: {  	[sflag:s15] =	ssyncset.done $0x0  }
0x19: {  	s31 =	simm.s32 $0x15600;
	[sflag:s15] =	ssyncadd.s32 $0xFFFFEA20  }
0x1a: {  	[tilespmem:s31], [sflag:$0x5] =	stream.linear.gather [hbm4b:s7+s4], $0x15E0, $0x38;
	[tilespmem:$0x1AC00] =	vst v63  }
0x1b: {  	_ =	swait.ge [sflag:s15], $0x15E0  }
0x1c: {  	[sflag:s15] =	ssyncset.done $0x0  }
0x1d: {  	s3 =	simm.s32 $0x0;
	s0 =	simm.s32 $0x200;
	[sflag:s15] =	ssyncadd.s32 $0xFFFFEA20  }
.LBB2_2:
0x1e: {  	p0 =	sne.s32 s0, $0x7E00;
	[tilespmem:s3+$0x16C00] =	vst v0;
	s14 =	smov.u32 s0;
	s0 =	sadd.s32 $0x200, s0  }
.Ltmp0:
0x1f: {  	[tilespmem:s3+$0x18C00] =	vst v0;
	(pc) =	sbr.rel @p0 .LBB2_2-.Ltmp0, $2  }
0x20: {  	_ =	sdelay $0x2  }
0x21: {  	s3 =	sshra.s32 s14, $0x2  }
0x22: {  	[tilespmem:s3+$0x16C00] =	vst v0  }
0x23: {  	[tilespmem:s3+$0x18C00] =	vst v0;
	s28 =	simm.s32 $0x0  }
0x24: {  	[tilespmem:s28], [sflag:$0x1] =	stream.linear.gather [hbm4b:s8+s28], $0x5000, $0x38;
	[tilespmem:$0x1AC00] =	vst v63  }
0x25: {  	s29 =	simm.s32 $0x0  }
0x26: {  	[tilespmem:s17], [sflag:$0x3] =	stream.linear.gather [hbm4b:s9+s28], $0x5000, $0x38;
	[tilespmem:$0x1AC00] =	vst v63  }
.LBB2_4:
0x27: {  	s30 =	sshllo.u32 s29, $0x1  }
0x28: {  	s0 =	smul.u32 $0xA0, s30;
	_ =	sdelay $0x1  }
0x29: {  	s0 =	sadd.s32 s5, s0  }
0x2a: {  	s0 =	sshll.u32 s0, $0x4  }
0x2b: {  	s3 =	sadd.s32 s1, s0  }
0x2c: {  	[tilespmem:s18], [sflag:$0x2] =	stream.linear.gather [hbm4b:s3+s28], $0x5000, $0x38;
	[tilespmem:$0x1AC00] =	vst v63  }
0x2d: {  	s0 =	sadd.s32 s2, s0  }
0x2e: {  	[tilespmem:s19], [sflag:$0x4] =	stream.linear.gather [hbm4b:s0+s28], $0x5000, $0x38;
	[tilespmem:$0x1AC00] =	vst v63  }
0x2f: {  	_ =	swait.ge [sflag:s20], $0x5000  }
0x30: {  	[sflag:s20] =	ssyncset.done $0x0  }
0x31: {  	[sflag:s20] =	ssyncadd.s32 $0xFFFFB000  }
0x32: {  	_ =	swait.ge [sflag:s21], $0x5000  }
0x33: {  	[sflag:s21] =	ssyncset.done $0x0  }
0x34: {  	s31 =	smul.u32 $0x14, s29;
	s3 =	simm.s32 $0x0;
	[sflag:s21] =	ssyncadd.s32 $0xFFFFB000  }
.LBB2_5:
0x35: {  	v1 =	vld [tilespmem:$0x1FEF0]  }
0x36: {  	v2 =	vld [tilespmem:$0x1FF10]  }
0x37: {  	v4 =	vld [tilespmem:$0x1FF00]  }
0x38: {  	v8 =	vld [tilespmem:$0x1FF50]  }
0x39: {  	v11 =	vld [tilespmem:$0x1FF60]  }
0x3a: {  	s0 =	sshll.u32 s3, $0x4;
	v9 =	vld [tilespmem:$0x1FF70]  }
0x3b: {  	v10 =	vld [tilespmem:$0x1FF40];
	v0 =	vmov s0  }
0x3c: {  	v12 =	vld [tilespmem:$0x1FFD0];
	v0 =	vshll.u32 v0, $0x7  }
0x3d: {  	v36 =	vor.u32 v1, v0;
	v1 =	vld [tilespmem:$0x1FF20]  }
0x3e: {  	s0 =	simm.s32 $0x0;
	s14 =	sadd.s32 s31, s3;
	v37 =	vor.u32 v18, v36;
	v45 =	vor.u32 v11, v36;
	v11 =	vld [tilespmem:$0x1FF80]  }
0x3f: {  	v62 =	vld [tilespmem:$0x1FFE0];
	s14 =	sshll.u32 s14, $0x4;
	v0 =	vor.u32 s0, v37  }
0x40: {  	v35 =	vld [tilespmem:s14+$0x14000];
	v40 =	vor.u32 v2, v36  }
0x41: {  	v34 =	vld [tilespmem:s14+$0x15600];
	v41 =	vor.u32 v4, v36;
	v3 =	vor.u32 s0, v40  }
0x42: {  	v5 =	vor.u32 s0, v41;
	v38 =	vor.u32 v1, v36;
	v1 =	vld [tilespmem:$0x1FF30]  }
0x43: {  	v46 =	vor.u32 v11, v36;
	v11 =	vld [tilespmem:$0x1FF90]  }
0x44: {  	v4 =	vld.idx.msk [tilespmem:v0+s4+$0x0], $0xffff  }
0x45: {  	v56 =	vor.u32 s0, v45;
	v0 =	vld.idx.msk [tilespmem:v0+s17+$0x0], $0xffff  }
0x46: {  	v42 =	vor.u32 v8, v36;
	v8 =	vld.idx.msk [tilespmem:v3+s17+$0x0], $0xffff  }
0x47: {  	v44 =	vor.u32 v10, v36;
	v10 =	vld.idx.msk [tilespmem:v5+s4+$0x0], $0xffff  }
0x48: {  	v3 =	vld.idx.msk [tilespmem:v3+s4+$0x0], $0xffff  }
0x49: {  	v5 =	vld.idx.msk [tilespmem:v5+s17+$0x0], $0xffff;
	v39 =	vor.u32 v1, v36;
	v1 =	vor.u32 s0, v38  }
0x4a: {  	v51 =	vor.u32 v12, v36;
	v12 =	vld.idx.msk [tilespmem:v56+s17+$0x0], $0xffff  }
0x4b: {  	v47 =	vor.u32 v11, v36;
	v11 =	vld [tilespmem:$0x1FFA0]  }
0x4c: {  	v56 =	vld.idx.msk [tilespmem:v56+s4+$0x0], $0xffff;
	v2 =	vor.u32 s0, v39  }
0x4d: {  	v0 =	vsub.f32 v4, v0;
	v4 =	vld [tilespmem:$0x1FFF0]  }
0x4e: {  	v53 =	vor.u32 s0, v44;
	v6 =	vld.idx.msk [tilespmem:v1+s17+$0x0], $0xffff  }
0x4f: {  	v1 =	vld.idx.msk [tilespmem:v1+s4+$0x0], $0xffff  }
0x50: {  	v43 =	vor.u32 v9, v36;
	v48 =	vor.u32 v11, v36;
	v11 =	vld [tilespmem:$0x1FFB0]  }
0x51: {  	v55 =	vor.u32 s0, v43;
	v7 =	vld.idx.msk [tilespmem:v2+s17+$0x0], $0xffff  }
0x52: {  	v2 =	vld.idx.msk [tilespmem:v2+s4+$0x0], $0xffff  }
0x53: {  	v15 =	vimm.f32 $0.0e+00;
	v52 =	vor.u32 v62, v36;
	v9 =	vor.u32 s0, v42;
	v63 =	vld.idx.msk [tilespmem:v53+s17+$0x0], $0xffff  }
0x54: {  	v59 =	vor.u32 s0, v52;
	v14 =	vld.idx.msk [tilespmem:v53+s4+$0x0], $0xffff;
	v3 =	vsub.f32 v3, v8;
	v12 =	vsub.f32 v56, v12  }
0x55: {  	v1 =	vsub.f32 v1, v6;
	v6 =	vor.u32 s0, v48;
	v49 =	vor.u32 v11, v36;
	v11 =	vld [tilespmem:$0x1FFC0]  }
0x56: {  	v60 =	vld.idx.msk [tilespmem:v55+s17+$0x0], $0xffff;
	v0 =	vmul.f32 v0, v0;
	v3 =	vmul.f32 v3, v3;
	v53 =	vor.u32 v4, v36  }
0x57: {  	v16 =	vld.idx.msk [tilespmem:v55+s4+$0x0], $0xffff;
	v4 =	vsub.f32 v10, v5;
	v2 =	vsub.f32 v2, v7;
	v1 =	vmul.f32 v1, v1  }
0x58: {  	v54 =	vld.idx.msk [tilespmem:v9+s17+$0x0], $0xffff;
	v55 =	vadd.f32 v3, v15;
	v5 =	vadd.f32 v0, v15;
	v13 =	vor.u32 s0, v49  }
0x59: {  	v56 =	vld.idx.msk [tilespmem:v59+s17+$0x0], $0xffff;
	v7 =	vmul.f32 v4, v4;
	v62 =	vadd.f32 v1, v15;
	v1 =	vmul.f32 v2, v2  }
0x5a: {  	v3 =	vsub.f32 v14, v63;
	v0 =	vld.idx.msk [tilespmem:v6+s17+$0x0], $0xffff;
	v50 =	vor.u32 v11, v36;
	v11 =	vor.u32 s0, v46  }
0x5b: {  	v4 =	vadd.f32 v1, v5;
	v5 =	vadd.f32 v7, v15;
	v7 =	vld.idx.msk [tilespmem:v6+s4+$0x0], $0xffff  }
0x5c: {  	v10 =	vsub.f32 v16, v60;
	v8 =	vor.u32 s0, v53;
	v6 =	vld.idx.msk [tilespmem:v9+s4+$0x0], $0xffff  }
0x5d: {  	v63 =	vmul.f32 v3, v3;
	v1 =	vadd.s32 s0, v22;
	v61 =	vld.idx.msk [tilespmem:v13+s17+$0x0], $0xffff;
	v3 =	vor.u32 s0, v50  }
0x5e: {  	v2 =	vld.idx.msk [tilespmem:v13+s4+$0x0], $0xffff;
	v1 =	vand.u32 $0x7F, v1  }
0x5f: {  	v57 =	vor.u32 s0, v47;
	v9 =	vmul.f32 v10, v10;
	v1 =	vor.u32 v36, v1;
	v58 =	vld.idx.msk [tilespmem:v11+s17+$0x0], $0xffff  }
0x60: {  	s14 =	simm.s32 $0x20;
	v10 =	vmul.f32 v12, v12;
	v60 =	vadd.f32 v63, v5;
	v63 =	vadd.s32 s0, v20;
	v5 =	vld.idx.msk [tilespmem:v11+s4+$0x0], $0xffff  }
.LBB2_6:
0x61: {  	p0 =	sne.s32 s14, $0x60;
	v11 =	vor.u32 s0, v51;
	v12 =	vld.idx.msk [tilespmem:v8+s17+$0x0], $0xffff;
	v13 =	vadd.s32 s0, v21;
	v14 =	vadd.s32 s0, v23;
	s16 =	smov.u32 s14;
	s14 =	sadd.s32 $0x20, s14  }
0x62: {  	v4 =	vadd.f32 v9, v4;
	v10 =	vadd.f32 v10, v62;
	v9 =	vld.idx.msk [tilespmem:v3+s17+$0x0], $0xffff;
	v13 =	vand.u32 $0x7F, v13  }
0x63: {  	v0 =	vsub.f32 v7, v0;
	v7 =	vld.idx.msk [tilespmem:v8+s4+$0x0], $0xffff;
	v8 =	vadd.s32 s0, v19;
	v13 =	vor.u32 v36, v13  }
0x64: {  	v2 =	vsub.f32 v2, v61;
	v16 =	vadd.s32 s0, v26;
	v8 =	vand.u32 $0x7F, v8;
	v15 =	vld.idx.msk [tilespmem:v1+s17+$0x0], $0xffff  }
0x65: {  	v6 =	vsub.f32 v6, v54;
	v0 =	vmul.f32 v0, v0;
	v54 =	vld.idx.msk [tilespmem:v57+s17+$0x0], $0xffff;
	v8 =	vor.u32 v36, v8  }
0x66: {  	v16 =	vand.u32 $0x7F, v16;
	v2 =	vmul.f32 v2, v2;
	v5 =	vsub.f32 v5, v58;
	v58 =	vld.idx.msk [tilespmem:v11+s4+$0x0], $0xffff  }
0x67: {  	v61 =	vadd.s32 s0, v25;
	v16 =	vor.u32 v36, v16;
	v6 =	vmul.f32 v6, v6;
	v11 =	vld.idx.msk [tilespmem:v11+s17+$0x0], $0xffff  }
0x68: {  	v0 =	vadd.f32 v0, v10;
	v5 =	vmul.f32 v5, v5;
	v10 =	vld.idx.msk [tilespmem:v59+s4+$0x0], $0xffff;
	v59 =	vand.u32 $0x7F, v61  }
0x69: {  	v2 =	vadd.f32 v2, v4;
	v4 =	vand.u32 $0x7F, v14;
	v3 =	vld.idx.msk [tilespmem:v3+s4+$0x0], $0xffff;
	v14 =	vor.u32 v36, v59  }
0x6a: {  	v4 =	vor.u32 v36, v4;
	v6 =	vadd.f32 v6, v55;
	v5 =	vadd.f32 v5, v60;
	v55 =	vld.idx.msk [tilespmem:v13+s17+$0x0], $0xffff  }
0x6b: {  	v59 =	vand.u32 $0x7F, v63;
	v1 =	vld.idx.msk [tilespmem:v1+s4+$0x0], $0xffff  }
0x6c: {  	v61 =	vadd.s32 s0, v30;
	v59 =	vor.u32 v36, v59;
	v60 =	vld.idx.msk [tilespmem:v8+s17+$0x0], $0xffff  }
0x6d: {  	v7 =	vsub.f32 v7, v12;
	v11 =	vsub.f32 v58, v11;
	v12 =	vld.idx.msk [tilespmem:v13+s4+$0x0], $0xffff;
	v13 =	vadd.s32 s0, v33  }
0x6e: {  	v10 =	vsub.f32 v10, v56;
	v56 =	vadd.s32 s0, v27;
	v57 =	vld.idx.msk [tilespmem:v57+s4+$0x0], $0xffff;
	v13 =	vand.u32 $0x7F, v13  }
0x6f: {  	v7 =	vmul.f32 v7, v7;
	v3 =	vsub.f32 v3, v9;
	v9 =	vand.u32 $0x7F, v56;
	v8 =	vld.idx.msk [tilespmem:v8+s4+$0x0], $0xffff  }
0x70: {  	v58 =	vand.u32 $0x7F, v61;
	v10 =	vmul.f32 v10, v10;
	v9 =	vor.u32 v36, v9;
	v56 =	vld.idx.msk [tilespmem:v16+s17+$0x0], $0xffff  }
0x71: {  	v2 =	vadd.f32 v7, v2;
	v3 =	vmul.f32 v3, v3;
	v1 =	vsub.f32 v1, v15;
	v7 =	vld.idx.msk [tilespmem:v4+s17+$0x0], $0xffff  }
0x72: {  	v15 =	vor.u32 v36, v58;
	v0 =	vadd.f32 v10, v0;
	v10 =	vld.idx.msk [tilespmem:v16+s4+$0x0], $0xffff;
	v16 =	vadd.s32 s0, v31  }
0x73: {  	v3 =	vadd.f32 v3, v5;
	v1 =	vmul.f32 v1, v1;
	v5 =	vadd.s32 s0, v28;
	v4 =	vld.idx.msk [tilespmem:v4+s4+$0x0], $0xffff  }
0x74: {  	v12 =	vsub.f32 v12, v55;
	v54 =	vsub.f32 v57, v54;
	v5 =	vand.u32 $0x7F, v5;
	v55 =	vld.idx.msk [tilespmem:v14+s17+$0x0], $0xffff  }
0x75: {  	v16 =	vand.u32 $0x7F, v16;
	v8 =	vsub.f32 v8, v60;
	v1 =	vadd.f32 v1, v2;
	v2 =	vld.idx.msk [tilespmem:v9+s17+$0x0], $0xffff  }
0x76: {  	v58 =	vadd.s32 s0, v29;
	v12 =	vmul.f32 v12, v12;
	v16 =	vor.u32 v36, v16;
	v57 =	vld.idx.msk [tilespmem:v59+s17+$0x0], $0xffff  }
0x77: {  	v58 =	vand.u32 $0x7F, v58;
	v60 =	vadd.s32 s0, v24;
	v8 =	vmul.f32 v8, v8;
	v61 =	vld.idx.msk [tilespmem:v15+s4+$0x0], $0xffff  }
0x78: {  	v54 =	vmul.f32 v54, v54;
	v10 =	vsub.f32 v10, v56;
	v56 =	vor.u32 v36, v58;
	v9 =	vld.idx.msk [tilespmem:v9+s4+$0x0], $0xffff  }
0x79: {  	v3 =	vadd.f32 v8, v3;
	v4 =	vsub.f32 v4, v7;
	v7 =	vand.u32 $0x7F, v60;
	v8 =	vld.idx.msk [tilespmem:v15+s17+$0x0], $0xffff  }
0x7a: {  	v11 =	vmul.f32 v11, v11;
	v6 =	vadd.f32 v54, v6;
	v10 =	vmul.f32 v10, v10;
	v14 =	vld.idx.msk [tilespmem:v14+s4+$0x0], $0xffff  }
0x7b: {  	v5 =	vor.u32 v36, v5;
	v7 =	vor.u32 v36, v7;
	v4 =	vmul.f32 v4, v4;
	v15 =	vld.idx.msk [tilespmem:v16+s17+$0x0], $0xffff  }
0x7c: {  	v6 =	vadd.f32 v11, v6;
	v1 =	vadd.f32 v10, v1;
	v10 =	vor.u32 v36, v13;
	v11 =	vld.idx.msk [tilespmem:v59+s4+$0x0], $0xffff  }
0x7d: {  	v3 =	vadd.f32 v4, v3;
	v4 =	vld.idx.msk [tilespmem:v56+s17+$0x0], $0xffff  }
0x7e: {  	v0 =	vadd.f32 v12, v0;
	v12 =	vld.idx.msk [tilespmem:v16+s4+$0x0], $0xffff  }
0x7f: {  	v2 =	vsub.f32 v9, v2;
	v9 =	vld.idx.msk [tilespmem:v56+s4+$0x0], $0xffff  }
0x80: {  	v8 =	vsub.f32 v61, v8;
	v16 =	vadd.s32 s0, v32;
	s0 =	smov.u32 s16;
	v13 =	vld.idx.msk [tilespmem:v5+s17+$0x0], $0xffff  }
0x81: {  	v14 =	vsub.f32 v14, v55;
	v2 =	vmul.f32 v2, v2;
	v16 =	vand.u32 $0x7F, v16;
	v54 =	vld.idx.msk [tilespmem:v10+s17+$0x0], $0xffff  }
0x82: {  	v8 =	vmul.f32 v8, v8;
	v16 =	vor.u32 v36, v16;
	v11 =	vsub.f32 v11, v57;
	v5 =	vld.idx.msk [tilespmem:v5+s4+$0x0], $0xffff  }
0x83: {  	v14 =	vmul.f32 v14, v14;
	v2 =	vadd.f32 v2, v3;
	v55 =	vld.idx.msk [tilespmem:v7+s4+$0x0], $0xffff  }
0x84: {  	v1 =	vadd.f32 v8, v1;
	v3 =	vmul.f32 v11, v11;
	v8 =	vsub.f32 v12, v15;
	v7 =	vld.idx.msk [tilespmem:v7+s17+$0x0], $0xffff  }
0x85: {  	v0 =	vadd.f32 v14, v0;
	v4 =	vsub.f32 v9, v4;
	v9 =	vld.idx.msk [tilespmem:v10+s4+$0x0], $0xffff  }
0x86: {  	v3 =	vadd.f32 v3, v6;
	v6 =	vmul.f32 v8, v8  }
0x87: {  	v4 =	vmul.f32 v4, v4;
	v8 =	vld.idx.msk [tilespmem:v16+s4+$0x0], $0xffff  }
0x88: {  	v5 =	vsub.f32 v5, v13;
	v2 =	vadd.f32 v6, v2;
	v6 =	vld.idx.msk [tilespmem:v16+s17+$0x0], $0xffff  }
0x89: {  	v0 =	vadd.f32 v4, v0  }
0x8a: {  	v4 =	vsub.f32 v55, v7  }
0x8b: {  	v7 =	vor.u32 s0, v37;
	v5 =	vmul.f32 v5, v5;
	v9 =	vsub.f32 v9, v54  }
0x8c: {  	v11 =	vor.u32 s0, v40;
	v10 =	vor.u32 s0, v41;
	v4 =	vmul.f32 v4, v4  }
0x8d: {  	v12 =	vor.u32 s0, v38;
	v9 =	vmul.f32 v9, v9  }
0x8e: {  	v13 =	vor.u32 s0, v39;
	v3 =	vadd.f32 v4, v3;
	v4 =	vsub.f32 v8, v6  }
0x8f: {  	v0 =	vadd.f32 v9, v0  }
0x90: {  	v3 =	vadd.f32 v5, v3;
	v4 =	vmul.f32 v4, v4;
	v6 =	vld.idx.msk [tilespmem:v7+s4+$0x0], $0xffff  }
0x91: {  	v5 =	vld.idx.msk [tilespmem:v7+s17+$0x0], $0xffff  }
0x92: {  	v3 =	vadd.f32 v4, v3;
	v7 =	vld.idx.msk [tilespmem:v12+s17+$0x0], $0xffff  }
0x93: {  	v8 =	vor.u32 s0, v45;
	v4 =	vld.idx.msk [tilespmem:v13+s17+$0x0], $0xffff  }
0x94: {  	v9 =	vld.idx.msk [tilespmem:v11+s17+$0x0], $0xffff  }
0x95: {  	v14 =	vor.u32 s0, v42;
	v13 =	vld.idx.msk [tilespmem:v13+s4+$0x0], $0xffff  }
0x96: {  	v16 =	vor.u32 s0, v43;
	v15 =	vld.idx.msk [tilespmem:v10+s4+$0x0], $0xffff  }
0x97: {  	v5 =	vsub.f32 v6, v5;
	v6 =	vld.idx.msk [tilespmem:v12+s4+$0x0], $0xffff;
	v12 =	vor.u32 s0, v44  }
0x98: {  	v11 =	vld.idx.msk [tilespmem:v11+s4+$0x0], $0xffff  }
0x99: {  	v5 =	vmul.f32 v5, v5;
	v10 =	vld.idx.msk [tilespmem:v10+s17+$0x0], $0xffff  }
0x9a: {  	v54 =	vld.idx.msk [tilespmem:v14+s17+$0x0], $0xffff  }
0x9b: {  	v1 =	vadd.f32 v5, v1;
	v5 =	vld.idx.msk [tilespmem:v16+s17+$0x0], $0xffff  }
0x9c: {  	v63 =	vor.u32 s0, v46;
	v56 =	vld.idx.msk [tilespmem:v12+s17+$0x0], $0xffff  }
0x9d: {  	v17 =	vor.u32 s0, v49;
	v6 =	vsub.f32 v6, v7;
	v7 =	vor.u32 s0, v48;
	v60 =	vld.idx.msk [tilespmem:v8+s17+$0x0], $0xffff  }
0x9e: {  	v9 =	vsub.f32 v11, v9;
	v11 =	vld.idx.msk [tilespmem:v12+s4+$0x0], $0xffff  }
0x9f: {  	v4 =	vsub.f32 v13, v4;
	v10 =	vsub.f32 v15, v10;
	v6 =	vmul.f32 v6, v6;
	v12 =	vld.idx.msk [tilespmem:v16+s4+$0x0], $0xffff  }
0xa0: {  	v9 =	vmul.f32 v9, v9;
	v13 =	vld.idx.msk [tilespmem:v8+s4+$0x0], $0xffff  }
0xa1: {  	v59 =	vor.u32 s0, v52;
	v62 =	vadd.f32 v6, v0;
	v0 =	vmul.f32 v4, v4;
	v58 =	vld.idx.msk [tilespmem:v63+s17+$0x0], $0xffff  }
0xa2: {  	v57 =	vor.u32 s0, v47;
	v6 =	vmul.f32 v10, v10;
	v55 =	vadd.f32 v9, v3;
	v61 =	vld.idx.msk [tilespmem:v17+s17+$0x0], $0xffff  }
0xa3: {  	v4 =	vadd.f32 v0, v1;
	v1 =	vadd.s32 s0, v22;
	v0 =	vld.idx.msk [tilespmem:v7+s17+$0x0], $0xffff  }
.Ltmp1:
0xa4: {  	v8 =	vor.u32 s0, v53;
	v10 =	vadd.f32 v6, v2;
	v6 =	vsub.f32 v11, v56;
	v2 =	vld.idx.msk [tilespmem:v17+s4+$0x0], $0xffff;
	(pc) =	sbr.rel @p0 .LBB2_6-.Ltmp1, $4  }
0xa5: {  	v3 =	vor.u32 s0, v50;
	v1 =	vand.u32 $0x7F, v1;
	v5 =	vsub.f32 v12, v5;
	v7 =	vld.idx.msk [tilespmem:v7+s4+$0x0], $0xffff  }
0xa6: {  	v1 =	vor.u32 v36, v1;
	v11 =	vmul.f32 v6, v6;
	v12 =	vsub.f32 v13, v60;
	v56 =	vld.idx.msk [tilespmem:v59+s17+$0x0], $0xffff  }
0xa7: {  	v9 =	vmul.f32 v5, v5;
	v6 =	vld.idx.msk [tilespmem:v14+s4+$0x0], $0xffff  }
0xa8: {  	v60 =	vadd.f32 v11, v10;
	v10 =	vmul.f32 v12, v12;
	v5 =	vld.idx.msk [tilespmem:v63+s4+$0x0], $0xffff;
	v63 =	vadd.s32 s0, v20  }
0xa9: {  	_ =	sdelay $0x3  }
0xaa: {  	v12 =	vld.idx.msk [tilespmem:v8+s17+$0x0], $0xffff  }
0xab: {  	v13 =	vld.idx.msk [tilespmem:v3+s17+$0x0], $0xffff  }
0xac: {  	v53 =	vld.idx.msk [tilespmem:v8+s4+$0x0], $0xffff  }
0xad: {  	v15 =	vld.idx.msk [tilespmem:v1+s17+$0x0], $0xffff  }
0xae: {  	v11 =	vor.u32 s0, v51;
	v17 =	vld.idx.msk [tilespmem:v57+s17+$0x0], $0xffff  }
0xaf: {  	v38 =	vld.idx.msk [tilespmem:v59+s4+$0x0], $0xffff;
	v44 =	vand.u32 $0x7F, v63  }
0xb0: {  	v14 =	vadd.s32 s0, v21;
	v3 =	vld.idx.msk [tilespmem:v3+s4+$0x0], $0xffff;
	v44 =	vor.u32 v36, v44  }
0xb1: {  	v16 =	vadd.s32 s0, v19;
	v1 =	vld.idx.msk [tilespmem:v1+s4+$0x0], $0xffff;
	v14 =	vand.u32 $0x7F, v14  }
0xb2: {  	v2 =	vsub.f32 v2, v61;
	v61 =	vld.idx.msk [tilespmem:v57+s4+$0x0], $0xffff;
	v16 =	vand.u32 $0x7F, v16;
	v14 =	vor.u32 v36, v14  }
0xb3: {  	v16 =	vor.u32 v36, v16;
	v37 =	vld.idx.msk [tilespmem:v11+s4+$0x0], $0xffff  }
0xb4: {  	v39 =	vadd.s32 s0, v26;
	v11 =	vld.idx.msk [tilespmem:v11+s17+$0x0], $0xffff  }
0xb5: {  	v40 =	vadd.s32 s0, v23;
	v39 =	vand.u32 $0x7F, v39;
	v8 =	vsub.f32 v53, v12;
	v12 =	vld.idx.msk [tilespmem:v44+s17+$0x0], $0xffff  }
0xb6: {  	v40 =	vand.u32 $0x7F, v40;
	v39 =	vor.u32 v36, v39;
	v44 =	vld.idx.msk [tilespmem:v44+s4+$0x0], $0xffff  }
0xb7: {  	v40 =	vor.u32 v36, v40;
	v41 =	vld.idx.msk [tilespmem:v14+s17+$0x0], $0xffff  }
0xb8: {  	v4 =	vadd.f32 v9, v4;
	v59 =	vadd.s32 s0, v25;
	v42 =	vld.idx.msk [tilespmem:v16+s17+$0x0], $0xffff  }
0xb9: {  	v43 =	vadd.s32 s0, v27;
	v0 =	vsub.f32 v7, v0;
	v7 =	vand.u32 $0x7F, v59;
	v9 =	vld.idx.msk [tilespmem:v14+s4+$0x0], $0xffff  }
0xba: {  	v45 =	vadd.s32 s0, v30;
	v43 =	vand.u32 $0x7F, v43;
	v7 =	vor.u32 v36, v7;
	v16 =	vld.idx.msk [tilespmem:v16+s4+$0x0], $0xffff  }
0xbb: {  	v49 =	vadd.s32 s0, v29;
	v45 =	vand.u32 $0x7F, v45;
	v43 =	vor.u32 v36, v43;
	v46 =	vld.idx.msk [tilespmem:v39+s17+$0x0], $0xffff  }
0xbc: {  	v50 =	vadd.s32 s0, v33;
	v10 =	vadd.f32 v10, v62;
	v45 =	vor.u32 v36, v45;
	v47 =	vld.idx.msk [tilespmem:v40+s17+$0x0], $0xffff  }
0xbd: {  	v62 =	vadd.s32 s0, v31;
	v50 =	vand.u32 $0x7F, v50;
	v0 =	vmul.f32 v0, v0;
	v39 =	vld.idx.msk [tilespmem:v39+s4+$0x0], $0xffff  }
0xbe: {  	v52 =	vand.u32 $0x7F, v49;
	v2 =	vmul.f32 v2, v2;
	v50 =	vor.u32 v36, v50;
	v40 =	vld.idx.msk [tilespmem:v40+s4+$0x0], $0xffff  }
0xbf: {  	v6 =	vsub.f32 v6, v54;
	v54 =	vadd.s32 s0, v28;
	v0 =	vadd.f32 v0, v10;
	v10 =	vld.idx.msk [tilespmem:v7+s17+$0x0], $0xffff  }
0xc0: {  	v5 =	vsub.f32 v5, v58;
	v2 =	vadd.f32 v2, v4;
	v4 =	vand.u32 $0x7F, v62;
	v48 =	vld.idx.msk [tilespmem:v43+s17+$0x0], $0xffff  }
0xc1: {  	v6 =	vmul.f32 v6, v6;
	v4 =	vor.u32 v36, v4;
	v63 =	vsub.f32 v38, v56;
	v53 =	vld.idx.msk [tilespmem:v45+s4+$0x0], $0xffff  }
0xc2: {  	v38 =	vor.u32 v36, v52;
	v3 =	vsub.f32 v3, v13;
	v1 =	vsub.f32 v1, v15;
	v43 =	vld.idx.msk [tilespmem:v43+s4+$0x0], $0xffff  }
0xc3: {  	v56 =	vadd.s32 s0, v24;
	v57 =	vsub.f32 v61, v17;
	v5 =	vmul.f32 v5, v5;
	v45 =	vld.idx.msk [tilespmem:v45+s17+$0x0], $0xffff  }
0xc4: {  	v13 =	vand.u32 $0x7F, v56;
	v6 =	vadd.f32 v6, v55;
	v8 =	vmul.f32 v8, v8;
	v7 =	vld.idx.msk [tilespmem:v7+s4+$0x0], $0xffff  }
0xc5: {  	v55 =	vand.u32 $0x7F, v54;
	v3 =	vmul.f32 v3, v3;
	v1 =	vmul.f32 v1, v1;
	v62 =	vld.idx.msk [tilespmem:v50+s17+$0x0], $0xffff  }
0xc6: {  	v13 =	vor.u32 v36, v13;
	v52 =	vld.idx.msk [tilespmem:v50+s4+$0x0], $0xffff;
	v5 =	vadd.f32 v5, v60;
	v2 =	vadd.f32 v8, v2  }
0xc7: {  	v8 =	vor.u32 v36, v55;
	v11 =	vsub.f32 v37, v11;
	v37 =	vmul.f32 v63, v63;
	v15 =	vld.idx.msk [tilespmem:v4+s17+$0x0], $0xffff  }
0xc8: {  	v3 =	vadd.f32 v3, v5;
	v4 =	vld.idx.msk [tilespmem:v4+s4+$0x0], $0xffff;
	v58 =	vsub.f32 v16, v42;
	v16 =	vadd.s32 s0, v32  }
0xc9: {  	v59 =	vld.idx.msk [tilespmem:v38+s4+$0x0], $0xffff;
	v5 =	vmul.f32 v57, v57;
	v17 =	vsub.f32 v39, v46;
	v16 =	vand.u32 $0x7F, v16  }
0xca: {  	v1 =	vadd.f32 v1, v2;
	v0 =	vadd.f32 v37, v0;
	v37 =	vld.idx.msk [tilespmem:v38+s17+$0x0], $0xffff;
	v16 =	vor.u32 v36, v16  }
0xcb: {  	v12 =	vsub.f32 v44, v12;
	v61 =	vsub.f32 v40, v47;
	v40 =	vmul.f32 v17, v17;
	v17 =	vld.idx.msk [tilespmem:v13+s4+$0x0], $0xffff  }
0xcc: {  	v5 =	vadd.f32 v5, v6;
	v63 =	vmul.f32 v11, v11;
	v9 =	vsub.f32 v9, v41;
	v13 =	vld.idx.msk [tilespmem:v13+s17+$0x0], $0xffff  }
0xcd: {  	v51 =	vsub.f32 v43, v48;
	v53 =	vsub.f32 v53, v45;
	v12 =	vmul.f32 v12, v12;
	v60 =	vld.idx.msk [tilespmem:v8+s17+$0x0], $0xffff  }
0xce: {  	v7 =	vsub.f32 v7, v10;
	v14 =	vmul.f32 v58, v58;
	v42 =	vmul.f32 v61, v61;
	v46 =	vld.idx.msk [tilespmem:v8+s4+$0x0], $0xffff  }
0xcf: {  	v5 =	vadd.f32 v63, v5;
	v47 =	vmul.f32 v9, v9;
	v4 =	vsub.f32 v4, v15;
	v54 =	vld.idx.msk [tilespmem:v16+s4+$0x0], $0xffff  }
0xd0: {  	v55 =	vmul.f32 v51, v51;
	v3 =	vadd.f32 v14, v3;
	v1 =	vadd.f32 v40, v1;
	v56 =	vld.idx.msk [tilespmem:v16+s17+$0x0], $0xffff  }
0xd1: {  	v57 =	vmul.f32 v53, v53;
	v0 =	vadd.f32 v47, v0;
	v13 =	vsub.f32 v17, v13  }
0xd2: {  	v7 =	vmul.f32 v7, v7;
	v5 =	vadd.f32 v12, v5;
	v2 =	vsub.f32 v59, v37  }
0xd3: {  	v59 =	vsub.f32 v52, v62;
	v6 =	vsub.f32 v46, v60;
	v58 =	vmul.f32 v13, v13  }
0xd4: {  	v3 =	vadd.f32 v42, v3;
	v0 =	vadd.f32 v7, v0;
	v2 =	vmul.f32 v2, v2  }
0xd5: {  	v6 =	vmul.f32 v6, v6;
	v5 =	vadd.f32 v58, v5;
	v9 =	vsub.f32 v54, v56  }
0xd6: {  	v4 =	vmul.f32 v4, v4;
	v60 =	vmul.f32 v59, v59;
	v3 =	vadd.f32 v55, v3  }
0xd7: {  	v0 =	vadd.f32 v2, v0;
	v5 =	vadd.f32 v6, v5;
	v61 =	vmul.f32 v9, v9  }
0xd8: {  	v1 =	vadd.f32 v57, v1;
	v3 =	vadd.f32 v4, v3  }
0xd9: {  	v0 =	vadd.f32 v60, v0;
	v62 =	vadd.f32 v61, v5;
	_ =	sdelay $0x1  }
0xda: {  	v63 =	vshll.u32 v35, $0x7;
	v1 =	vadd.f32 v3, v1;
	v0 =	vadd.f32 v0, v62  }
0xdb: {  	s3 =	sadd.s32 $0x1, s3;
	v2 =	vor.u32 v18, v63  }
0xdc: {  	p0 =	sne.s32 s3, $0xA;
	v0 =	vadd.f32 v0, v1  }
.Ltmp2:
0xdd: {  	_ = 	snop;
	(pc) =	sbr.rel @p0 .LBB2_5-.Ltmp2, $3  }
0xde: {  	v0 =	vmul.f32 v0, v34;
	_ =	sdelay $0x1  }
0xdf: {  	[tilespmem:v2+s22+$0x0] =	vst.idx.add.f32.msk $0xffff, v0  }
0xe0: {  	[tilespmem:v2+s23+$0x0] =	vst.idx.add.f32.msk $0xffff, v34  }
0xe1: {  	s0 =	smul.u32 $0x140, s29;
	_ =	sdelay $0x1  }
0xe2: {  	s0 =	sadd.s32 s0, s10  }
0xe3: {  	s0 =	sshll.u32 s0, $0x4  }
0xe4: {  	s31 =	simm.s32 $0x0;
	s3 =	sadd.s32 s1, s0  }
0xe5: {  	[tilespmem:s31], [sflag:$0x1] =	stream.linear.gather [hbm4b:s3+s31], $0x5000, $0x38;
	[tilespmem:$0x1AC00] =	vst v63  }
0xe6: {  	s0 =	sadd.s32 s2, s0  }
0xe7: {  	[tilespmem:s17], [sflag:$0x3] =	stream.linear.gather [hbm4b:s0+s31], $0x5000, $0x38;
	[tilespmem:$0x1AC00] =	vst v63  }
0xe8: {  	_ =	swait.ge [sflag:s24], $0x5000  }
0xe9: {  	[sflag:s24] =	ssyncset.done $0x0  }
0xea: {  	[sflag:s24] =	ssyncadd.s32 $0xFFFFB000  }
0xeb: {  	_ =	swait.ge [sflag:s25], $0x5000  }
0xec: {  	[sflag:s25] =	ssyncset.done $0x0  }
0xed: {  	s30 =	smul.u32 $0xA, s30;
	s3 =	simm.s32 $0x0;
	[sflag:s25] =	ssyncadd.s32 $0xFFFFB000  }
.LBB2_9:
0xee: {  	v1 =	vld [tilespmem:$0x1FEF0]  }
0xef: {  	v2 =	vld [tilespmem:$0x1FF10]  }
0xf0: {  	v4 =	vld [tilespmem:$0x1FF00]  }
0xf1: {  	v8 =	vld [tilespmem:$0x1FF50]  }
0xf2: {  	v9 =	vld [tilespmem:$0x1FF70]  }
0xf3: {  	v10 =	vld [tilespmem:$0x1FF40]  }
0xf4: {  	v12 =	vld [tilespmem:$0x1FF60]  }
0xf5: {  	v14 =	vld [tilespmem:$0x1FF80]  }
0xf6: {  	s0 =	sshll.u32 s3, $0x4;
	v61 =	vld [tilespmem:$0x1FF90]  }
0xf7: {  	v62 =	vld [tilespmem:$0x1FFA0];
	v0 =	vmov s0  }
0xf8: {  	v15 =	vld [tilespmem:$0x1FFB0];
	v0 =	vshll.u32 v0, $0x7  }
0xf9: {  	v17 =	vld [tilespmem:$0x1FFD0];
	v36 =	vor.u32 v1, v0  }
0xfa: {  	s16 =	sadd.s32 s30, s3;
	v1 =	vld [tilespmem:$0x1FF20];
	v37 =	vor.u32 v18, v36  }
0xfb: {  	v63 =	vld [tilespmem:$0x1FFC0];
	s0 =	sshll.u32 s16, $0x4;
	v0 =	vor.u32 s31, v37  }
0xfc: {  	v35 =	vld [tilespmem:s0+$0x14000];
	v40 =	vor.u32 v2, v36  }
0xfd: {  	v34 =	vld [tilespmem:s0+$0x15600];
	v41 =	vor.u32 v4, v36;
	v3 =	vor.u32 s31, v40  }
0xfe: {  	v51 =	vor.u32 v17, v36;
	v17 =	vld [tilespmem:$0x1FFE0];
	v5 =	vor.u32 s31, v41  }
0xff: {  	v38 =	vor.u32 v1, v36;
	v1 =	vld [tilespmem:$0x1FF30]  }
0x100: {  	v42 =	vor.u32 v8, v36;
	v4 =	vld.idx.msk [tilespmem:v0+s18+$0x0], $0xffff  }
0x101: {  	v43 =	vor.u32 v9, v36;
	v9 =	vor.u32 s31, v42;
	v0 =	vld.idx.msk [tilespmem:v0+s19+$0x0], $0xffff  }
0x102: {  	v44 =	vor.u32 v10, v36;
	v11 =	vor.u32 s31, v43;
	v8 =	vld.idx.msk [tilespmem:v3+s19+$0x0], $0xffff  }
0x103: {  	v60 =	vor.u32 s31, v44;
	v10 =	vld.idx.msk [tilespmem:v5+s18+$0x0], $0xffff  }
0x104: {  	v3 =	vld.idx.msk [tilespmem:v3+s18+$0x0], $0xffff  }
0x105: {  	v5 =	vld.idx.msk [tilespmem:v5+s19+$0x0], $0xffff;
	v39 =	vor.u32 v1, v36;
	v1 =	vor.u32 s31, v38  }
0x106: {  	v54 =	vld.idx.msk [tilespmem:v9+s19+$0x0], $0xffff  }
0x107: {  	v46 =	vor.u32 v14, v36;
	v14 =	vld.idx.msk [tilespmem:v11+s19+$0x0], $0xffff;
	v2 =	vor.u32 s31, v39  }
0x108: {  	v49 =	vor.u32 v15, v36;
	v15 =	vld.idx.msk [tilespmem:v60+s19+$0x0], $0xffff  }
0x109: {  	v45 =	vor.u32 v12, v36;
	v12 =	vld.idx.msk [tilespmem:v60+s18+$0x0], $0xffff  }
0x10a: {  	v6 =	vld.idx.msk [tilespmem:v1+s19+$0x0], $0xffff  }
0x10b: {  	v13 =	vor.u32 s31, v45;
	v1 =	vld.idx.msk [tilespmem:v1+s18+$0x0], $0xffff  }
0x10c: {  	v7 =	vld.idx.msk [tilespmem:v2+s19+$0x0], $0xffff  }
0x10d: {  	v47 =	vor.u32 v61, v36;
	v16 =	vor.u32 s31, v46;
	v3 =	vsub.f32 v3, v8;
	v2 =	vld.idx.msk [tilespmem:v2+s18+$0x0], $0xffff  }
0x10e: {  	v48 =	vor.u32 v62, v36;
	v56 =	vor.u32 s31, v49;
	v0 =	vsub.f32 v4, v0;
	v4 =	vld [tilespmem:$0x1FFF0]  }
0x10f: {  	v50 =	vor.u32 v63, v36;
	v52 =	vor.u32 v17, v36;
	v11 =	vld.idx.msk [tilespmem:v11+s18+$0x0], $0xffff;
	v3 =	vmul.f32 v3, v3  }
0x110: {  	v17 =	vld.idx.msk [tilespmem:v13+s19+$0x0], $0xffff;
	v60 =	vimm.f32 $0.0e+00;
	v59 =	vor.u32 s31, v52;
	v1 =	vsub.f32 v1, v6  }
0x111: {  	v13 =	vld.idx.msk [tilespmem:v13+s18+$0x0], $0xffff;
	v0 =	vmul.f32 v0, v0;
	v55 =	vadd.f32 v3, v60;
	v6 =	vor.u32 s31, v48  }
0x112: {  	v58 =	vld.idx.msk [tilespmem:v16+s19+$0x0], $0xffff;
	v3 =	vsub.f32 v12, v15;
	v2 =	vsub.f32 v2, v7;
	v1 =	vmul.f32 v1, v1  }
0x113: {  	v61 =	vld.idx.msk [tilespmem:v56+s19+$0x0], $0xffff;
	v53 =	vor.u32 v4, v36;
	v4 =	vsub.f32 v10, v5;
	v5 =	vadd.f32 v0, v60  }
0x114: {  	v10 =	vsub.f32 v11, v14;
	v62 =	vadd.f32 v1, v60;
	v1 =	vmul.f32 v2, v2;
	v2 =	vld.idx.msk [tilespmem:v56+s18+$0x0], $0xffff  }
0x115: {  	v8 =	vor.u32 s31, v53;
	v11 =	vmul.f32 v3, v3;
	v7 =	vmul.f32 v4, v4;
	v56 =	vld.idx.msk [tilespmem:v59+s19+$0x0], $0xffff  }
0x116: {  	v3 =	vor.u32 s31, v50;
	v0 =	vld.idx.msk [tilespmem:v6+s19+$0x0], $0xffff;
	v4 =	vadd.f32 v1, v5;
	v1 =	vadd.s32 s31, v22  }
0x117: {  	v12 =	vsub.f32 v13, v17;
	v5 =	vadd.f32 v7, v60;
	v7 =	vld.idx.msk [tilespmem:v6+s18+$0x0], $0xffff;
	v1 =	vand.u32 $0x7F, v1  }
0x118: {  	v57 =	vor.u32 s31, v47;
	v6 =	vld.idx.msk [tilespmem:v9+s18+$0x0], $0xffff;
	v9 =	vmul.f32 v10, v10;
	v63 =	vor.u32 v36, v1  }
0x119: {  	s14 =	simm.s32 $0x20;
	s0 =	simm.s32 $0x0;
	v10 =	vmul.f32 v12, v12;
	v60 =	vadd.f32 v11, v5;
	v5 =	vld.idx.msk [tilespmem:v16+s18+$0x0], $0xffff;
	v1 =	vadd.s32 s31, v20  }
.LBB2_10:
0x11a: {  	p0 =	sne.s32 s14, $0x60;
	v11 =	vor.u32 s0, v51;
	v12 =	vld.idx.msk [tilespmem:v8+s19+$0x0], $0xffff;
	v13 =	vadd.s32 s0, v21;
	v14 =	vadd.s32 s0, v23;
	s16 =	smov.u32 s14;
	s14 =	sadd.s32 $0x20, s14  }
0x11b: {  	v4 =	vadd.f32 v9, v4;
	v10 =	vadd.f32 v10, v62;
	v9 =	vld.idx.msk [tilespmem:v3+s19+$0x0], $0xffff;
	v13 =	vand.u32 $0x7F, v13  }
0x11c: {  	v0 =	vsub.f32 v7, v0;
	v7 =	vld.idx.msk [tilespmem:v8+s18+$0x0], $0xffff;
	v8 =	vadd.s32 s0, v19;
	v13 =	vor.u32 v36, v13  }
0x11d: {  	v2 =	vsub.f32 v2, v61;
	v16 =	vadd.s32 s0, v26;
	v8 =	vand.u32 $0x7F, v8;
	v15 =	vld.idx.msk [tilespmem:v63+s19+$0x0], $0xffff  }
0x11e: {  	v6 =	vsub.f32 v6, v54;
	v0 =	vmul.f32 v0, v0;
	v17 =	vld.idx.msk [tilespmem:v57+s19+$0x0], $0xffff;
	v8 =	vor.u32 v36, v8  }
0x11f: {  	v16 =	vand.u32 $0x7F, v16;
	v2 =	vmul.f32 v2, v2;
	v5 =	vsub.f32 v5, v58;
	v54 =	vld.idx.msk [tilespmem:v11+s18+$0x0], $0xffff  }
0x120: {  	v16 =	vor.u32 v36, v16;
	v58 =	vadd.s32 s0, v25;
	v6 =	vmul.f32 v6, v6;
	v11 =	vld.idx.msk [tilespmem:v11+s19+$0x0], $0xffff  }
0x121: {  	v0 =	vadd.f32 v0, v10;
	v58 =	vand.u32 $0x7F, v58;
	v5 =	vmul.f32 v5, v5;
	v10 =	vld.idx.msk [tilespmem:v59+s18+$0x0], $0xffff  }
0x122: {  	v2 =	vadd.f32 v2, v4;
	v4 =	vand.u32 $0x7F, v14;
	v14 =	vor.u32 v36, v58;
	v3 =	vld.idx.msk [tilespmem:v3+s18+$0x0], $0xffff  }
0x123: {  	v4 =	vor.u32 v36, v4;
	v6 =	vadd.f32 v6, v55;
	v5 =	vadd.f32 v5, v60;
	v55 =	vld.idx.msk [tilespmem:v13+s19+$0x0], $0xffff  }
0x124: {  	v1 =	vand.u32 $0x7F, v1;
	v58 =	vld.idx.msk [tilespmem:v63+s18+$0x0], $0xffff  }
0x125: {  	v1 =	vor.u32 v36, v1;
	v60 =	vadd.s32 s0, v30;
	v59 =	vld.idx.msk [tilespmem:v8+s19+$0x0], $0xffff  }
0x126: {  	v7 =	vsub.f32 v7, v12;
	v11 =	vsub.f32 v54, v11;
	v12 =	vld.idx.msk [tilespmem:v13+s18+$0x0], $0xffff;
	v13 =	vadd.s32 s0, v33  }
0x127: {  	v10 =	vsub.f32 v10, v56;
	v56 =	vadd.s32 s0, v27;
	v54 =	vld.idx.msk [tilespmem:v57+s18+$0x0], $0xffff;
	v13 =	vand.u32 $0x7F, v13  }
0x128: {  	v7 =	vmul.f32 v7, v7;
	v3 =	vsub.f32 v3, v9;
	v9 =	vand.u32 $0x7F, v56;
	v8 =	vld.idx.msk [tilespmem:v8+s18+$0x0], $0xffff  }
0x129: {  	v57 =	vand.u32 $0x7F, v60;
	v10 =	vmul.f32 v10, v10;
	v9 =	vor.u32 v36, v9;
	v56 =	vld.idx.msk [tilespmem:v16+s19+$0x0], $0xffff  }
0x12a: {  	v2 =	vadd.f32 v7, v2;
	v3 =	vmul.f32 v3, v3;
	v7 =	vsub.f32 v58, v15;
	v15 =	vld.idx.msk [tilespmem:v4+s19+$0x0], $0xffff  }
0x12b: {  	v0 =	vadd.f32 v10, v0;
	v10 =	vld.idx.msk [tilespmem:v16+s18+$0x0], $0xffff;
	v16 =	vor.u32 v36, v57;
	v57 =	vadd.s32 s0, v31  }
0x12c: {  	v3 =	vadd.f32 v3, v5;
	v5 =	vmul.f32 v7, v7;
	v7 =	vadd.s32 s0, v28;
	v4 =	vld.idx.msk [tilespmem:v4+s18+$0x0], $0xffff  }
0x12d: {  	v12 =	vsub.f32 v12, v55;
	v17 =	vsub.f32 v54, v17;
	v7 =	vand.u32 $0x7F, v7;
	v54 =	vld.idx.msk [tilespmem:v14+s19+$0x0], $0xffff  }
0x12e: {  	v55 =	vand.u32 $0x7F, v57;
	v8 =	vsub.f32 v8, v59;
	v2 =	vadd.f32 v5, v2;
	v5 =	vld.idx.msk [tilespmem:v9+s19+$0x0], $0xffff  }
0x12f: {  	v58 =	vadd.s32 s0, v29;
	v12 =	vmul.f32 v12, v12;
	v55 =	vor.u32 v36, v55;
	v57 =	vld.idx.msk [tilespmem:v1+s19+$0x0], $0xffff  }
0x130: {  	v58 =	vand.u32 $0x7F, v58;
	v59 =	vadd.s32 s0, v24;
	v8 =	vmul.f32 v8, v8;
	v60 =	vld.idx.msk [tilespmem:v16+s18+$0x0], $0xffff  }
0x131: {  	v17 =	vmul.f32 v17, v17;
	v10 =	vsub.f32 v10, v56;
	v56 =	vor.u32 v36, v58;
	v9 =	vld.idx.msk [tilespmem:v9+s18+$0x0], $0xffff  }
0x132: {  	v3 =	vadd.f32 v8, v3;
	v4 =	vsub.f32 v4, v15;
	v8 =	vand.u32 $0x7F, v59;
	v15 =	vld.idx.msk [tilespmem:v16+s19+$0x0], $0xffff  }
0x133: {  	v11 =	vmul.f32 v11, v11;
	v6 =	vadd.f32 v17, v6;
	v10 =	vmul.f32 v10, v10;
	v14 =	vld.idx.msk [tilespmem:v14+s18+$0x0], $0xffff  }
0x134: {  	v7 =	vor.u32 v36, v7;
	v8 =	vor.u32 v36, v8;
	v4 =	vmul.f32 v4, v4;
	v16 =	vld.idx.msk [tilespmem:v55+s19+$0x0], $0xffff  }
0x135: {  	v6 =	vadd.f32 v11, v6;
	v2 =	vadd.f32 v10, v2;
	v10 =	vor.u32 v36, v13;
	v1 =	vld.idx.msk [tilespmem:v1+s18+$0x0], $0xffff  }
0x136: {  	v3 =	vadd.f32 v4, v3;
	v4 =	vld.idx.msk [tilespmem:v56+s19+$0x0], $0xffff  }
0x137: {  	v0 =	vadd.f32 v12, v0;
	v11 =	vld.idx.msk [tilespmem:v55+s18+$0x0], $0xffff  }
0x138: {  	v5 =	vsub.f32 v9, v5;
	v9 =	vld.idx.msk [tilespmem:v56+s18+$0x0], $0xffff  }
0x139: {  	v13 =	vsub.f32 v60, v15;
	v15 =	vadd.s32 s0, v32;
	s0 =	smov.u32 s16;
	v12 =	vld.idx.msk [tilespmem:v7+s19+$0x0], $0xffff  }
0x13a: {  	v14 =	vsub.f32 v14, v54;
	v5 =	vmul.f32 v5, v5;
	v15 =	vand.u32 $0x7F, v15;
	v17 =	vld.idx.msk [tilespmem:v10+s19+$0x0], $0xffff  }
0x13b: {  	v13 =	vmul.f32 v13, v13;
	v15 =	vor.u32 v36, v15;
	v1 =	vsub.f32 v1, v57;
	v7 =	vld.idx.msk [tilespmem:v7+s18+$0x0], $0xffff  }
0x13c: {  	v14 =	vmul.f32 v14, v14;
	v3 =	vadd.f32 v5, v3;
	v54 =	vld.idx.msk [tilespmem:v8+s18+$0x0], $0xffff  }
0x13d: {  	v2 =	vadd.f32 v13, v2;
	v1 =	vmul.f32 v1, v1;
	v5 =	vld.idx.msk [tilespmem:v8+s19+$0x0], $0xffff;
	v8 =	vsub.f32 v11, v16  }
0x13e: {  	v0 =	vadd.f32 v14, v0;
	v4 =	vsub.f32 v9, v4;
	v9 =	vld.idx.msk [tilespmem:v10+s18+$0x0], $0xffff  }
0x13f: {  	v1 =	vadd.f32 v1, v6;
	v6 =	vmul.f32 v8, v8  }
0x140: {  	v4 =	vmul.f32 v4, v4;
	v8 =	vld.idx.msk [tilespmem:v15+s18+$0x0], $0xffff  }
0x141: {  	v7 =	vsub.f32 v7, v12;
	v3 =	vadd.f32 v6, v3;
	v6 =	vld.idx.msk [tilespmem:v15+s19+$0x0], $0xffff  }
0x142: {  	v0 =	vadd.f32 v4, v0  }
0x143: {  	v4 =	vsub.f32 v54, v5  }
0x144: {  	v5 =	vor.u32 s0, v37;
	v7 =	vmul.f32 v7, v7;
	v9 =	vsub.f32 v9, v17  }
0x145: {  	v11 =	vor.u32 s0, v40;
	v10 =	vor.u32 s0, v41;
	v4 =	vmul.f32 v4, v4  }
0x146: {  	v12 =	vor.u32 s0, v38;
	v9 =	vmul.f32 v9, v9  }
0x147: {  	v13 =	vor.u32 s0, v39;
	v1 =	vadd.f32 v4, v1;
	v4 =	vsub.f32 v8, v6  }
0x148: {  	v0 =	vadd.f32 v9, v0  }
0x149: {  	v1 =	vadd.f32 v7, v1;
	v4 =	vmul.f32 v4, v4;
	v6 =	vld.idx.msk [tilespmem:v5+s18+$0x0], $0xffff  }
0x14a: {  	v5 =	vld.idx.msk [tilespmem:v5+s19+$0x0], $0xffff  }
0x14b: {  	v1 =	vadd.f32 v4, v1;
	v7 =	vld.idx.msk [tilespmem:v12+s19+$0x0], $0xffff  }
0x14c: {  	v8 =	vor.u32 s0, v45;
	v4 =	vld.idx.msk [tilespmem:v13+s19+$0x0], $0xffff  }
0x14d: {  	v9 =	vld.idx.msk [tilespmem:v11+s19+$0x0], $0xffff  }
0x14e: {  	v14 =	vor.u32 s0, v42;
	v13 =	vld.idx.msk [tilespmem:v13+s18+$0x0], $0xffff  }
0x14f: {  	v16 =	vor.u32 s0, v43;
	v15 =	vld.idx.msk [tilespmem:v10+s18+$0x0], $0xffff  }
0x150: {  	v5 =	vsub.f32 v6, v5;
	v6 =	vld.idx.msk [tilespmem:v12+s18+$0x0], $0xffff;
	v12 =	vor.u32 s0, v44  }
0x151: {  	v11 =	vld.idx.msk [tilespmem:v11+s18+$0x0], $0xffff  }
0x152: {  	v5 =	vmul.f32 v5, v5;
	v10 =	vld.idx.msk [tilespmem:v10+s19+$0x0], $0xffff  }
0x153: {  	v54 =	vld.idx.msk [tilespmem:v14+s19+$0x0], $0xffff  }
0x154: {  	v2 =	vadd.f32 v5, v2;
	v5 =	vld.idx.msk [tilespmem:v16+s19+$0x0], $0xffff  }
0x155: {  	v18 =	vor.u32 s0, v46;
	v17 =	vld.idx.msk [tilespmem:v12+s19+$0x0], $0xffff  }
0x156: {  	v60 =	vor.u32 s0, v49;
	v6 =	vsub.f32 v6, v7;
	v7 =	vor.u32 s0, v48;
	v56 =	vld.idx.msk [tilespmem:v8+s19+$0x0], $0xffff  }
0x157: {  	v9 =	vsub.f32 v11, v9;
	v11 =	vld.idx.msk [tilespmem:v12+s18+$0x0], $0xffff  }
0x158: {  	v4 =	vsub.f32 v13, v4;
	v10 =	vsub.f32 v15, v10;
	v6 =	vmul.f32 v6, v6;
	v12 =	vld.idx.msk [tilespmem:v16+s18+$0x0], $0xffff  }
0x159: {  	v9 =	vmul.f32 v9, v9;
	v13 =	vld.idx.msk [tilespmem:v8+s18+$0x0], $0xffff  }
0x15a: {  	v59 =	vor.u32 s0, v52;
	v62 =	vadd.f32 v6, v0;
	v0 =	vmul.f32 v4, v4;
	v58 =	vld.idx.msk [tilespmem:v18+s19+$0x0], $0xffff  }
0x15b: {  	v57 =	vor.u32 s0, v47;
	v6 =	vmul.f32 v10, v10;
	v55 =	vadd.f32 v9, v1;
	v61 =	vld.idx.msk [tilespmem:v60+s19+$0x0], $0xffff  }
0x15c: {  	v1 =	vadd.s32 s0, v22;
	v4 =	vadd.f32 v0, v2;
	v0 =	vld.idx.msk [tilespmem:v7+s19+$0x0], $0xffff  }
.Ltmp3:
0x15d: {  	v8 =	vor.u32 s0, v53;
	v10 =	vadd.f32 v6, v3;
	v6 =	vsub.f32 v11, v17;
	v2 =	vld.idx.msk [tilespmem:v60+s18+$0x0], $0xffff;
	(pc) =	sbr.rel @p0 .LBB2_10-.Ltmp3, $4  }
0x15e: {  	v3 =	vor.u32 s0, v50;
	v1 =	vand.u32 $0x7F, v1;
	v5 =	vsub.f32 v12, v5;
	v7 =	vld.idx.msk [tilespmem:v7+s18+$0x0], $0xffff  }
0x15f: {  	v63 =	vor.u32 v36, v1;
	v11 =	vmul.f32 v6, v6;
	v12 =	vsub.f32 v13, v56;
	v56 =	vld.idx.msk [tilespmem:v59+s19+$0x0], $0xffff  }
0x160: {  	v9 =	vmul.f32 v5, v5;
	v6 =	vld.idx.msk [tilespmem:v14+s18+$0x0], $0xffff  }
0x161: {  	v1 =	vadd.s32 s0, v20;
	v60 =	vadd.f32 v11, v10;
	v10 =	vmul.f32 v12, v12;
	v5 =	vld.idx.msk [tilespmem:v18+s18+$0x0], $0xffff  }
0x162: {  	_ =	sdelay $0x3  }
0x163: {  	v12 =	vld.idx.msk [tilespmem:v8+s19+$0x0], $0xffff  }
0x164: {  	v13 =	vld.idx.msk [tilespmem:v3+s19+$0x0], $0xffff  }
0x165: {  	v52 =	vld.idx.msk [tilespmem:v8+s18+$0x0], $0xffff  }
0x166: {  	v15 =	vld.idx.msk [tilespmem:v63+s19+$0x0], $0xffff  }
0x167: {  	v11 =	vor.u32 s0, v51;
	v17 =	vld.idx.msk [tilespmem:v57+s19+$0x0], $0xffff  }
0x168: {  	v37 =	vld.idx.msk [tilespmem:v59+s18+$0x0], $0xffff;
	v1 =	vand.u32 $0x7F, v1  }
0x169: {  	v14 =	vadd.s32 s0, v21;
	v53 =	vld.idx.msk [tilespmem:v3+s18+$0x0], $0xffff;
	v1 =	vor.u32 v36, v1  }
0x16a: {  	v16 =	vadd.s32 s0, v19;
	v41 =	vld.idx.msk [tilespmem:v63+s18+$0x0], $0xffff;
	v14 =	vand.u32 $0x7F, v14  }
0x16b: {  	v2 =	vsub.f32 v2, v61;
	v61 =	vld.idx.msk [tilespmem:v57+s18+$0x0], $0xffff;
	v16 =	vand.u32 $0x7F, v16;
	v14 =	vor.u32 v36, v14  }
0x16c: {  	v16 =	vor.u32 v36, v16;
	v18 =	vld.idx.msk [tilespmem:v11+s18+$0x0], $0xffff  }
0x16d: {  	v38 =	vadd.s32 s0, v26;
	v11 =	vld.idx.msk [tilespmem:v11+s19+$0x0], $0xffff  }
0x16e: {  	v39 =	vadd.s32 s0, v23;
	v38 =	vand.u32 $0x7F, v38;
	v8 =	vsub.f32 v52, v12;
	v12 =	vld.idx.msk [tilespmem:v1+s19+$0x0], $0xffff  }
0x16f: {  	v39 =	vand.u32 $0x7F, v39;
	v38 =	vor.u32 v36, v38;
	v1 =	vld.idx.msk [tilespmem:v1+s18+$0x0], $0xffff  }
0x170: {  	v39 =	vor.u32 v36, v39;
	v40 =	vld.idx.msk [tilespmem:v14+s19+$0x0], $0xffff  }
0x171: {  	v4 =	vadd.f32 v9, v4;
	v59 =	vadd.s32 s0, v25;
	v43 =	vadd.s32 s0, v27;
	v42 =	vld.idx.msk [tilespmem:v16+s19+$0x0], $0xffff  }
0x172: {  	v44 =	vadd.s32 s0, v30;
	v0 =	vsub.f32 v7, v0;
	v7 =	vand.u32 $0x7F, v59;
	v9 =	vld.idx.msk [tilespmem:v14+s18+$0x0], $0xffff  }
0x173: {  	v48 =	vadd.s32 s0, v29;
	v43 =	vand.u32 $0x7F, v43;
	v7 =	vor.u32 v36, v7;
	v16 =	vld.idx.msk [tilespmem:v16+s18+$0x0], $0xffff  }
0x174: {  	v49 =	vadd.s32 s0, v33;
	v44 =	vand.u32 $0x7F, v44;
	v43 =	vor.u32 v36, v43;
	v45 =	vld.idx.msk [tilespmem:v38+s19+$0x0], $0xffff  }
0x175: {  	v10 =	vadd.f32 v10, v62;
	v62 =	vadd.s32 s0, v31;
	v44 =	vor.u32 v36, v44;
	v46 =	vld.idx.msk [tilespmem:v39+s19+$0x0], $0xffff  }
0x176: {  	v49 =	vand.u32 $0x7F, v49;
	v2 =	vmul.f32 v2, v2;
	v0 =	vmul.f32 v0, v0;
	v38 =	vld.idx.msk [tilespmem:v38+s18+$0x0], $0xffff  }
0x177: {  	v49 =	vor.u32 v36, v49;
	v6 =	vsub.f32 v6, v54;
	v5 =	vsub.f32 v5, v58;
	v39 =	vld.idx.msk [tilespmem:v39+s18+$0x0], $0xffff  }
0x178: {  	v2 =	vadd.f32 v2, v4;
	v4 =	vand.u32 $0x7F, v62;
	v0 =	vadd.f32 v0, v10;
	v10 =	vld.idx.msk [tilespmem:v7+s19+$0x0], $0xffff  }
0x179: {  	v6 =	vmul.f32 v6, v6;
	v4 =	vor.u32 v36, v4;
	v3 =	vsub.f32 v53, v13;
	v47 =	vld.idx.msk [tilespmem:v43+s19+$0x0], $0xffff  }
0x17a: {  	v53 =	vadd.s32 s0, v28;
	v57 =	vsub.f32 v61, v17;
	v52 =	vld.idx.msk [tilespmem:v44+s18+$0x0], $0xffff;
	v8 =	vmul.f32 v8, v8  }
0x17b: {  	v5 =	vmul.f32 v5, v5;
	v54 =	vand.u32 $0x7F, v53;
	v6 =	vadd.f32 v6, v55;
	v43 =	vld.idx.msk [tilespmem:v43+s18+$0x0], $0xffff  }
0x17c: {  	v44 =	vld.idx.msk [tilespmem:v44+s19+$0x0], $0xffff;
	v55 =	vsub.f32 v41, v15;
	v2 =	vadd.f32 v8, v2;
	v8 =	vor.u32 v36, v54  }
0x17d: {  	v7 =	vld.idx.msk [tilespmem:v7+s18+$0x0], $0xffff;
	v11 =	vsub.f32 v18, v11;
	v18 =	vsub.f32 v37, v56;
	v56 =	vadd.s32 s0, v24  }
0x17e: {  	v3 =	vmul.f32 v3, v3;
	v62 =	vld.idx.msk [tilespmem:v49+s19+$0x0], $0xffff;
	v5 =	vadd.f32 v5, v60;
	v15 =	vand.u32 $0x7F, v56  }
0x17f: {  	v63 =	vand.u32 $0x7F, v48;
	v50 =	vld.idx.msk [tilespmem:v49+s18+$0x0], $0xffff;
	v13 =	vmul.f32 v55, v55;
	v15 =	vor.u32 v36, v15  }
0x180: {  	v37 =	vor.u32 v36, v63;
	v41 =	vld.idx.msk [tilespmem:v4+s19+$0x0], $0xffff;
	v3 =	vadd.f32 v3, v5;
	v5 =	vmul.f32 v57, v57  }
0x181: {  	v4 =	vld.idx.msk [tilespmem:v4+s18+$0x0], $0xffff;
	v2 =	vadd.f32 v13, v2;
	v58 =	vsub.f32 v16, v42;
	v16 =	vadd.s32 s0, v32  }
0x182: {  	v1 =	vsub.f32 v1, v12;
	v17 =	vsub.f32 v38, v45;
	v16 =	vand.u32 $0x7F, v16;
	v60 =	vld.idx.msk [tilespmem:v8+s19+$0x0], $0xffff  }
0x183: {  	v18 =	vmul.f32 v18, v18;
	v61 =	vsub.f32 v39, v46;
	v16 =	vor.u32 v36, v16;
	v45 =	vld.idx.msk [tilespmem:v8+s18+$0x0], $0xffff  }
0x184: {  	v5 =	vadd.f32 v5, v6;
	v9 =	vsub.f32 v9, v40;
	v39 =	vmul.f32 v17, v17;
	v17 =	vld.idx.msk [tilespmem:v15+s18+$0x0], $0xffff  }
0x185: {  	v47 =	vsub.f32 v43, v47;
	v51 =	vsub.f32 v52, v44;
	v15 =	vld.idx.msk [tilespmem:v15+s19+$0x0], $0xffff  }
0x186: {  	v63 =	vmul.f32 v11, v11;
	v7 =	vsub.f32 v7, v10;
	v0 =	vadd.f32 v18, v0;
	v18 =	vld.idx.msk [tilespmem:v37+s19+$0x0], $0xffff  }
0x187: {  	v11 =	vsub.f32 v50, v62;
	v1 =	vmul.f32 v1, v1;
	v14 =	vmul.f32 v58, v58;
	v59 =	vld.idx.msk [tilespmem:v37+s18+$0x0], $0xffff  }
0x188: {  	v42 =	vmul.f32 v61, v61;
	v5 =	vadd.f32 v63, v5;
	v46 =	vmul.f32 v9, v9;
	v52 =	vld.idx.msk [tilespmem:v16+s18+$0x0], $0xffff  }
0x189: {  	v53 =	vmul.f32 v47, v47;
	v55 =	vmul.f32 v51, v51;
	v4 =	vsub.f32 v4, v41;
	v54 =	vld.idx.msk [tilespmem:v16+s19+$0x0], $0xffff  }
0x18a: {  	v7 =	vmul.f32 v7, v7;
	v3 =	vadd.f32 v14, v3;
	v56 =	vsub.f32 v17, v15  }
0x18b: {  	v61 =	vmul.f32 v11, v11;
	v0 =	vadd.f32 v46, v0;
	v57 =	vsub.f32 v45, v60  }
0x18c: {  	v1 =	vadd.f32 v1, v5;
	v13 =	vsub.f32 v59, v18;
	v58 =	vmul.f32 v56, v56  }
0x18d: {  	v3 =	vadd.f32 v42, v3;
	v0 =	vadd.f32 v7, v0;
	v5 =	vmul.f32 v57, v57  }
0x18e: {  	v59 =	vmul.f32 v13, v13;
	v60 =	vsub.f32 v52, v54;
	v1 =	vadd.f32 v58, v1  }
0x18f: {  	v2 =	vadd.f32 v39, v2;
	v4 =	vmul.f32 v4, v4;
	v3 =	vadd.f32 v53, v3  }
0x190: {  	v0 =	vadd.f32 v59, v0;
	v62 =	vmul.f32 v60, v60;
	v1 =	vadd.f32 v5, v1  }
0x191: {  	v2 =	vadd.f32 v55, v2;
	v3 =	vadd.f32 v4, v3  }
0x192: {  	v0 =	vadd.f32 v61, v0;
	v1 =	vadd.f32 v62, v1  }
0x193: {  	v63 =	vshll.u32 v35, $0x7  }
0x194: {  	v18 =	vlaneseq.u32;
	v2 =	vadd.f32 v3, v2;
	v0 =	vadd.f32 v0, v1  }
0x195: {  	s3 =	sadd.s32 $0x1, s3;
	v1 =	vor.u32 v18, v63  }
0x196: {  	p0 =	sne.s32 s3, $0xA;
	v0 =	vadd.f32 v0, v2  }
.Ltmp4:
0x197: {  	_ = 	snop;
	(pc) =	sbr.rel @p0 .LBB2_9-.Ltmp4, $3  }
0x198: {  	v0 =	vmul.f32 v0, v34;
	_ =	sdelay $0x1  }
0x199: {  	[tilespmem:v1+s22+$0x0] =	vst.idx.add.f32.msk $0xffff, v0  }
0x19a: {  	[tilespmem:v1+s23+$0x0] =	vst.idx.add.f32.msk $0xffff, v34  }
0x19b: {  	s29 =	sadd.s32 $0x1, s29  }
0x19c: {  	p0 =	sne.s32 s29, $0x11  }
.Ltmp5:
0x19d: {  	_ = 	snop;
	(pc) =	sbr.rel @p0 .LBB2_4-.Ltmp5, $1  }
0x19e: {  	_ =	sdelay $0x3  }
0x19f: {  	_ =	swait.ge [sflag:s20], $0x5000  }
0x1a0: {  	[sflag:s20] =	ssyncset.done $0x0  }
0x1a1: {  	[sflag:s20] =	ssyncadd.s32 $0xFFFFB000  }
0x1a2: {  	_ =	swait.ge [sflag:s21], $0x5000  }
0x1a3: {  	[sflag:s21] =	ssyncset.done $0x0  }
0x1a4: {  	s3 =	simm.s32 $0x0;
	s28 =	simm.s32 $0x0;
	[sflag:s21] =	ssyncadd.s32 $0xFFFFB000  }
.LBB2_14:
0x1a5: {  	v1 =	vld [tilespmem:$0x1FEF0]  }
0x1a6: {  	v2 =	vld [tilespmem:$0x1FF10]  }
0x1a7: {  	v4 =	vld [tilespmem:$0x1FF00]  }
0x1a8: {  	v8 =	vld [tilespmem:$0x1FF50]  }
0x1a9: {  	v9 =	vld [tilespmem:$0x1FF70]  }
0x1aa: {  	v10 =	vld [tilespmem:$0x1FF40]  }
0x1ab: {  	v12 =	vld [tilespmem:$0x1FF60]  }
0x1ac: {  	v14 =	vld [tilespmem:$0x1FF80]  }
0x1ad: {  	s0 =	sshll.u32 s28, $0x4;
	v61 =	vld [tilespmem:$0x1FF90]  }
0x1ae: {  	v62 =	vld [tilespmem:$0x1FFA0];
	v0 =	vmov s0  }
0x1af: {  	v15 =	vld [tilespmem:$0x1FFB0];
	v0 =	vshll.u32 v0, $0x7  }
0x1b0: {  	v17 =	vld [tilespmem:$0x1FFD0];
	v36 =	vor.u32 v1, v0  }
0x1b1: {  	v1 =	vld [tilespmem:$0x1FF20];
	v37 =	vor.u32 v18, v36  }
0x1b2: {  	v63 =	vld [tilespmem:$0x1FFC0];
	v0 =	vor.u32 s3, v37  }
0x1b3: {  	v35 =	vld [tilespmem:s0+$0x15540];
	v40 =	vor.u32 v2, v36  }
0x1b4: {  	v34 =	vld [tilespmem:s0+$0x16B40];
	v41 =	vor.u32 v4, v36;
	v3 =	vor.u32 s3, v40  }
0x1b5: {  	v51 =	vor.u32 v17, v36;
	v17 =	vld [tilespmem:$0x1FFE0];
	v5 =	vor.u32 s3, v41  }
0x1b6: {  	v38 =	vor.u32 v1, v36;
	v1 =	vld [tilespmem:$0x1FF30]  }
0x1b7: {  	v43 =	vor.u32 v9, v36;
	v4 =	vld.idx.msk [tilespmem:v0+s4+$0x0], $0xffff  }
0x1b8: {  	v44 =	vor.u32 v10, v36;
	v11 =	vor.u32 s3, v43;
	v0 =	vld.idx.msk [tilespmem:v0+s17+$0x0], $0xffff  }
0x1b9: {  	v42 =	vor.u32 v8, v36;
	v60 =	vor.u32 s3, v44;
	v8 =	vld.idx.msk [tilespmem:v3+s17+$0x0], $0xffff  }
0x1ba: {  	v10 =	vld.idx.msk [tilespmem:v5+s4+$0x0], $0xffff  }
0x1bb: {  	v3 =	vld.idx.msk [tilespmem:v3+s4+$0x0], $0xffff  }
0x1bc: {  	v5 =	vld.idx.msk [tilespmem:v5+s17+$0x0], $0xffff;
	v39 =	vor.u32 v1, v36;
	v1 =	vor.u32 s3, v38  }
0x1bd: {  	v46 =	vor.u32 v14, v36;
	v14 =	vld.idx.msk [tilespmem:v11+s17+$0x0], $0xffff  }
0x1be: {  	v49 =	vor.u32 v15, v36;
	v15 =	vld.idx.msk [tilespmem:v60+s17+$0x0], $0xffff;
	v2 =	vor.u32 s3, v39  }
0x1bf: {  	v45 =	vor.u32 v12, v36;
	v12 =	vld.idx.msk [tilespmem:v60+s4+$0x0], $0xffff  }
0x1c0: {  	v0 =	vsub.f32 v4, v0;
	v4 =	vld [tilespmem:$0x1FFF0]  }
0x1c1: {  	v9 =	vor.u32 s3, v42;
	v6 =	vld.idx.msk [tilespmem:v1+s17+$0x0], $0xffff  }
0x1c2: {  	v13 =	vor.u32 s3, v45;
	v1 =	vld.idx.msk [tilespmem:v1+s4+$0x0], $0xffff  }
0x1c3: {  	v7 =	vld.idx.msk [tilespmem:v2+s17+$0x0], $0xffff  }
0x1c4: {  	v56 =	vimm.f32 $0.0e+00;
	v16 =	vor.u32 s3, v46;
	v3 =	vsub.f32 v3, v8;
	v2 =	vld.idx.msk [tilespmem:v2+s4+$0x0], $0xffff  }
0x1c5: {  	v47 =	vor.u32 v61, v36;
	v18 =	vor.u32 s3, v49;
	v52 =	vor.u32 v17, v36;
	v11 =	vld.idx.msk [tilespmem:v11+s4+$0x0], $0xffff  }
0x1c6: {  	v48 =	vor.u32 v62, v36;
	v54 =	vld.idx.msk [tilespmem:v9+s17+$0x0], $0xffff;
	v59 =	vor.u32 s3, v52;
	v3 =	vmul.f32 v3, v3  }
0x1c7: {  	v17 =	vld.idx.msk [tilespmem:v13+s17+$0x0], $0xffff;
	v0 =	vmul.f32 v0, v0;
	v1 =	vsub.f32 v1, v6;
	v6 =	vor.u32 s3, v48  }
0x1c8: {  	v13 =	vld.idx.msk [tilespmem:v13+s4+$0x0], $0xffff;
	v55 =	vadd.f32 v3, v56;
	v3 =	vsub.f32 v12, v15;
	v53 =	vor.u32 v4, v36  }
0x1c9: {  	v58 =	vld.idx.msk [tilespmem:v16+s17+$0x0], $0xffff;
	v4 =	vsub.f32 v10, v5;
	v2 =	vsub.f32 v2, v7;
	v1 =	vmul.f32 v1, v1  }
0x1ca: {  	v50 =	vor.u32 v63, v36;
	v61 =	vld.idx.msk [tilespmem:v18+s17+$0x0], $0xffff;
	v5 =	vadd.f32 v0, v56;
	v10 =	vsub.f32 v11, v14  }
0x1cb: {  	v7 =	vmul.f32 v4, v4;
	v62 =	vadd.f32 v1, v56;
	v1 =	vmul.f32 v2, v2;
	v2 =	vld.idx.msk [tilespmem:v18+s4+$0x0], $0xffff  }
0x1cc: {  	v8 =	vor.u32 s3, v53;
	v11 =	vmul.f32 v3, v3;
	v3 =	vor.u32 s3, v50;
	v0 =	vld.idx.msk [tilespmem:v6+s17+$0x0], $0xffff  }
0x1cd: {  	v4 =	vadd.f32 v1, v5;
	v1 =	vadd.s32 s3, v22;
	v5 =	vadd.f32 v7, v56;
	v7 =	vld.idx.msk [tilespmem:v6+s4+$0x0], $0xffff  }
0x1ce: {  	v12 =	vsub.f32 v13, v17;
	v56 =	vld.idx.msk [tilespmem:v59+s17+$0x0], $0xffff;
	v1 =	vand.u32 $0x7F, v1  }
0x1cf: {  	v63 =	vadd.s32 s3, v20;
	v57 =	vor.u32 s3, v47;
	v6 =	vld.idx.msk [tilespmem:v9+s4+$0x0], $0xffff;
	v1 =	vor.u32 v36, v1  }
0x1d0: {  	s14 =	simm.s32 $0x20;
	s0 =	simm.s32 $0x0;
	v9 =	vmul.f32 v10, v10;
	v10 =	vmul.f32 v12, v12;
	v60 =	vadd.f32 v11, v5;
	v5 =	vld.idx.msk [tilespmem:v16+s4+$0x0], $0xffff  }
.LBB2_15:
0x1d1: {  	p0 =	sne.s32 s14, $0x60;
	v11 =	vor.u32 s0, v51;
	v12 =	vld.idx.msk [tilespmem:v8+s17+$0x0], $0xffff;
	v13 =	vadd.s32 s0, v21;
	v14 =	vadd.s32 s0, v23;
	s16 =	smov.u32 s14;
	s14 =	sadd.s32 $0x20, s14  }
0x1d2: {  	v4 =	vadd.f32 v9, v4;
	v10 =	vadd.f32 v10, v62;
	v9 =	vld.idx.msk [tilespmem:v3+s17+$0x0], $0xffff;
	v13 =	vand.u32 $0x7F, v13  }
0x1d3: {  	v0 =	vsub.f32 v7, v0;
	v7 =	vld.idx.msk [tilespmem:v8+s4+$0x0], $0xffff;
	v8 =	vadd.s32 s0, v19;
	v13 =	vor.u32 v36, v13  }
0x1d4: {  	v2 =	vsub.f32 v2, v61;
	v16 =	vadd.s32 s0, v26;
	v8 =	vand.u32 $0x7F, v8;
	v15 =	vld.idx.msk [tilespmem:v1+s17+$0x0], $0xffff  }
0x1d5: {  	v6 =	vsub.f32 v6, v54;
	v0 =	vmul.f32 v0, v0;
	v17 =	vld.idx.msk [tilespmem:v57+s17+$0x0], $0xffff;
	v8 =	vor.u32 v36, v8  }
0x1d6: {  	v16 =	vand.u32 $0x7F, v16;
	v2 =	vmul.f32 v2, v2;
	v5 =	vsub.f32 v5, v58;
	v18 =	vld.idx.msk [tilespmem:v11+s4+$0x0], $0xffff  }
0x1d7: {  	v16 =	vor.u32 v36, v16;
	v54 =	vadd.s32 s0, v25;
	v6 =	vmul.f32 v6, v6;
	v11 =	vld.idx.msk [tilespmem:v11+s17+$0x0], $0xffff  }
0x1d8: {  	v54 =	vand.u32 $0x7F, v54;
	v0 =	vadd.f32 v0, v10;
	v5 =	vmul.f32 v5, v5;
	v10 =	vld.idx.msk [tilespmem:v59+s4+$0x0], $0xffff  }
0x1d9: {  	v2 =	vadd.f32 v2, v4;
	v4 =	vand.u32 $0x7F, v14;
	v14 =	vor.u32 v36, v54;
	v3 =	vld.idx.msk [tilespmem:v3+s4+$0x0], $0xffff  }
0x1da: {  	v4 =	vor.u32 v36, v4;
	v6 =	vadd.f32 v6, v55;
	v5 =	vadd.f32 v5, v60;
	v54 =	vld.idx.msk [tilespmem:v13+s17+$0x0], $0xffff  }
0x1db: {  	v55 =	vand.u32 $0x7F, v63;
	v1 =	vld.idx.msk [tilespmem:v1+s4+$0x0], $0xffff  }
0x1dc: {  	v59 =	vadd.s32 s0, v30;
	v55 =	vor.u32 v36, v55;
	v58 =	vld.idx.msk [tilespmem:v8+s17+$0x0], $0xffff  }
0x1dd: {  	v7 =	vsub.f32 v7, v12;
	v11 =	vsub.f32 v18, v11;
	v12 =	vld.idx.msk [tilespmem:v13+s4+$0x0], $0xffff;
	v13 =	vadd.s32 s0, v33  }
0x1de: {  	v10 =	vsub.f32 v10, v56;
	v56 =	vadd.s32 s0, v27;
	v18 =	vld.idx.msk [tilespmem:v57+s4+$0x0], $0xffff;
	v13 =	vand.u32 $0x7F, v13  }
0x1df: {  	v7 =	vmul.f32 v7, v7;
	v3 =	vsub.f32 v3, v9;
	v9 =	vand.u32 $0x7F, v56;
	v8 =	vld.idx.msk [tilespmem:v8+s4+$0x0], $0xffff  }
0x1e0: {  	v57 =	vand.u32 $0x7F, v59;
	v10 =	vmul.f32 v10, v10;
	v9 =	vor.u32 v36, v9;
	v56 =	vld.idx.msk [tilespmem:v16+s17+$0x0], $0xffff  }
0x1e1: {  	v2 =	vadd.f32 v7, v2;
	v3 =	vmul.f32 v3, v3;
	v1 =	vsub.f32 v1, v15;
	v7 =	vld.idx.msk [tilespmem:v4+s17+$0x0], $0xffff  }
0x1e2: {  	v15 =	vor.u32 v36, v57;
	v0 =	vadd.f32 v10, v0;
	v10 =	vld.idx.msk [tilespmem:v16+s4+$0x0], $0xffff;
	v16 =	vadd.s32 s0, v31  }
0x1e3: {  	v3 =	vadd.f32 v3, v5;
	v1 =	vmul.f32 v1, v1;
	v5 =	vadd.s32 s0, v28;
	v4 =	vld.idx.msk [tilespmem:v4+s4+$0x0], $0xffff  }
0x1e4: {  	v12 =	vsub.f32 v12, v54;
	v17 =	vsub.f32 v18, v17;
	v5 =	vand.u32 $0x7F, v5;
	v18 =	vld.idx.msk [tilespmem:v14+s17+$0x0], $0xffff  }
0x1e5: {  	v16 =	vand.u32 $0x7F, v16;
	v8 =	vsub.f32 v8, v58;
	v1 =	vadd.f32 v1, v2;
	v2 =	vld.idx.msk [tilespmem:v9+s17+$0x0], $0xffff  }
0x1e6: {  	v57 =	vadd.s32 s0, v29;
	v12 =	vmul.f32 v12, v12;
	v16 =	vor.u32 v36, v16;
	v54 =	vld.idx.msk [tilespmem:v55+s17+$0x0], $0xffff  }
0x1e7: {  	v57 =	vand.u32 $0x7F, v57;
	v58 =	vadd.s32 s0, v24;
	v8 =	vmul.f32 v8, v8;
	v59 =	vld.idx.msk [tilespmem:v15+s4+$0x0], $0xffff  }
0x1e8: {  	v17 =	vmul.f32 v17, v17;
	v10 =	vsub.f32 v10, v56;
	v56 =	vor.u32 v36, v57;
	v9 =	vld.idx.msk [tilespmem:v9+s4+$0x0], $0xffff  }
0x1e9: {  	v3 =	vadd.f32 v8, v3;
	v4 =	vsub.f32 v4, v7;
	v7 =	vand.u32 $0x7F, v58;
	v8 =	vld.idx.msk [tilespmem:v15+s17+$0x0], $0xffff  }
0x1ea: {  	v11 =	vmul.f32 v11, v11;
	v6 =	vadd.f32 v17, v6;
	v10 =	vmul.f32 v10, v10;
	v14 =	vld.idx.msk [tilespmem:v14+s4+$0x0], $0xffff  }
0x1eb: {  	v5 =	vor.u32 v36, v5;
	v7 =	vor.u32 v36, v7;
	v4 =	vmul.f32 v4, v4;
	v15 =	vld.idx.msk [tilespmem:v16+s17+$0x0], $0xffff  }
0x1ec: {  	v6 =	vadd.f32 v11, v6;
	v1 =	vadd.f32 v10, v1;
	v10 =	vor.u32 v36, v13;
	v11 =	vld.idx.msk [tilespmem:v55+s4+$0x0], $0xffff  }
0x1ed: {  	v3 =	vadd.f32 v4, v3;
	v4 =	vld.idx.msk [tilespmem:v56+s17+$0x0], $0xffff  }
0x1ee: {  	v0 =	vadd.f32 v12, v0;
	v12 =	vld.idx.msk [tilespmem:v16+s4+$0x0], $0xffff  }
0x1ef: {  	v2 =	vsub.f32 v9, v2;
	v9 =	vld.idx.msk [tilespmem:v56+s4+$0x0], $0xffff  }
0x1f0: {  	v8 =	vsub.f32 v59, v8;
	v16 =	vadd.s32 s0, v32;
	s0 =	smov.u32 s16;
	v13 =	vld.idx.msk [tilespmem:v5+s17+$0x0], $0xffff  }
0x1f1: {  	v14 =	vsub.f32 v14, v18;
	v2 =	vmul.f32 v2, v2;
	v16 =	vand.u32 $0x7F, v16;
	v17 =	vld.idx.msk [tilespmem:v10+s17+$0x0], $0xffff  }
0x1f2: {  	v8 =	vmul.f32 v8, v8;
	v16 =	vor.u32 v36, v16;
	v11 =	vsub.f32 v11, v54;
	v5 =	vld.idx.msk [tilespmem:v5+s4+$0x0], $0xffff  }
0x1f3: {  	v14 =	vmul.f32 v14, v14;
	v2 =	vadd.f32 v2, v3;
	v18 =	vld.idx.msk [tilespmem:v7+s4+$0x0], $0xffff  }
0x1f4: {  	v1 =	vadd.f32 v8, v1;
	v3 =	vmul.f32 v11, v11;
	v8 =	vsub.f32 v12, v15;
	v7 =	vld.idx.msk [tilespmem:v7+s17+$0x0], $0xffff  }
0x1f5: {  	v0 =	vadd.f32 v14, v0;
	v4 =	vsub.f32 v9, v4;
	v9 =	vld.idx.msk [tilespmem:v10+s4+$0x0], $0xffff  }
0x1f6: {  	v3 =	vadd.f32 v3, v6;
	v6 =	vmul.f32 v8, v8  }
0x1f7: {  	v4 =	vmul.f32 v4, v4;
	v8 =	vld.idx.msk [tilespmem:v16+s4+$0x0], $0xffff  }
0x1f8: {  	v5 =	vsub.f32 v5, v13;
	v2 =	vadd.f32 v6, v2;
	v6 =	vld.idx.msk [tilespmem:v16+s17+$0x0], $0xffff  }
0x1f9: {  	v0 =	vadd.f32 v4, v0  }
0x1fa: {  	v4 =	vsub.f32 v18, v7  }
0x1fb: {  	v7 =	vor.u32 s0, v37;
	v5 =	vmul.f32 v5, v5;
	v9 =	vsub.f32 v9, v17  }
0x1fc: {  	v11 =	vor.u32 s0, v40;
	v10 =	vor.u32 s0, v41;
	v4 =	vmul.f32 v4, v4  }
0x1fd: {  	v12 =	vor.u32 s0, v38;
	v9 =	vmul.f32 v9, v9  }
0x1fe: {  	v13 =	vor.u32 s0, v39;
	v3 =	vadd.f32 v4, v3;
	v4 =	vsub.f32 v8, v6  }
0x1ff: {  	v0 =	vadd.f32 v9, v0  }
0x200: {  	v3 =	vadd.f32 v5, v3;
	v4 =	vmul.f32 v4, v4;
	v6 =	vld.idx.msk [tilespmem:v7+s4+$0x0], $0xffff  }
0x201: {  	v5 =	vld.idx.msk [tilespmem:v7+s17+$0x0], $0xffff  }
0x202: {  	v3 =	vadd.f32 v4, v3;
	v7 =	vld.idx.msk [tilespmem:v12+s17+$0x0], $0xffff  }
0x203: {  	v8 =	vor.u32 s0, v45;
	v4 =	vld.idx.msk [tilespmem:v13+s17+$0x0], $0xffff  }
0x204: {  	v9 =	vld.idx.msk [tilespmem:v11+s17+$0x0], $0xffff  }
0x205: {  	v14 =	vor.u32 s0, v42;
	v13 =	vld.idx.msk [tilespmem:v13+s4+$0x0], $0xffff  }
0x206: {  	v16 =	vor.u32 s0, v43;
	v15 =	vld.idx.msk [tilespmem:v10+s4+$0x0], $0xffff  }
0x207: {  	v5 =	vsub.f32 v6, v5;
	v6 =	vld.idx.msk [tilespmem:v12+s4+$0x0], $0xffff;
	v12 =	vor.u32 s0, v44  }
0x208: {  	v11 =	vld.idx.msk [tilespmem:v11+s4+$0x0], $0xffff  }
0x209: {  	v5 =	vmul.f32 v5, v5;
	v10 =	vld.idx.msk [tilespmem:v10+s17+$0x0], $0xffff  }
0x20a: {  	v54 =	vld.idx.msk [tilespmem:v14+s17+$0x0], $0xffff  }
0x20b: {  	v1 =	vadd.f32 v5, v1;
	v5 =	vld.idx.msk [tilespmem:v16+s17+$0x0], $0xffff  }
0x20c: {  	v18 =	vor.u32 s0, v46;
	v17 =	vld.idx.msk [tilespmem:v12+s17+$0x0], $0xffff  }
0x20d: {  	v60 =	vor.u32 s0, v49;
	v6 =	vsub.f32 v6, v7;
	v7 =	vor.u32 s0, v48;
	v56 =	vld.idx.msk [tilespmem:v8+s17+$0x0], $0xffff  }
0x20e: {  	v9 =	vsub.f32 v11, v9;
	v11 =	vld.idx.msk [tilespmem:v12+s4+$0x0], $0xffff  }
0x20f: {  	v4 =	vsub.f32 v13, v4;
	v10 =	vsub.f32 v15, v10;
	v6 =	vmul.f32 v6, v6;
	v12 =	vld.idx.msk [tilespmem:v16+s4+$0x0], $0xffff  }
0x210: {  	v9 =	vmul.f32 v9, v9;
	v13 =	vld.idx.msk [tilespmem:v8+s4+$0x0], $0xffff  }
0x211: {  	v59 =	vor.u32 s0, v52;
	v62 =	vadd.f32 v6, v0;
	v0 =	vmul.f32 v4, v4;
	v58 =	vld.idx.msk [tilespmem:v18+s17+$0x0], $0xffff  }
0x212: {  	v57 =	vor.u32 s0, v47;
	v6 =	vmul.f32 v10, v10;
	v55 =	vadd.f32 v9, v3;
	v61 =	vld.idx.msk [tilespmem:v60+s17+$0x0], $0xffff  }
0x213: {  	v4 =	vadd.f32 v0, v1;
	v1 =	vadd.s32 s0, v22;
	v0 =	vld.idx.msk [tilespmem:v7+s17+$0x0], $0xffff  }
.Ltmp6:
0x214: {  	v8 =	vor.u32 s0, v53;
	v10 =	vadd.f32 v6, v2;
	v6 =	vsub.f32 v11, v17;
	v2 =	vld.idx.msk [tilespmem:v60+s4+$0x0], $0xffff;
	(pc) =	sbr.rel @p0 .LBB2_15-.Ltmp6, $4  }
0x215: {  	v3 =	vor.u32 s0, v50;
	v1 =	vand.u32 $0x7F, v1;
	v5 =	vsub.f32 v12, v5;
	v7 =	vld.idx.msk [tilespmem:v7+s4+$0x0], $0xffff  }
0x216: {  	v1 =	vor.u32 v36, v1;
	v11 =	vmul.f32 v6, v6;
	v12 =	vsub.f32 v13, v56;
	v56 =	vld.idx.msk [tilespmem:v59+s17+$0x0], $0xffff  }
0x217: {  	v9 =	vmul.f32 v5, v5;
	v6 =	vld.idx.msk [tilespmem:v14+s4+$0x0], $0xffff  }
0x218: {  	v63 =	vadd.s32 s0, v20;
	v60 =	vadd.f32 v11, v10;
	v10 =	vmul.f32 v12, v12;
	v5 =	vld.idx.msk [tilespmem:v18+s4+$0x0], $0xffff  }
0x219: {  	_ =	sdelay $0x3  }
0x21a: {  	v12 =	vld.idx.msk [tilespmem:v8+s17+$0x0], $0xffff  }
0x21b: {  	v13 =	vld.idx.msk [tilespmem:v3+s17+$0x0], $0xffff  }
0x21c: {  	v53 =	vld.idx.msk [tilespmem:v8+s4+$0x0], $0xffff  }
0x21d: {  	v15 =	vld.idx.msk [tilespmem:v1+s17+$0x0], $0xffff  }
0x21e: {  	v11 =	vor.u32 s0, v51;
	v17 =	vld.idx.msk [tilespmem:v57+s17+$0x0], $0xffff  }
0x21f: {  	v37 =	vld.idx.msk [tilespmem:v59+s4+$0x0], $0xffff;
	v43 =	vand.u32 $0x7F, v63  }
0x220: {  	v14 =	vadd.s32 s0, v21;
	v3 =	vld.idx.msk [tilespmem:v3+s4+$0x0], $0xffff;
	v43 =	vor.u32 v36, v43  }
0x221: {  	v16 =	vadd.s32 s0, v19;
	v1 =	vld.idx.msk [tilespmem:v1+s4+$0x0], $0xffff;
	v14 =	vand.u32 $0x7F, v14  }
0x222: {  	v16 =	vand.u32 $0x7F, v16;
	v10 =	vadd.f32 v10, v62;
	v62 =	vld.idx.msk [tilespmem:v57+s4+$0x0], $0xffff;
	v14 =	vor.u32 v36, v14  }
0x223: {  	v16 =	vor.u32 v36, v16;
	v18 =	vld.idx.msk [tilespmem:v11+s4+$0x0], $0xffff  }
0x224: {  	v38 =	vadd.s32 s0, v26;
	v11 =	vld.idx.msk [tilespmem:v11+s17+$0x0], $0xffff  }
0x225: {  	v39 =	vadd.s32 s0, v23;
	v38 =	vand.u32 $0x7F, v38;
	v8 =	vsub.f32 v53, v12;
	v12 =	vld.idx.msk [tilespmem:v43+s17+$0x0], $0xffff  }
0x226: {  	v39 =	vand.u32 $0x7F, v39;
	v38 =	vor.u32 v36, v38;
	v43 =	vld.idx.msk [tilespmem:v43+s4+$0x0], $0xffff  }
0x227: {  	v39 =	vor.u32 v36, v39;
	v40 =	vld.idx.msk [tilespmem:v14+s17+$0x0], $0xffff  }
0x228: {  	v4 =	vadd.f32 v9, v4;
	v59 =	vadd.s32 s0, v25;
	v2 =	vsub.f32 v2, v61;
	v41 =	vld.idx.msk [tilespmem:v16+s17+$0x0], $0xffff  }
0x229: {  	v42 =	vadd.s32 s0, v27;
	v0 =	vsub.f32 v7, v0;
	v7 =	vand.u32 $0x7F, v59;
	v9 =	vld.idx.msk [tilespmem:v14+s4+$0x0], $0xffff  }
0x22a: {  	v44 =	vadd.s32 s0, v30;
	v42 =	vand.u32 $0x7F, v42;
	v7 =	vor.u32 v36, v7;
	v16 =	vld.idx.msk [tilespmem:v16+s4+$0x0], $0xffff  }
0x22b: {  	v52 =	vadd.s32 s0, v31;
	v44 =	vand.u32 $0x7F, v44;
	v42 =	vor.u32 v36, v42;
	v45 =	vld.idx.msk [tilespmem:v38+s17+$0x0], $0xffff  }
0x22c: {  	v48 =	vadd.s32 s0, v29;
	v49 =	vadd.s32 s0, v33;
	v44 =	vor.u32 v36, v44;
	v46 =	vld.idx.msk [tilespmem:v39+s17+$0x0], $0xffff  }
0x22d: {  	v49 =	vand.u32 $0x7F, v49;
	v2 =	vmul.f32 v2, v2;
	v0 =	vmul.f32 v0, v0;
	v38 =	vld.idx.msk [tilespmem:v38+s4+$0x0], $0xffff  }
0x22e: {  	v57 =	vadd.s32 s0, v24;
	v49 =	vor.u32 v36, v49;
	v6 =	vsub.f32 v6, v54;
	v39 =	vld.idx.msk [tilespmem:v39+s4+$0x0], $0xffff  }
0x22f: {  	v2 =	vadd.f32 v2, v4;
	v4 =	vand.u32 $0x7F, v52;
	v0 =	vadd.f32 v0, v10;
	v10 =	vld.idx.msk [tilespmem:v7+s17+$0x0], $0xffff  }
0x230: {  	v5 =	vsub.f32 v5, v58;
	v6 =	vmul.f32 v6, v6;
	v4 =	vor.u32 v36, v4;
	v47 =	vld.idx.msk [tilespmem:v42+s17+$0x0], $0xffff  }
0x231: {  	v53 =	vand.u32 $0x7F, v48;
	v3 =	vsub.f32 v3, v13;
	v13 =	vand.u32 $0x7F, v57;
	v54 =	vld.idx.msk [tilespmem:v44+s4+$0x0], $0xffff  }
0x232: {  	v1 =	vsub.f32 v1, v15;
	v5 =	vmul.f32 v5, v5;
	v13 =	vor.u32 v36, v13;
	v42 =	vld.idx.msk [tilespmem:v42+s4+$0x0], $0xffff  }
0x233: {  	v58 =	vsub.f32 v62, v17;
	v6 =	vadd.f32 v6, v55;
	v8 =	vmul.f32 v8, v8;
	v44 =	vld.idx.msk [tilespmem:v44+s17+$0x0], $0xffff  }
0x234: {  	v55 =	vadd.s32 s0, v28;
	v7 =	vld.idx.msk [tilespmem:v7+s4+$0x0], $0xffff;
	v3 =	vmul.f32 v3, v3;
	v5 =	vadd.f32 v5, v60  }
0x235: {  	v1 =	vmul.f32 v1, v1;
	v63 =	vld.idx.msk [tilespmem:v49+s17+$0x0], $0xffff;
	v2 =	vadd.f32 v8, v2;
	v11 =	vsub.f32 v18, v11  }
0x236: {  	v52 =	vld.idx.msk [tilespmem:v49+s4+$0x0], $0xffff;
	v18 =	vsub.f32 v37, v56;
	v37 =	vor.u32 v36, v53;
	v56 =	vand.u32 $0x7F, v55  }
0x237: {  	v15 =	vld.idx.msk [tilespmem:v4+s17+$0x0], $0xffff;
	v3 =	vadd.f32 v3, v5;
	v5 =	vmul.f32 v58, v58;
	v17 =	vsub.f32 v38, v45  }
0x238: {  	v4 =	vld.idx.msk [tilespmem:v4+s4+$0x0], $0xffff;
	v8 =	vor.u32 v36, v56;
	v59 =	vsub.f32 v16, v41;
	v16 =	vadd.s32 s0, v32  }
0x239: {  	v18 =	vmul.f32 v18, v18;
	v16 =	vand.u32 $0x7F, v16;
	v41 =	vmul.f32 v17, v17;
	v17 =	vld.idx.msk [tilespmem:v13+s4+$0x0], $0xffff  }
0x23a: {  	v1 =	vadd.f32 v1, v2;
	v12 =	vsub.f32 v43, v12;
	v16 =	vor.u32 v36, v16;
	v13 =	vld.idx.msk [tilespmem:v13+s17+$0x0], $0xffff  }
0x23b: {  	v62 =	vsub.f32 v39, v46;
	v0 =	vadd.f32 v18, v0;
	v18 =	vld.idx.msk [tilespmem:v37+s17+$0x0], $0xffff  }
0x23c: {  	v5 =	vadd.f32 v5, v6;
	v39 =	vmul.f32 v11, v11;
	v9 =	vsub.f32 v9, v40;
	v60 =	vld.idx.msk [tilespmem:v37+s4+$0x0], $0xffff  }
0x23d: {  	v51 =	vsub.f32 v42, v47;
	v53 =	vsub.f32 v54, v44;
	v12 =	vmul.f32 v12, v12;
	v61 =	vld.idx.msk [tilespmem:v8+s17+$0x0], $0xffff  }
0x23e: {  	v7 =	vsub.f32 v7, v10;
	v14 =	vmul.f32 v59, v59;
	v45 =	vmul.f32 v62, v62;
	v46 =	vld.idx.msk [tilespmem:v8+s4+$0x0], $0xffff  }
0x23f: {  	v5 =	vadd.f32 v39, v5;
	v50 =	vmul.f32 v9, v9;
	v59 =	vsub.f32 v52, v63;
	v54 =	vld.idx.msk [tilespmem:v16+s4+$0x0], $0xffff  }
0x240: {  	v55 =	vmul.f32 v51, v51;
	v4 =	vsub.f32 v4, v15;
	v3 =	vadd.f32 v14, v3;
	v56 =	vld.idx.msk [tilespmem:v16+s17+$0x0], $0xffff  }
0x241: {  	v57 =	vmul.f32 v53, v53;
	v1 =	vadd.f32 v41, v1;
	v13 =	vsub.f32 v17, v13  }
0x242: {  	v7 =	vmul.f32 v7, v7;
	v0 =	vadd.f32 v50, v0;
	v2 =	vsub.f32 v60, v18  }
0x243: {  	v5 =	vadd.f32 v12, v5;
	v6 =	vsub.f32 v46, v61;
	v58 =	vmul.f32 v13, v13  }
0x244: {  	v3 =	vadd.f32 v45, v3;
	v0 =	vadd.f32 v7, v0;
	v2 =	vmul.f32 v2, v2  }
0x245: {  	v6 =	vmul.f32 v6, v6;
	v5 =	vadd.f32 v58, v5;
	v9 =	vsub.f32 v54, v56  }
0x246: {  	v4 =	vmul.f32 v4, v4;
	v3 =	vadd.f32 v55, v3;
	v60 =	vmul.f32 v59, v59  }
0x247: {  	v0 =	vadd.f32 v2, v0;
	v5 =	vadd.f32 v6, v5;
	v61 =	vmul.f32 v9, v9  }
0x248: {  	v1 =	vadd.f32 v57, v1;
	v3 =	vadd.f32 v4, v3  }
0x249: {  	v0 =	vadd.f32 v60, v0;
	v62 =	vadd.f32 v61, v5  }
0x24a: {  	v63 =	vshll.u32 v35, $0x7  }
0x24b: {  	v18 =	vlaneseq.u32;
	v1 =	vadd.f32 v3, v1;
	v0 =	vadd.f32 v0, v62  }
0x24c: {  	s28 =	sadd.s32 $0x1, s28;
	v2 =	vor.u32 v18, v63  }
0x24d: {  	p0 =	sne.s32 s28, $0xA;
	v0 =	vadd.f32 v0, v1  }
.Ltmp7:
0x24e: {  	_ = 	snop;
	(pc) =	sbr.rel @p0 .LBB2_14-.Ltmp7, $3  }
0x24f: {  	v0 =	vmul.f32 v0, v34;
	_ =	sdelay $0x1  }
0x250: {  	[tilespmem:v2+s22+$0x0] =	vst.idx.add.f32.msk $0xffff, v0  }
0x251: {  	[tilespmem:v2+s23+$0x0] =	vst.idx.add.f32.msk $0xffff, v34  }
0x252: {  	[hbm4b:s11+s4] =	stream.linear.scatter [tilespmem:s22], [sflag:$0x5], $0x2000, $0x38;
	[tilespmem:$0x1AC00] =	vst v63  }
0x253: {  	s26 =	sadd.s32 $0x1, s26;
	_ =	swait.ge [sflag:s15], $0x2000  }
0x254: {  	p0 =	sne.s32 s26, s13;
	[sflag:s15] =	ssyncset.done $0x0  }
.Ltmp8:
0x255: {  	[sflag:s15] =	ssyncadd.s32 $0xFFFFE000;
	(pc) =	sbr.rel @p0 .LBB2_1-.Ltmp8, $4  }
0x256: {  	[hbm4b:s12+s4] =	stream.linear.scatter [tilespmem:s23], [sflag:$0x5], $0x2000, $0x38;
	[tilespmem:$0x1AC00] =	vst v63  }
0x257: {  	_ =	swait.ge [sflag:s15], $0x2000  }
0x258: {  	[sflag:s15] =	ssyncset.done $0x0  }
0x259: {  	v0 =	vimm.f32 $0.0e+00;
	[sflag:s15] =	ssyncadd.s32 $0xFFFFE000  }
0x25a: {  	_ =	sfence.sel $0x180000  }
0x25b: {  	[bflag:$0x0] =	sbarrier.arrive $0xFFFF  }
0x25c: {  	_ =	strace $0x90000047  }
0x25d: {  	s0 =	stileid.u32;
	[bflag:$0x2] =	sbarrier.arrive $0xFFFF  }
0x25e: {  	p0 =	sne.s32 s0, $0x0;
	s0 =	rddreg [dreg:$0x4]  }
0x25f: {  	s0 =	sadd.s32 @!p0 $0x100000, s0  }
0x260: {  	[sflag:s0] =	ssyncadd.tile.s32 @!p0 $0x1;
	_ =	shalt  }
.Lfunc_end2:
_tile_overlayer_lowered:
.L_overlay_start_2:
0x261: {  	(tag) =	ssettag $0x2  }
0x262: {  	s0 =	rddreg [dreg:$0x0];
	s2 =	stileid.u32  }
0x263: {  	s1 =	rddreg [dreg:$0x1];
	p0 =	sne.s32 s2, $0x0  }
0x264: {  	s3 =	rddreg [dreg:$0x2];
	[bflag:$0x3] =	sbarrier.arrive $0xFFFF;
	s2 =	simm.s32 @!p0 $0x1C05  }
0x265: {  	[timem:s3], [sflag:s2] =	dma.local @!p0 [hbm:s0], s1  }
0x266: {  	s0 =	simm.s32 @!p0 $0x5  }
0x267: {  	_ =	swait.ge @!p0 [sflag:s0], s1  }
0x268: {  	s1 =	ssub.s32 @!p0 $0x0, s1;
	[sflag:s0] =	ssyncset.done @!p0 $0x0  }
0x269: {  	[sflag:s0] =	ssyncadd.s32 @!p0 s1  }
0x26a: {  	[bflag:$0x3] =	sbarrier.arrive $0xFFFF  }
0x26b: {  	_ =	shalt  }

</sc_bundles>
